<compile_context>
chip_gen: v7x
topology: tpu7x:2x2x1
jax: 0.10.2.dev20260603
libtpu: 0.0.44.dev20260713+nightly
codegen_flags: <defaults>
</compile_context>

<pallas_src>
import functools

import jax
import jax.numpy as jnp
from jax import lax
from jax.experimental import pallas as pl
from jax.experimental.pallas import tpu as pltpu
from jax.experimental.pallas import tpu_sc as plsc

_B, _D, _V = 8, 64, 1_000_000

_TILE = 32768
_NW = 32
_CHUNK = 512
_V_SC = 262144
_CPW = _V_SC // _NW
_GRP = 4

_TC_BLK0 = _V_SC // _TILE


def _tc_body(state_ref, w_ref, out_ref):
    out_ref[...] = lax.dot_general(
        state_ref[...],
        w_ref[...],
        (((1,), (0,)), ((), ())),
        preferred_element_type=jnp.float32,
    )


def _tc_matmul(state, W):
    grid = (pl.cdiv(_V - _V_SC, _TILE),)
    return pl.pallas_call(
        _tc_body,
        grid=grid,
        in_specs=[
            pl.BlockSpec((_B, _D), lambda i: (0, 0)),
            pl.BlockSpec((_D, _TILE), lambda i: (0, i + _TC_BLK0)),
        ],
        out_specs=pl.BlockSpec((_B, _TILE), lambda i: (0, i + _TC_BLK0)),
        out_shape=jax.ShapeDtypeStruct((_B, _V), jnp.float32),
        compiler_params=pltpu.CompilerParams(
            dimension_semantics=("arbitrary",),
        ),
    )(state, W)


@functools.partial(
    pl.kernel,
    out_type=jax.ShapeDtypeStruct((_B, _V_SC), jnp.float32),
    mesh=plsc.VectorSubcoreMesh(core_axis_name="c", subcore_axis_name="s"),
    scratch_types=[
        pltpu.VMEM((_B, _D), jnp.float32),
        pltpu.VMEM((_D, _CHUNK), jnp.float32),
        pltpu.VMEM((_B, _CHUNK), jnp.float32),
    ],
)
def _sc_matmul(state_hbm, w_hbm, out_hbm, state_v, wbuf, obuf):
    nc = 2
    wid = lax.axis_index("s") * nc + lax.axis_index("c")
    base = wid * _CPW
    pltpu.sync_copy(state_hbm, state_v)

    def chunk_body(ci, carry):
        off = base + ci * _CHUNK
        pltpu.sync_copy(w_hbm.at[:, pl.ds(off, _CHUNK)], wbuf)

        def blk_body(bi, inner):
            c0 = bi * (16 * _GRP)
            zero = jnp.zeros((16,), jnp.float32)
            accs0 = [[zero for _ in range(_GRP)] for _ in range(_B)]

            def k_step(j, accs):
                svs = [state_v[b, pl.ds(j * 16, 16)] for b in range(_B)]
                for u in range(16):
                    k = j * 16 + u
                    wv = [wbuf[k, pl.ds(c0 + g * 16, 16)] for g in range(_GRP)]
                    for b in range(_B):
                        s = svs[b][u]
                        for g in range(_GRP):
                            accs[b][g] = accs[b][g] + s * wv[g]
                return accs

            accs = lax.fori_loop(0, _D // 16, k_step, accs0)
            for b in range(_B):
                for g in range(_GRP):
                    obuf[b, pl.ds(c0 + g * 16, 16)] = accs[b][g]
            return inner

        lax.fori_loop(0, _CHUNK // (16 * _GRP), blk_body, 0)
        pltpu.sync_copy(obuf, out_hbm.at[:, pl.ds(off, _CHUNK)])
        return carry

    lax.fori_loop(0, _CPW // _CHUNK, chunk_body, 0)


@jax.jit
def kernel(state, W):
    tc_out = _tc_matmul(state, W)
    sc_out = _sc_matmul(state, W)
    return lax.dynamic_update_slice(tc_out, sc_out, (0, 0))

# --- scband reference (transcript-rebuilt; emitter-appended) ---
"""Pipeline reference for scband-agent-12240656793775 (READ-ONLY COPY).

The authoritative reference and input builder live on the scoring server;
editing this copy changes nothing except your own understanding.
"""

import jax, jax.numpy as jnp
import numpy as np

# Agent.forward(state) simply applies the wrapped agent_model to the state and
# returns logits. We instantiate agent_model as a bias-free Linear(64 -> 1000000)
# (a large-vocab policy head), so forward is logits = state @ W.

BATCH = 8
D_IN = 64
VOCAB = 1000000


def setup_inputs(seed: int = 0) -> dict:
    key = jax.random.key(seed)
    k_state, k_w = jax.random.split(key)
    state = jax.random.normal(k_state, (BATCH, D_IN), dtype=jnp.float32)
    # Learned parameter of the wrapped agent_model (Linear, no bias).
    W = jax.random.normal(k_w, (D_IN, VOCAB), dtype=jnp.float32) * 0.02
    return {"state": state, "W": W}


def reference(state, W):
    # Agent.forward: logits = self.model(state)
    logits = state @ W
    return logits

if __name__ == "__main__":
    import jax
    _d = setup_inputs()
    print(jax.jit(kernel)(*tuple(_d.values())))

</pallas_src>

<mosaic_0001>
#map = affine_map<(d0, d1) -> (0, 0)>
module attributes {stable_mosaic.version = 14 : i64} {
  func.func @_sc_matmul(%arg0: i32, %arg1: i32, %arg2: memref<8x64xf32, #tpu.memory_space<hbm>>, %arg3: memref<64x1000000xf32, #tpu.memory_space<hbm>>, %arg4: memref<8x262144xf32, #tpu.memory_space<hbm>>, %arg5: memref<8x64xf32, #tpu.memory_space<vmem>>, %arg6: memref<64x512xf32, #tpu.memory_space<vmem>>, %arg7: memref<8x512xf32, #tpu.memory_space<vmem>>) attributes {dimension_semantics = [#tpu.dimension_semantics<core_parallel>, #tpu.dimension_semantics<subcore_parallel>], iteration_bounds = array<i64: 2, 16>, scalar_prefetch = 0 : i64, scratch_operands = 3 : i64, tpu.core_type = #tpu.core_type<sc_vector_subcore>, window_params = [{transform_indices = #map}, {transform_indices = #map}, {transform_indices = #map}]} {
    %mul3A = arith.constant 2 : i32
    %mul3A_0 = arith.muli %arg1, %mul3A : i32
    %add3A = arith.addi %mul3A_0, %arg0 : i32
    %mul3A_1 = arith.constant 8192 : i32
    %mul3A_2 = arith.muli %add3A, %mul3A_1 : i32
    "tpu.region"() ({
      %run_scoped3A = tpu.sem_alloc : memref<!tpu.dma_semaphore, #tpu.memory_space<semaphore_mem>>
      tpu.enqueue_dma source(%arg2 : memref<8x64xf32, #tpu.memory_space<hbm>>) target(%arg5 : memref<8x64xf32, #tpu.memory_space<vmem>>) target_semaphore(%run_scoped3A : memref<!tpu.dma_semaphore, #tpu.memory_space<semaphore_mem>>)
      tpu.wait_dma2 semaphore(%run_scoped3A : memref<!tpu.dma_semaphore, #tpu.memory_space<semaphore_mem>>) src(%arg2 : memref<8x64xf32, #tpu.memory_space<hbm>>) dst(%arg5 : memref<8x64xf32, #tpu.memory_space<vmem>>)
      tpu.yield
    }) : () -> ()
    %scan3A = arith.constant 0 : i32
    %scan3A_3 = arith.constant 0 : i32
    %scan3A_4 = arith.constant 16 : i32
    %scan3A_5 = arith.addi %scan3A_3, %scan3A_4 : i32
    %scan3A_6 = arith.constant 1 : i32
    scf.for %scan3A_8 = %scan3A_3 to %scan3A_5 step %scan3A_6  : i32 {
      %mul3A_9 = arith.constant 512 : i32
      %mul3A_10 = arith.muli %scan3A_8, %mul3A_9 : i32
      %add3A_11 = arith.addi %mul3A_2, %mul3A_10 : i32
      "tpu.region"() ({
        %run_scoped3A = tpu.sem_alloc : memref<!tpu.dma_semaphore, #tpu.memory_space<semaphore_mem>>
        %dma_start3A = arith.constant 0 : i32
        %dma_start3A_18 = tpu.memref_slice %arg3[%dma_start3A, %add3A_11] : memref<64x1000000xf32, #tpu.memory_space<hbm>> -> memref<64x512xf32, #tpu.memory_space<hbm>>
        %dma_start3A_19 = arith.constant 0 : i32
        %dma_start3A_20 = tpu.memref_slice %arg3[%dma_start3A_19, %add3A_11] : memref<64x1000000xf32, #tpu.memory_space<hbm>> -> memref<64x512xf32, #tpu.memory_space<hbm>>
        tpu.enqueue_dma source(%dma_start3A_20 : memref<64x512xf32, #tpu.memory_space<hbm>>) target(%arg6 : memref<64x512xf32, #tpu.memory_space<vmem>>) target_semaphore(%run_scoped3A : memref<!tpu.dma_semaphore, #tpu.memory_space<semaphore_mem>>)
        %dma_wait3A = arith.constant 0 : i32
        %dma_wait3A_21 = tpu.memref_slice %arg3[%dma_wait3A, %add3A_11] : memref<64x1000000xf32, #tpu.memory_space<hbm>> -> memref<64x512xf32, #tpu.memory_space<hbm>>
        %dma_wait3A_22 = arith.constant 0 : i32
        %dma_wait3A_23 = tpu.memref_slice %arg3[%dma_wait3A_22, %add3A_11] : memref<64x1000000xf32, #tpu.memory_space<hbm>> -> memref<64x512xf32, #tpu.memory_space<hbm>>
        tpu.wait_dma2 semaphore(%run_scoped3A : memref<!tpu.dma_semaphore, #tpu.memory_space<semaphore_mem>>) src(%dma_wait3A_23 : memref<64x512xf32, #tpu.memory_space<hbm>>) dst(%arg6 : memref<64x512xf32, #tpu.memory_space<vmem>>)
        tpu.yield
      }) : () -> ()
      %scan3A_12 = arith.constant 0 : i32
      %scan3A_13 = arith.constant 0 : i32
      %scan3A_14 = arith.constant 8 : i32
      %scan3A_15 = arith.addi %scan3A_13, %scan3A_14 : i32
      %scan3A_16 = arith.constant 1 : i32
      scf.for %scan3A_18 = %scan3A_13 to %scan3A_15 step %scan3A_16  : i32 {
        %mul3A_19 = arith.constant 64 : i32
        %mul3A_20 = arith.muli %scan3A_18, %mul3A_19 : i32
        %broadcast_in_dim3A = arith.constant 0.000000e+00 : f32
        %broadcast_in_dim3A_21 = vector.broadcast %broadcast_in_dim3A : f32 to vector<16xf32>
        %scan3A_22 = arith.constant 0 : i32
        %scan3A_23 = arith.constant 4 : i32
        %scan3A_24 = arith.addi %scan3A_22, %scan3A_23 : i32
        %scan3A_25 = arith.constant 1 : i32
        %scan3A_26:32 = scf.for %scan3A_283 = %scan3A_22 to %scan3A_24 step %scan3A_25 iter_args(%scan3A_284 = %broadcast_in_dim3A_21, %scan3A_285 = %broadcast_in_dim3A_21, %scan3A_286 = %broadcast_in_dim3A_21, %scan3A_287 = %broadcast_in_dim3A_21, %scan3A_288 = %broadcast_in_dim3A_21, %scan3A_289 = %broadcast_in_dim3A_21, %scan3A_290 = %broadcast_in_dim3A_21, %scan3A_291 = %broadcast_in_dim3A_21, %scan3A_292 = %broadcast_in_dim3A_21, %scan3A_293 = %broadcast_in_dim3A_21, %scan3A_294 = %broadcast_in_dim3A_21, %scan3A_295 = %broadcast_in_dim3A_21, %scan3A_296 = %broadcast_in_dim3A_21, %scan3A_297 = %broadcast_in_dim3A_21, %scan3A_298 = %broadcast_in_dim3A_21, %scan3A_299 = %broadcast_in_dim3A_21, %scan3A_300 = %broadcast_in_dim3A_21, %scan3A_301 = %broadcast_in_dim3A_21, %scan3A_302 = %broadcast_in_dim3A_21, %scan3A_303 = %broadcast_in_dim3A_21, %scan3A_304 = %broadcast_in_dim3A_21, %scan3A_305 = %broadcast_in_dim3A_21, %scan3A_306 = %broadcast_in_dim3A_21, %scan3A_307 = %broadcast_in_dim3A_21, %scan3A_308 = %broadcast_in_dim3A_21, %scan3A_309 = %broadcast_in_dim3A_21, %scan3A_310 = %broadcast_in_dim3A_21, %scan3A_311 = %broadcast_in_dim3A_21, %scan3A_312 = %broadcast_in_dim3A_21, %scan3A_313 = %broadcast_in_dim3A_21, %scan3A_314 = %broadcast_in_dim3A_21, %scan3A_315 = %broadcast_in_dim3A_21) -> (vector<16xf32>, vector<16xf32>, vector<16xf32>, vector<16xf32>, vector<16xf32>, vector<16xf32>, vector<16xf32>, vector<16xf32>, vector<16xf32>, vector<16xf32>, vector<16xf32>, vector<16xf32>, vector<16xf32>, vector<16xf32>, vector<16xf32>, vector<16xf32>, vector<16xf32>, vector<16xf32>, vector<16xf32>, vector<16xf32>, vector<16xf32>, vector<16xf32>, vector<16xf32>, vector<16xf32>, vector<16xf32>, vector<16xf32>, vector<16xf32>, vector<16xf32>, vector<16xf32>, vector<16xf32>, vector<16xf32>, vector<16xf32>)  : i32 {
          %mul3A_316 = arith.constant 16 : i32
          %mul3A_317 = arith.muli %scan3A_283, %mul3A_316 : i32
          %get3A = arith.constant 0 : i32
          %get3A_318 = arith.index_cast %get3A : i32 to index
          %get3A_319 = arith.index_cast %mul3A_317 : i32 to index
          %get3A_320 = tpu.vector_load %arg5[%get3A_318, %get3A_319] {strides = array<i32>} : memref<8x64xf32, #tpu.memory_space<vmem>>, vector<1x16xf32>,
          %get3A_321 = vector.shape_cast %get3A_320 : vector<1x16xf32> to vector<16xf32>
          %mul3A_322 = arith.constant 16 : i32
          %mul3A_323 = arith.muli %scan3A_283, %mul3A_322 : i32
          %get3A_324 = arith.constant 1 : i32
          %get3A_325 = arith.index_cast %get3A_324 : i32 to index
          %get3A_326 = arith.index_cast %mul3A_323 : i32 to index
          %get3A_327 = tpu.vector_load %arg5[%get3A_325, %get3A_326] {strides = array<i32>} : memref<8x64xf32, #tpu.memory_space<vmem>>, vector<1x16xf32>,
          %get3A_328 = vector.shape_cast %get3A_327 : vector<1x16xf32> to vector<16xf32>
          %mul3A_329 = arith.constant 16 : i32
          %mul3A_330 = arith.muli %scan3A_283, %mul3A_329 : i32
          %get3A_331 = arith.constant 2 : i32
          %get3A_332 = arith.index_cast %get3A_331 : i32 to index
          %get3A_333 = arith.index_cast %mul3A_330 : i32 to index
          %get3A_334 = tpu.vector_load %arg5[%get3A_332, %get3A_333] {strides = array<i32>} : memref<8x64xf32, #tpu.memory_space<vmem>>, vector<1x16xf32>,
          %get3A_335 = vector.shape_cast %get3A_334 : vector<1x16xf32> to vector<16xf32>
          %mul3A_336 = arith.constant 16 : i32
          %mul3A_337 = arith.muli %scan3A_283, %mul3A_336 : i32
          %get3A_338 = arith.constant 3 : i32
          %get3A_339 = arith.index_cast %get3A_338 : i32 to index
          %get3A_340 = arith.index_cast %mul3A_337 : i32 to index
          %get3A_341 = tpu.vector_load %arg5[%get3A_339, %get3A_340] {strides = array<i32>} : memref<8x64xf32, #tpu.memory_space<vmem>>, vector<1x16xf32>,
          %get3A_342 = vector.shape_cast %get3A_341 : vector<1x16xf32> to vector<16xf32>
          %mul3A_343 = arith.constant 16 : i32
          %mul3A_344 = arith.muli %scan3A_283, %mul3A_343 : i32
          %get3A_345 = arith.constant 4 : i32
          %get3A_346 = arith.index_cast %get3A_345 : i32 to index
          %get3A_347 = arith.index_cast %mul3A_344 : i32 to index
          %get3A_348 = tpu.vector_load %arg5[%get3A_346, %get3A_347] {strides = array<i32>} : memref<8x64xf32, #tpu.memory_space<vmem>>, vector<1x16xf32>,
          %get3A_349 = vector.shape_cast %get3A_348 : vector<1x16xf32> to vector<16xf32>
          %mul3A_350 = arith.constant 16 : i32
          %mul3A_351 = arith.muli %scan3A_283, %mul3A_350 : i32
          %get3A_352 = arith.constant 5 : i32
          %get3A_353 = arith.index_cast %get3A_352 : i32 to index
          %get3A_354 = arith.index_cast %mul3A_351 : i32 to index
          %get3A_355 = tpu.vector_load %arg5[%get3A_353, %get3A_354] {strides = array<i32>} : memref<8x64xf32, #tpu.memory_space<vmem>>, vector<1x16xf32>,
          %get3A_356 = vector.shape_cast %get3A_355 : vector<1x16xf32> to vector<16xf32>
          %mul3A_357 = arith.constant 16 : i32
          %mul3A_358 = arith.muli %scan3A_283, %mul3A_357 : i32
          %get3A_359 = arith.constant 6 : i32
          %get3A_360 = arith.index_cast %get3A_359 : i32 to index
          %get3A_361 = arith.index_cast %mul3A_358 : i32 to index
          %get3A_362 = tpu.vector_load %arg5[%get3A_360, %get3A_361] {strides = array<i32>} : memref<8x64xf32, #tpu.memory_space<vmem>>, vector<1x16xf32>,
          %get3A_363 = vector.shape_cast %get3A_362 : vector<1x16xf32> to vector<16xf32>
          %mul3A_364 = arith.constant 16 : i32
          %mul3A_365 = arith.muli %scan3A_283, %mul3A_364 : i32
          %get3A_366 = arith.constant 7 : i32
          %get3A_367 = arith.index_cast %get3A_366 : i32 to index
          %get3A_368 = arith.index_cast %mul3A_365 : i32 to index
          %get3A_369 = tpu.vector_load %arg5[%get3A_367, %get3A_368] {strides = array<i32>} : memref<8x64xf32, #tpu.memory_space<vmem>>, vector<1x16xf32>,
          %get3A_370 = vector.shape_cast %get3A_369 : vector<1x16xf32> to vector<16xf32>
          %mul3A_371 = arith.constant 16 : i32
          %mul3A_372 = arith.muli %scan3A_283, %mul3A_371 : i32
          %add3A_373 = arith.constant 0 : i32
          %add3A_374 = arith.addi %mul3A_372, %add3A_373 : i32
          %add3A_375 = arith.constant 0 : i32
          %add3A_376 = arith.addi %mul3A_20, %add3A_375 : i32
          %get3A_377 = arith.index_cast %add3A_374 : i32 to index
          %get3A_378 = arith.index_cast %add3A_376 : i32 to index
          %get3A_379 = tpu.vector_load %arg6[%get3A_377, %get3A_378] {strides = array<i32>} : memref<64x512xf32, #tpu.memory_space<vmem>>, vector<1x16xf32>,
          %get3A_380 = vector.shape_cast %get3A_379 : vector<1x16xf32> to vector<16xf32>
          %add3A_381 = arith.constant 16 : i32
          %add3A_382 = arith.addi %mul3A_20, %add3A_381 : i32
          %get3A_383 = arith.index_cast %add3A_374 : i32 to index
          %get3A_384 = arith.index_cast %add3A_382 : i32 to index
          %get3A_385 = tpu.vector_load %arg6[%get3A_383, %get3A_384] {strides = array<i32>} : memref<64x512xf32, #tpu.memory_space<vmem>>, vector<1x16xf32>,
          %get3A_386 = vector.shape_cast %get3A_385 : vector<1x16xf32> to vector<16xf32>
          %add3A_387 = arith.constant 32 : i32
          %add3A_388 = arith.addi %mul3A_20, %add3A_387 : i32
          %get3A_389 = arith.index_cast %add3A_374 : i32 to index
          %get3A_390 = arith.index_cast %add3A_388 : i32 to index
          %get3A_391 = tpu.vector_load %arg6[%get3A_389, %get3A_390] {strides = array<i32>} : memref<64x512xf32, #tpu.memory_space<vmem>>, vector<1x16xf32>,
          %get3A_392 = vector.shape_cast %get3A_391 : vector<1x16xf32> to vector<16xf32>
          %add3A_393 = arith.constant 48 : i32
          %add3A_394 = arith.addi %mul3A_20, %add3A_393 : i32
          %get3A_395 = arith.index_cast %add3A_374 : i32 to index
          %get3A_396 = arith.index_cast %add3A_394 : i32 to index
          %get3A_397 = tpu.vector_load %arg6[%get3A_395, %get3A_396] {strides = array<i32>} : memref<64x512xf32, #tpu.memory_space<vmem>>, vector<1x16xf32>,
          %get3A_398 = vector.shape_cast %get3A_397 : vector<1x16xf32> to vector<16xf32>
          %slice3A = vector.extract_strided_slice %get3A_321 {offsets = [0], sizes = [1], strides = [1]} : vector<16xf32> to vector<1xf32>
          %squeeze3A = vector.extract %slice3A[0] : f32 from vector<1xf32>
          %mul3A_399 = vector.broadcast %squeeze3A : f32 to vector<16xf32>
          %mul3A_400 = arith.mulf %mul3A_399, %get3A_380 : vector<16xf32>
          %add3A_401 = arith.addf %scan3A_284, %mul3A_400 : vector<16xf32>
          %mul3A_402 = vector.broadcast %squeeze3A : f32 to vector<16xf32>
          %mul3A_403 = arith.mulf %mul3A_402, %get3A_386 : vector<16xf32>
          %add3A_404 = arith.addf %scan3A_285, %mul3A_403 : vector<16xf32>
          %mul3A_405 = vector.broadcast %squeeze3A : f32 to vector<16xf32>
          %mul3A_406 = arith.mulf %mul3A_405, %get3A_392 : vector<16xf32>
          %add3A_407 = arith.addf %scan3A_286, %mul3A_406 : vector<16xf32>
          %mul3A_408 = vector.broadcast %squeeze3A : f32 to vector<16xf32>
          %mul3A_409 = arith.mulf %mul3A_408, %get3A_398 : vector<16xf32>
          %add3A_410 = arith.addf %scan3A_287, %mul3A_409 : vector<16xf32>
          %slice3A_411 = vector.extract_strided_slice %get3A_328 {offsets = [0], sizes = [1], strides = [1]} : vector<16xf32> to vector<1xf32>
          %squeeze3A_412 = vector.extract %slice3A_411[0] : f32 from vector<1xf32>
          %mul3A_413 = vector.broadcast %squeeze3A_412 : f32 to vector<16xf32>
          %mul3A_414 = arith.mulf %mul3A_413, %get3A_380 : vector<16xf32>
          %add3A_415 = arith.addf %scan3A_288, %mul3A_414 : vector<16xf32>
          %mul3A_416 = vector.broadcast %squeeze3A_412 : f32 to vector<16xf32>
          %mul3A_417 = arith.mulf %mul3A_416, %get3A_386 : vector<16xf32>
          %add3A_418 = arith.addf %scan3A_289, %mul3A_417 : vector<16xf32>
          %mul3A_419 = vector.broadcast %squeeze3A_412 : f32 to vector<16xf32>
          %mul3A_420 = arith.mulf %mul3A_419, %get3A_392 : vector<16xf32>
          %add3A_421 = arith.addf %scan3A_290, %mul3A_420 : vector<16xf32>
          %mul3A_422 = vector.broadcast %squeeze3A_412 : f32 to vector<16xf32>
          %mul3A_423 = arith.mulf %mul3A_422, %get3A_398 : vector<16xf32>
          %add3A_424 = arith.addf %scan3A_291, %mul3A_423 : vector<16xf32>
          %slice3A_425 = vector.extract_strided_slice %get3A_335 {offsets = [0], sizes = [1], strides = [1]} : vector<16xf32> to vector<1xf32>
          %squeeze3A_426 = vector.extract %slice3A_425[0] : f32 from vector<1xf32>
          %mul3A_427 = vector.broadcast %squeeze3A_426 : f32 to vector<16xf32>
          %mul3A_428 = arith.mulf %mul3A_427, %get3A_380 : vector<16xf32>
          %add3A_429 = arith.addf %scan3A_292, %mul3A_428 : vector<16xf32>
          %mul3A_430 = vector.broadcast %squeeze3A_426 : f32 to vector<16xf32>
          %mul3A_431 = arith.mulf %mul3A_430, %get3A_386 : vector<16xf32>
          %add3A_432 = arith.addf %scan3A_293, %mul3A_431 : vector<16xf32>
          %mul3A_433 = vector.broadcast %squeeze3A_426 : f32 to vector<16xf32>
          %mul3A_434 = arith.mulf %mul3A_433, %get3A_392 : vector<16xf32>
          %add3A_435 = arith.addf %scan3A_294, %mul3A_434 : vector<16xf32>
          %mul3A_436 = vector.broadcast %squeeze3A_426 : f32 to vector<16xf32>
          %mul3A_437 = arith.mulf %mul3A_436, %get3A_398 : vector<16xf32>
          %add3A_438 = arith.addf %scan3A_295, %mul3A_437 : vector<16xf32>
          %slice3A_439 = vector.extract_strided_slice %get3A_342 {offsets = [0], sizes = [1], strides = [1]} : vector<16xf32> to vector<1xf32>
          %squeeze3A_440 = vector.extract %slice3A_439[0] : f32 from vector<1xf32>
          %mul3A_441 = vector.broadcast %squeeze3A_440 : f32 to vector<16xf32>
          %mul3A_442 = arith.mulf %mul3A_441, %get3A_380 : vector<16xf32>
          %add3A_443 = arith.addf %scan3A_296, %mul3A_442 : vector<16xf32>
          %mul3A_444 = vector.broadcast %squeeze3A_440 : f32 to vector<16xf32>
          %mul3A_445 = arith.mulf %mul3A_444, %get3A_386 : vector<16xf32>
          %add3A_446 = arith.addf %scan3A_297, %mul3A_445 : vector<16xf32>
          %mul3A_447 = vector.broadcast %squeeze3A_440 : f32 to vector<16xf32>
          %mul3A_448 = arith.mulf %mul3A_447, %get3A_392 : vector<16xf32>
          %add3A_449 = arith.addf %scan3A_298, %mul3A_448 : vector<16xf32>
          %mul3A_450 = vector.broadcast %squeeze3A_440 : f32 to vector<16xf32>
          %mul3A_451 = arith.mulf %mul3A_450, %get3A_398 : vector<16xf32>
          %add3A_452 = arith.addf %scan3A_299, %mul3A_451 : vector<16xf32>
          %slice3A_453 = vector.extract_strided_slice %get3A_349 {offsets = [0], sizes = [1], strides = [1]} : vector<16xf32> to vector<1xf32>
          %squeeze3A_454 = vector.extract %slice3A_453[0] : f32 from vector<1xf32>
          %mul3A_455 = vector.broadcast %squeeze3A_454 : f32 to vector<16xf32>
          %mul3A_456 = arith.mulf %mul3A_455, %get3A_380 : vector<16xf32>
          %add3A_457 = arith.addf %scan3A_300, %mul3A_456 : vector<16xf32>
          %mul3A_458 = vector.broadcast %squeeze3A_454 : f32 to vector<16xf32>
          %mul3A_459 = arith.mulf %mul3A_458, %get3A_386 : vector<16xf32>
          %add3A_460 = arith.addf %scan3A_301, %mul3A_459 : vector<16xf32>
          %mul3A_461 = vector.broadcast %squeeze3A_454 : f32 to vector<16xf32>
          %mul3A_462 = arith.mulf %mul3A_461, %get3A_392 : vector<16xf32>
          %add3A_463 = arith.addf %scan3A_302, %mul3A_462 : vector<16xf32>
          %mul3A_464 = vector.broadcast %squeeze3A_454 : f32 to vector<16xf32>
          %mul3A_465 = arith.mulf %mul3A_464, %get3A_398 : vector<16xf32>
          %add3A_466 = arith.addf %scan3A_303, %mul3A_465 : vector<16xf32>
          %slice3A_467 = vector.extract_strided_slice %get3A_356 {offsets = [0], sizes = [1], strides = [1]} : vector<16xf32> to vector<1xf32>
          %squeeze3A_468 = vector.extract %slice3A_467[0] : f32 from vector<1xf32>
          %mul3A_469 = vector.broadcast %squeeze3A_468 : f32 to vector<16xf32>
          %mul3A_470 = arith.mulf %mul3A_469, %get3A_380 : vector<16xf32>
          %add3A_471 = arith.addf %scan3A_304, %mul3A_470 : vector<16xf32>
          %mul3A_472 = vector.broadcast %squeeze3A_468 : f32 to vector<16xf32>
          %mul3A_473 = arith.mulf %mul3A_472, %get3A_386 : vector<16xf32>
          %add3A_474 = arith.addf %scan3A_305, %mul3A_473 : vector<16xf32>
          %mul3A_475 = vector.broadcast %squeeze3A_468 : f32 to vector<16xf32>
          %mul3A_476 = arith.mulf %mul3A_475, %get3A_392 : vector<16xf32>
          %add3A_477 = arith.addf %scan3A_306, %mul3A_476 : vector<16xf32>
          %mul3A_478 = vector.broadcast %squeeze3A_468 : f32 to vector<16xf32>
          %mul3A_479 = arith.mulf %mul3A_478, %get3A_398 : vector<16xf32>
          %add3A_480 = arith.addf %scan3A_307, %mul3A_479 : vector<16xf32>
          %slice3A_481 = vector.extract_strided_slice %get3A_363 {offsets = [0], sizes = [1], strides = [1]} : vector<16xf32> to vector<1xf32>
          %squeeze3A_482 = vector.extract %slice3A_481[0] : f32 from vector<1xf32>
          %mul3A_483 = vector.broadcast %squeeze3A_482 : f32 to vector<16xf32>
          %mul3A_484 = arith.mulf %mul3A_483, %get3A_380 : vector<16xf32>
          %add3A_485 = arith.addf %scan3A_308, %mul3A_484 : vector<16xf32>
          %mul3A_486 = vector.broadcast %squeeze3A_482 : f32 to vector<16xf32>
          %mul3A_487 = arith.mulf %mul3A_486, %get3A_386 : vector<16xf32>
          %add3A_488 = arith.addf %scan3A_309, %mul3A_487 : vector<16xf32>
          %mul3A_489 = vector.broadcast %squeeze3A_482 : f32 to vector<16xf32>
          %mul3A_490 = arith.mulf %mul3A_489, %get3A_392 : vector<16xf32>
          %add3A_491 = arith.addf %scan3A_310, %mul3A_490 : vector<16xf32>
          %mul3A_492 = vector.broadcast %squeeze3A_482 : f32 to vector<16xf32>
          %mul3A_493 = arith.mulf %mul3A_492, %get3A_398 : vector<16xf32>
          %add3A_494 = arith.addf %scan3A_311, %mul3A_493 : vector<16xf32>
          %slice3A_495 = vector.extract_strided_slice %get3A_370 {offsets = [0], sizes = [1], strides = [1]} : vector<16xf32> to vector<1xf32>
          %squeeze3A_496 = vector.extract %slice3A_495[0] : f32 from vector<1xf32>
          %mul3A_497 = vector.broadcast %squeeze3A_496 : f32 to vector<16xf32>
          %mul3A_498 = arith.mulf %mul3A_497, %get3A_380 : vector<16xf32>
          %add3A_499 = arith.addf %scan3A_312, %mul3A_498 : vector<16xf32>
          %mul3A_500 = vector.broadcast %squeeze3A_496 : f32 to vector<16xf32>
          %mul3A_501 = arith.mulf %mul3A_500, %get3A_386 : vector<16xf32>
          %add3A_502 = arith.addf %scan3A_313, %mul3A_501 : vector<16xf32>
          %mul3A_503 = vector.broadcast %squeeze3A_496 : f32 to vector<16xf32>
          %mul3A_504 = arith.mulf %mul3A_503, %get3A_392 : vector<16xf32>
          %add3A_505 = arith.addf %scan3A_314, %mul3A_504 : vector<16xf32>
          %mul3A_506 = vector.broadcast %squeeze3A_496 : f32 to vector<16xf32>
          %mul3A_507 = arith.mulf %mul3A_506, %get3A_398 : vector<16xf32>
          %add3A_508 = arith.addf %scan3A_315, %mul3A_507 : vector<16xf32>
          %mul3A_509 = arith.constant 16 : i32
          %mul3A_510 = arith.muli %scan3A_283, %mul3A_509 : i32
          %add3A_511 = arith.constant 1 : i32
          %add3A_512 = arith.addi %mul3A_510, %add3A_511 : i32
          %add3A_513 = arith.constant 0 : i32
          %add3A_514 = arith.addi %mul3A_20, %add3A_513 : i32
          %get3A_515 = arith.index_cast %add3A_512 : i32 to index
          %get3A_516 = arith.index_cast %add3A_514 : i32 to index
          %get3A_517 = tpu.vector_load %arg6[%get3A_515, %get3A_516] {strides = array<i32>} : memref<64x512xf32, #tpu.memory_space<vmem>>, vector<1x16xf32>,
          %get3A_518 = vector.shape_cast %get3A_517 : vector<1x16xf32> to vector<16xf32>
          %add3A_519 = arith.constant 16 : i32
          %add3A_520 = arith.addi %mul3A_20, %add3A_519 : i32
          %get3A_521 = arith.index_cast %add3A_512 : i32 to index
          %get3A_522 = arith.index_cast %add3A_520 : i32 to index
          %get3A_523 = tpu.vector_load %arg6[%get3A_521, %get3A_522] {strides = array<i32>} : memref<64x512xf32, #tpu.memory_space<vmem>>, vector<1x16xf32>,
          %get3A_524 = vector.shape_cast %get3A_523 : vector<1x16xf32> to vector<16xf32>
          %add3A_525 = arith.constant 32 : i32
          %add3A_526 = arith.addi %mul3A_20, %add3A_525 : i32
          %get3A_527 = arith.index_cast %add3A_512 : i32 to index
          %get3A_528 = arith.index_cast %add3A_526 : i32 to index
          %get3A_529 = tpu.vector_load %arg6[%get3A_527, %get3A_528] {strides = array<i32>} : memref<64x512xf32, #tpu.memory_space<vmem>>, vector<1x16xf32>,
          %get3A_530 = vector.shape_cast %get3A_529 : vector<1x16xf32> to vector<16xf32>
          %add3A_531 = arith.constant 48 : i32
          %add3A_532 = arith.addi %mul3A_20, %add3A_531 : i32
          %get3A_533 = arith.index_cast %add3A_512 : i32 to index
          %get3A_534 = arith.index_cast %add3A_532 : i32 to index
          %get3A_535 = tpu.vector_load %arg6[%get3A_533, %get3A_534] {strides = array<i32>} : memref<64x512xf32, #tpu.memory_space<vmem>>, vector<1x16xf32>,
          %get3A_536 = vector.shape_cast %get3A_535 : vector<1x16xf32> to vector<16xf32>
          %slice3A_537 = vector.extract_strided_slice %get3A_321 {offsets = [1], sizes = [1], strides = [1]} : vector<16xf32> to vector<1xf32>
          %squeeze3A_538 = vector.extract %slice3A_537[0] : f32 from vector<1xf32>
          %mul3A_539 = vector.broadcast %squeeze3A_538 : f32 to vector<16xf32>
          %mul3A_540 = arith.mulf %mul3A_539, %get3A_518 : vector<16xf32>
          %add3A_541 = arith.addf %add3A_401, %mul3A_540 : vector<16xf32>
          %mul3A_542 = vector.broadcast %squeeze3A_538 : f32 to vector<16xf32>
          %mul3A_543 = arith.mulf %mul3A_542, %get3A_524 : vector<16xf32>
          %add3A_544 = arith.addf %add3A_404, %mul3A_543 : vector<16xf32>
          %mul3A_545 = vector.broadcast %squeeze3A_538 : f32 to vector<16xf32>
          %mul3A_546 = arith.mulf %mul3A_545, %get3A_530 : vector<16xf32>
          %add3A_547 = arith.addf %add3A_407, %mul3A_546 : vector<16xf32>
          %mul3A_548 = vector.broadcast %squeeze3A_538 : f32 to vector<16xf32>
          %mul3A_549 = arith.mulf %mul3A_548, %get3A_536 : vector<16xf32>
          %add3A_550 = arith.addf %add3A_410, %mul3A_549 : vector<16xf32>
          %slice3A_551 = vector.extract_strided_slice %get3A_328 {offsets = [1], sizes = [1], strides = [1]} : vector<16xf32> to vector<1xf32>
          %squeeze3A_552 = vector.extract %slice3A_551[0] : f32 from vector<1xf32>
          %mul3A_553 = vector.broadcast %squeeze3A_552 : f32 to vector<16xf32>
          %mul3A_554 = arith.mulf %mul3A_553, %get3A_518 : vector<16xf32>
          %add3A_555 = arith.addf %add3A_415, %mul3A_554 : vector<16xf32>
          %mul3A_556 = vector.broadcast %squeeze3A_552 : f32 to vector<16xf32>
          %mul3A_557 = arith.mulf %mul3A_556, %get3A_524 : vector<16xf32>
          %add3A_558 = arith.addf %add3A_418, %mul3A_557 : vector<16xf32>
          %mul3A_559 = vector.broadcast %squeeze3A_552 : f32 to vector<16xf32>
          %mul3A_560 = arith.mulf %mul3A_559, %get3A_530 : vector<16xf32>
          %add3A_561 = arith.addf %add3A_421, %mul3A_560 : vector<16xf32>
          %mul3A_562 = vector.broadcast %squeeze3A_552 : f32 to vector<16xf32>
          %mul3A_563 = arith.mulf %mul3A_562, %get3A_536 : vector<16xf32>
          %add3A_564 = arith.addf %add3A_424, %mul3A_563 : vector<16xf32>
          %slice3A_565 = vector.extract_strided_slice %get3A_335 {offsets = [1], sizes = [1], strides = [1]} : vector<16xf32> to vector<1xf32>
          %squeeze3A_566 = vector.extract %slice3A_565[0] : f32 from vector<1xf32>
          %mul3A_567 = vector.broadcast %squeeze3A_566 : f32 to vector<16xf32>
          %mul3A_568 = arith.mulf %mul3A_567, %get3A_518 : vector<16xf32>
          %add3A_569 = arith.addf %add3A_429, %mul3A_568 : vector<16xf32>
          %mul3A_570 = vector.broadcast %squeeze3A_566 : f32 to vector<16xf32>
          %mul3A_571 = arith.mulf %mul3A_570, %get3A_524 : vector<16xf32>
          %add3A_572 = arith.addf %add3A_432, %mul3A_571 : vector<16xf32>
          %mul3A_573 = vector.broadcast %squeeze3A_566 : f32 to vector<16xf32>
          %mul3A_574 = arith.mulf %mul3A_573, %get3A_530 : vector<16xf32>
          %add3A_575 = arith.addf %add3A_435, %mul3A_574 : vector<16xf32>
          %mul3A_576 = vector.broadcast %squeeze3A_566 : f32 to vector<16xf32>
          %mul3A_577 = arith.mulf %mul3A_576, %get3A_536 : vector<16xf32>
          %add3A_578 = arith.addf %add3A_438, %mul3A_577 : vector<16xf32>
          %slice3A_579 = vector.extract_strided_slice %get3A_342 {offsets = [1], sizes = [1], strides = [1]} : vector<16xf32> to vector<1xf32>
          %squeeze3A_580 = vector.extract %slice3A_579[0] : f32 from vector<1xf32>
          %mul3A_581 = vector.broadcast %squeeze3A_580 : f32 to vector<16xf32>
          %mul3A_582 = arith.mulf %mul3A_581, %get3A_518 : vector<16xf32>
          %add3A_583 = arith.addf %add3A_443, %mul3A_582 : vector<16xf32>
          %mul3A_584 = vector.broadcast %squeeze3A_580 : f32 to vector<16xf32>
          %mul3A_585 = arith.mulf %mul3A_584, %get3A_524 : vector<16xf32>
          %add3A_586 = arith.addf %add3A_446, %mul3A_585 : vector<16xf32>
          %mul3A_587 = vector.broadcast %squeeze3A_580 : f32 to vector<16xf32>
          %mul3A_588 = arith.mulf %mul3A_587, %get3A_530 : vector<16xf32>
          %add3A_589 = arith.addf %add3A_449, %mul3A_588 : vector<16xf32>
          %mul3A_590 = vector.broadcast %squeeze3A_580 : f32 to vector<16xf32>
          %mul3A_591 = arith.mulf %mul3A_590, %get3A_536 : vector<16xf32>
          %add3A_592 = arith.addf %add3A_452, %mul3A_591 : vector<16xf32>
          %slice3A_593 = vector.extract_strided_slice %get3A_349 {offsets = [1], sizes = [1], strides = [1]} : vector<16xf32> to vector<1xf32>
          %squeeze3A_594 = vector.extract %slice3A_593[0] : f32 from vector<1xf32>
          %mul3A_595 = vector.broadcast %squeeze3A_594 : f32 to vector<16xf32>
          %mul3A_596 = arith.mulf %mul3A_595, %get3A_518 : vector<16xf32>
          %add3A_597 = arith.addf %add3A_457, %mul3A_596 : vector<16xf32>
          %mul3A_598 = vector.broadcast %squeeze3A_594 : f32 to vector<16xf32>
          %mul3A_599 = arith.mulf %mul3A_598, %get3A_524 : vector<16xf32>
          %add3A_600 = arith.addf %add3A_460, %mul3A_599 : vector<16xf32>
          %mul3A_601 = vector.broadcast %squeeze3A_594 : f32 to vector<16xf32>
          %mul3A_602 = arith.mulf %mul3A_601, %get3A_530 : vector<16xf32>
          %add3A_603 = arith.addf %add3A_463, %mul3A_602 : vector<16xf32>
          %mul3A_604 = vector.broadcast %squeeze3A_594 : f32 to vector<16xf32>
          %mul3A_605 = arith.mulf %mul3A_604, %get3A_536 : vector<16xf32>
          %add3A_606 = arith.addf %add3A_466, %mul3A_605 : vector<16xf32>
          %slice3A_607 = vector.extract_strided_slice %get3A_356 {offsets = [1], sizes = [1], strides = [1]} : vector<16xf32> to vector<1xf32>
          %squeeze3A_608 = vector.extract %slice3A_607[0] : f32 from vector<1xf32>
          %mul3A_609 = vector.broadcast %squeeze3A_608 : f32 to vector<16xf32>
          %mul3A_610 = arith.mulf %mul3A_609, %get3A_518 : vector<16xf32>
          %add3A_611 = arith.addf %add3A_471, %mul3A_610 : vector<16xf32>
          %mul3A_612 = vector.broadcast %squeeze3A_608 : f32 to vector<16xf32>
          %mul3A_613 = arith.mulf %mul3A_612, %get3A_524 : vector<16xf32>
          %add3A_614 = arith.addf %add3A_474, %mul3A_613 : vector<16xf32>
          %mul3A_615 = vector.broadcast %squeeze3A_608 : f32 to vector<16xf32>
          %mul3A_616 = arith.mulf %mul3A_615, %get3A_530 : vector<16xf32>
          %add3A_617 = arith.addf %add3A_477, %mul3A_616 : vector<16xf32>
          %mul3A_618 = vector.broadcast %squeeze3A_608 : f32 to vector<16xf32>
          %mul3A_619 = arith.mulf %mul3A_618, %get3A_536 : vector<16xf32>
          %add3A_620 = arith.addf %add3A_480, %mul3A_619 : vector<16xf32>
          %slice3A_621 = vector.extract_strided_slice %get3A_363 {offsets = [1], sizes = [1], strides = [1]} : vector<16xf32> to vector<1xf32>
          %squeeze3A_622 = vector.extract %slice3A_621[0] : f32 from vector<1xf32>
          %mul3A_623 = vector.broadcast %squeeze3A_622 : f32 to vector<16xf32>
          %mul3A_624 = arith.mulf %mul3A_623, %get3A_518 : vector<16xf32>
          %add3A_625 = arith.addf %add3A_485, %mul3A_624 : vector<16xf32>
          %mul3A_626 = vector.broadcast %squeeze3A_622 : f32 to vector<16xf32>
          %mul3A_627 = arith.mulf %mul3A_626, %get3A_524 : vector<16xf32>
          %add3A_628 = arith.addf %add3A_488, %mul3A_627 : vector<16xf32>
          %mul3A_629 = vector.broadcast %squeeze3A_622 : f32 to vector<16xf32>
          %mul3A_630 = arith.mulf %mul3A_629, %get3A_530 : vector<16xf32>
          %add3A_631 = arith.addf %add3A_491, %mul3A_630 : vector<16xf32>
          %mul3A_632 = vector.broadcast %squeeze3A_622 : f32 to vector<16xf32>
          %mul3A_633 = arith.mulf %mul3A_632, %get3A_536 : vector<16xf32>
          %add3A_634 = arith.addf %add3A_494, %mul3A_633 : vector<16xf32>
          %slice3A_635 = vector.extract_strided_slice %get3A_370 {offsets = [1], sizes = [1], strides = [1]} : vector<16xf32> to vector<1xf32>
          %squeeze3A_636 = vector.extract %slice3A_635[0] : f32 from vector<1xf32>
          %mul3A_637 = vector.broadcast %squeeze3A_636 : f32 to vector<16xf32>
          %mul3A_638 = arith.mulf %mul3A_637, %get3A_518 : vector<16xf32>
          %add3A_639 = arith.addf %add3A_499, %mul3A_638 : vector<16xf32>
          %mul3A_640 = vector.broadcast %squeeze3A_636 : f32 to vector<16xf32>
          %mul3A_641 = arith.mulf %mul3A_640, %get3A_524 : vector<16xf32>
          %add3A_642 = arith.addf %add3A_502, %mul3A_641 : vector<16xf32>
          %mul3A_643 = vector.broadcast %squeeze3A_636 : f32 to vector<16xf32>
          %mul3A_644 = arith.mulf %mul3A_643, %get3A_530 : vector<16xf32>
          %add3A_645 = arith.addf %add3A_505, %mul3A_644 : vector<16xf32>
          %mul3A_646 = vector.broadcast %squeeze3A_636 : f32 to vector<16xf32>
          %mul3A_647 = arith.mulf %mul3A_646, %get3A_536 : vector<16xf32>
          %add3A_648 = arith.addf %add3A_508, %mul3A_647 : vector<16xf32>
          %mul3A_649 = arith.constant 16 : i32
          %mul3A_650 = arith.muli %scan3A_283, %mul3A_649 : i32
          %add3A_651 = arith.constant 2 : i32
          %add3A_652 = arith.addi %mul3A_650, %add3A_651 : i32
          %add3A_653 = arith.constant 0 : i32
          %add3A_654 = arith.addi %mul3A_20, %add3A_653 : i32
          %get3A_655 = arith.index_cast %add3A_652 : i32 to index
          %get3A_656 = arith.index_cast %add3A_654 : i32 to index
          %get3A_657 = tpu.vector_load %arg6[%get3A_655, %get3A_656] {strides = array<i32>} : memref<64x512xf32, #tpu.memory_space<vmem>>, vector<1x16xf32>,
          %get3A_658 = vector.shape_cast %get3A_657 : vector<1x16xf32> to vector<16xf32>
          %add3A_659 = arith.constant 16 : i32
          %add3A_660 = arith.addi %mul3A_20, %add3A_659 : i32
          %get3A_661 = arith.index_cast %add3A_652 : i32 to index
          %get3A_662 = arith.index_cast %add3A_660 : i32 to index
          %get3A_663 = tpu.vector_load %arg6[%get3A_661, %get3A_662] {strides = array<i32>} : memref<64x512xf32, #tpu.memory_space<vmem>>, vector<1x16xf32>,
          %get3A_664 = vector.shape_cast %get3A_663 : vector<1x16xf32> to vector<16xf32>
          %add3A_665 = arith.constant 32 : i32
          %add3A_666 = arith.addi %mul3A_20, %add3A_665 : i32
          %get3A_667 = arith.index_cast %add3A_652 : i32 to index
          %get3A_668 = arith.index_cast %add3A_666 : i32 to index
          %get3A_669 = tpu.vector_load %arg6[%get3A_667, %get3A_668] {strides = array<i32>} : memref<64x512xf32, #tpu.memory_space<vmem>>, vector<1x16xf32>,
          %get3A_670 = vector.shape_cast %get3A_669 : vector<1x16xf32> to vector<16xf32>
          %add3A_671 = arith.constant 48 : i32
          %add3A_672 = arith.addi %mul3A_20, %add3A_671 : i32
          %get3A_673 = arith.index_cast %add3A_652 : i32 to index
          %get3A_674 = arith.index_cast %add3A_672 : i32 to index
          %get3A_675 = tpu.vector_load %arg6[%get3A_673, %get3A_674] {strides = array<i32>} : memref<64x512xf32, #tpu.memory_space<vmem>>, vector<1x16xf32>,
          %get3A_676 = vector.shape_cast %get3A_675 : vector<1x16xf32> to vector<16xf32>
          %slice3A_677 = vector.extract_strided_slice %get3A_321 {offsets = [2], sizes = [1], strides = [1]} : vector<16xf32> to vector<1xf32>
          %squeeze3A_678 = vector.extract %slice3A_677[0] : f32 from vector<1xf32>
          %mul3A_679 = vector.broadcast %squeeze3A_678 : f32 to vector<16xf32>
          %mul3A_680 = arith.mulf %mul3A_679, %get3A_658 : vector<16xf32>
          %add3A_681 = arith.addf %add3A_541, %mul3A_680 : vector<16xf32>
          %mul3A_682 = vector.broadcast %squeeze3A_678 : f32 to vector<16xf32>
          %mul3A_683 = arith.mulf %mul3A_682, %get3A_664 : vector<16xf32>
          %add3A_684 = arith.addf %add3A_544, %mul3A_683 : vector<16xf32>
          %mul3A_685 = vector.broadcast %squeeze3A_678 : f32 to vector<16xf32>
          %mul3A_686 = arith.mulf %mul3A_685, %get3A_670 : vector<16xf32>
          %add3A_687 = arith.addf %add3A_547, %mul3A_686 : vector<16xf32>
          %mul3A_688 = vector.broadcast %squeeze3A_678 : f32 to vector<16xf32>
          %mul3A_689 = arith.mulf %mul3A_688, %get3A_676 : vector<16xf32>
          %add3A_690 = arith.addf %add3A_550, %mul3A_689 : vector<16xf32>
          %slice3A_691 = vector.extract_strided_slice %get3A_328 {offsets = [2], sizes = [1], strides = [1]} : vector<16xf32> to vector<1xf32>
          %squeeze3A_692 = vector.extract %slice3A_691[0] : f32 from vector<1xf32>
          %mul3A_693 = vector.broadcast %squeeze3A_692 : f32 to vector<16xf32>
          %mul3A_694 = arith.mulf %mul3A_693, %get3A_658 : vector<16xf32>
          %add3A_695 = arith.addf %add3A_555, %mul3A_694 : vector<16xf32>
          %mul3A_696 = vector.broadcast %squeeze3A_692 : f32 to vector<16xf32>
          %mul3A_697 = arith.mulf %mul3A_696, %get3A_664 : vector<16xf32>
          %add3A_698 = arith.addf %add3A_558, %mul3A_697 : vector<16xf32>
          %mul3A_699 = vector.broadcast %squeeze3A_692 : f32 to vector<16xf32>
          %mul3A_700 = arith.mulf %mul3A_699, %get3A_670 : vector<16xf32>
          %add3A_701 = arith.addf %add3A_561, %mul3A_700 : vector<16xf32>
          %mul3A_702 = vector.broadcast %squeeze3A_692 : f32 to vector<16xf32>
          %mul3A_703 = arith.mulf %mul3A_702, %get3A_676 : vector<16xf32>
          %add3A_704 = arith.addf %add3A_564, %mul3A_703 : vector<16xf32>
          %slice3A_705 = vector.extract_strided_slice %get3A_335 {offsets = [2], sizes = [1], strides = [1]} : vector<16xf32> to vector<1xf32>
          %squeeze3A_706 = vector.extract %slice3A_705[0] : f32 from vector<1xf32>
          %mul3A_707 = vector.broadcast %squeeze3A_706 : f32 to vector<16xf32>
          %mul3A_708 = arith.mulf %mul3A_707, %get3A_658 : vector<16xf32>
          %add3A_709 = arith.addf %add3A_569, %mul3A_708 : vector<16xf32>
          %mul3A_710 = vector.broadcast %squeeze3A_706 : f32 to vector<16xf32>
          %mul3A_711 = arith.mulf %mul3A_710, %get3A_664 : vector<16xf32>
          %add3A_712 = arith.addf %add3A_572, %mul3A_711 : vector<16xf32>
          %mul3A_713 = vector.broadcast %squeeze3A_706 : f32 to vector<16xf32>
          %mul3A_714 = arith.mulf %mul3A_713, %get3A_670 : vector<16xf32>
          %add3A_715 = arith.addf %add3A_575, %mul3A_714 : vector<16xf32>
          %mul3A_716 = vector.broadcast %squeeze3A_706 : f32 to vector<16xf32>
          %mul3A_717 = arith.mulf %mul3A_716, %get3A_676 : vector<16xf32>
          %add3A_718 = arith.addf %add3A_578, %mul3A_717 : vector<16xf32>
          %slice3A_719 = vector.extract_strided_slice %get3A_342 {offsets = [2], sizes = [1], strides = [1]} : vector<16xf32> to vector<1xf32>
          %squeeze3A_720 = vector.extract %slice3A_719[0] : f32 from vector<1xf32>
          %mul3A_721 = vector.broadcast %squeeze3A_720 : f32 to vector<16xf32>
          %mul3A_722 = arith.mulf %mul3A_721, %get3A_658 : vector<16xf32>
          %add3A_723 = arith.addf %add3A_583, %mul3A_722 : vector<16xf32>
          %mul3A_724 = vector.broadcast %squeeze3A_720 : f32 to vector<16xf32>
          %mul3A_725 = arith.mulf %mul3A_724, %get3A_664 : vector<16xf32>
          %add3A_726 = arith.addf %add3A_586, %mul3A_725 : vector<16xf32>
          %mul3A_727 = vector.broadcast %squeeze3A_720 : f32 to vector<16xf32>
          %mul3A_728 = arith.mulf %mul3A_727, %get3A_670 : vector<16xf32>
          %add3A_729 = arith.addf %add3A_589, %mul3A_728 : vector<16xf32>
          %mul3A_730 = vector.broadcast %squeeze3A_720 : f32 to vector<16xf32>
          %mul3A_731 = arith.mulf %mul3A_730, %get3A_676 : vector<16xf32>
          %add3A_732 = arith.addf %add3A_592, %mul3A_731 : vector<16xf32>
          %slice3A_733 = vector.extract_strided_slice %get3A_349 {offsets = [2], sizes = [1], strides = [1]} : vector<16xf32> to vector<1xf32>
          %squeeze3A_734 = vector.extract %slice3A_733[0] : f32 from vector<1xf32>
          %mul3A_735 = vector.broadcast %squeeze3A_734 : f32 to vector<16xf32>
          %mul3A_736 = arith.mulf %mul3A_735, %get3A_658 : vector<16xf32>
          %add3A_737 = arith.addf %add3A_597, %mul3A_736 : vector<16xf32>
          %mul3A_738 = vector.broadcast %squeeze3A_734 : f32 to vector<16xf32>
          %mul3A_739 = arith.mulf %mul3A_738, %get3A_664 : vector<16xf32>
          %add3A_740 = arith.addf %add3A_600, %mul3A_739 : vector<16xf32>
          %mul3A_741 = vector.broadcast %squeeze3A_734 : f32 to vector<16xf32>
          %mul3A_742 = arith.mulf %mul3A_741, %get3A_670 : vector<16xf32>
          %add3A_743 = arith.addf %add3A_603, %mul3A_742 : vector<16xf32>
          %mul3A_744 = vector.broadcast %squeeze3A_734 : f32 to vector<16xf32>
          %mul3A_745 = arith.mulf %mul3A_744, %get3A_676 : vector<16xf32>
          %add3A_746 = arith.addf %add3A_606, %mul3A_745 : vector<16xf32>
          %slice3A_747 = vector.extract_strided_slice %get3A_356 {offsets = [2], sizes = [1], strides = [1]} : vector<16xf32> to vector<1xf32>
          %squeeze3A_748 = vector.extract %slice3A_747[0] : f32 from vector<1xf32>
          %mul3A_749 = vector.broadcast %squeeze3A_748 : f32 to vector<16xf32>
          %mul3A_750 = arith.mulf %mul3A_749, %get3A_658 : vector<16xf32>
          %add3A_751 = arith.addf %add3A_611, %mul3A_750 : vector<16xf32>
          %mul3A_752 = vector.broadcast %squeeze3A_748 : f32 to vector<16xf32>
          %mul3A_753 = arith.mulf %mul3A_752, %get3A_664 : vector<16xf32>
          %add3A_754 = arith.addf %add3A_614, %mul3A_753 : vector<16xf32>
          %mul3A_755 = vector.broadcast %squeeze3A_748 : f32 to vector<16xf32>
          %mul3A_756 = arith.mulf %mul3A_755, %get3A_670 : vector<16xf32>
          %add3A_757 = arith.addf %add3A_617, %mul3A_756 : vector<16xf32>
          %mul3A_758 = vector.broadcast %squeeze3A_748 : f32 to vector<16xf32>
          %mul3A_759 = arith.mulf %mul3A_758, %get3A_676 : vector<16xf32>
          %add3A_760 = arith.addf %add3A_620, %mul3A_759 : vector<16xf32>
          %slice3A_761 = vector.extract_strided_slice %get3A_363 {offsets = [2], sizes = [1], strides = [1]} : vector<16xf32> to vector<1xf32>
          %squeeze3A_762 = vector.extract %slice3A_761[0] : f32 from vector<1xf32>
          %mul3A_763 = vector.broadcast %squeeze3A_762 : f32 to vector<16xf32>
          %mul3A_764 = arith.mulf %mul3A_763, %get3A_658 : vector<16xf32>
          %add3A_765 = arith.addf %add3A_625, %mul3A_764 : vector<16xf32>
          %mul3A_766 = vector.broadcast %squeeze3A_762 : f32 to vector<16xf32>
          %mul3A_767 = arith.mulf %mul3A_766, %get3A_664 : vector<16xf32>
          %add3A_768 = arith.addf %add3A_628, %mul3A_767 : vector<16xf32>
          %mul3A_769 = vector.broadcast %squeeze3A_762 : f32 to vector<16xf32>
          %mul3A_770 = arith.mulf %mul3A_769, %get3A_670 : vector<16xf32>
          %add3A_771 = arith.addf %add3A_631, %mul3A_770 : vector<16xf32>
          %mul3A_772 = vector.broadcast %squeeze3A_762 : f32 to vector<16xf32>
          %mul3A_773 = arith.mulf %mul3A_772, %get3A_676 : vector<16xf32>
          %add3A_774 = arith.addf %add3A_634, %mul3A_773 : vector<16xf32>
          %slice3A_775 = vector.extract_strided_slice %get3A_370 {offsets = [2], sizes = [1], strides = [1]} : vector<16xf32> to vector<1xf32>
          %squeeze3A_776 = vector.extract %slice3A_775[0] : f32 from vector<1xf32>
          %mul3A_777 = vector.broadcast %squeeze3A_776 : f32 to vector<16xf32>
          %mul3A_778 = arith.mulf %mul3A_777, %get3A_658 : vector<16xf32>
          %add3A_779 = arith.addf %add3A_639, %mul3A_778 : vector<16xf32>
          %mul3A_780 = vector.broadcast %squeeze3A_776 : f32 to vector<16xf32>
          %mul3A_781 = arith.mulf %mul3A_780, %get3A_664 : vector<16xf32>
          %add3A_782 = arith.addf %add3A_642, %mul3A_781 : vector<16xf32>
          %mul3A_783 = vector.broadcast %squeeze3A_776 : f32 to vector<16xf32>
          %mul3A_784 = arith.mulf %mul3A_783, %get3A_670 : vector<16xf32>
          %add3A_785 = arith.addf %add3A_645, %mul3A_784 : vector<16xf32>
          %mul3A_786 = vector.broadcast %squeeze3A_776 : f32 to vector<16xf32>
          %mul3A_787 = arith.mulf %mul3A_786, %get3A_676 : vector<16xf32>
          %add3A_788 = arith.addf %add3A_648, %mul3A_787 : vector<16xf32>
          %mul3A_789 = arith.constant 16 : i32
          %mul3A_790 = arith.muli %scan3A_283, %mul3A_789 : i32
          %add3A_791 = arith.constant 3 : i32
          %add3A_792 = arith.addi %mul3A_790, %add3A_791 : i32
          %add3A_793 = arith.constant 0 : i32
          %add3A_794 = arith.addi %mul3A_20, %add3A_793 : i32
          %get3A_795 = arith.index_cast %add3A_792 : i32 to index
          %get3A_796 = arith.index_cast %add3A_794 : i32 to index
          %get3A_797 = tpu.vector_load %arg6[%get3A_795, %get3A_796] {strides = array<i32>} : memref<64x512xf32, #tpu.memory_space<vmem>>, vector<1x16xf32>,
          %get3A_798 = vector.shape_cast %get3A_797 : vector<1x16xf32> to vector<16xf32>
          %add3A_799 = arith.constant 16 : i32
          %add3A_800 = arith.addi %mul3A_20, %add3A_799 : i32
          %get3A_801 = arith.index_cast %add3A_792 : i32 to index
          %get3A_802 = arith.index_cast %add3A_800 : i32 to index
          %get3A_803 = tpu.vector_load %arg6[%get3A_801, %get3A_802] {strides = array<i32>} : memref<64x512xf32, #tpu.memory_space<vmem>>, vector<1x16xf32>,
          %get3A_804 = vector.shape_cast %get3A_803 : vector<1x16xf32> to vector<16xf32>
          %add3A_805 = arith.constant 32 : i32
          %add3A_806 = arith.addi %mul3A_20, %add3A_805 : i32
          %get3A_807 = arith.index_cast %add3A_792 : i32 to index
          %get3A_808 = arith.index_cast %add3A_806 : i32 to index
          %get3A_809 = tpu.vector_load %arg6[%get3A_807, %get3A_808] {strides = array<i32>} : memref<64x512xf32, #tpu.memory_space<vmem>>, vector<1x16xf32>,
          %get3A_810 = vector.shape_cast %get3A_809 : vector<1x16xf32> to vector<16xf32>
          %add3A_811 = arith.constant 48 : i32
          %add3A_812 = arith.addi %mul3A_20, %add3A_811 : i32
          %get3A_813 = arith.index_cast %add3A_792 : i32 to index
          %get3A_814 = arith.index_cast %add3A_812 : i32 to index
          %get3A_815 = tpu.vector_load %arg6[%get3A_813, %get3A_814] {strides = array<i32>} : memref<64x512xf32, #tpu.memory_space<vmem>>, vector<1x16xf32>,
          %get3A_816 = vector.shape_cast %get3A_815 : vector<1x16xf32> to vector<16xf32>
          %slice3A_817 = vector.extract_strided_slice %get3A_321 {offsets = [3], sizes = [1], strides = [1]} : vector<16xf32> to vector<1xf32>
          %squeeze3A_818 = vector.extract %slice3A_817[0] : f32 from vector<1xf32>
          %mul3A_819 = vector.broadcast %squeeze3A_818 : f32 to vector<16xf32>
          %mul3A_820 = arith.mulf %mul3A_819, %get3A_798 : vector<16xf32>
          %add3A_821 = arith.addf %add3A_681, %mul3A_820 : vector<16xf32>
          %mul3A_822 = vector.broadcast %squeeze3A_818 : f32 to vector<16xf32>
          %mul3A_823 = arith.mulf %mul3A_822, %get3A_804 : vector<16xf32>
          %add3A_824 = arith.addf %add3A_684, %mul3A_823 : vector<16xf32>
          %mul3A_825 = vector.broadcast %squeeze3A_818 : f32 to vector<16xf32>
          %mul3A_826 = arith.mulf %mul3A_825, %get3A_810 : vector<16xf32>
          %add3A_827 = arith.addf %add3A_687, %mul3A_826 : vector<16xf32>
          %mul3A_828 = vector.broadcast %squeeze3A_818 : f32 to vector<16xf32>
          %mul3A_829 = arith.mulf %mul3A_828, %get3A_816 : vector<16xf32>
          %add3A_830 = arith.addf %add3A_690, %mul3A_829 : vector<16xf32>
          %slice3A_831 = vector.extract_strided_slice %get3A_328 {offsets = [3], sizes = [1], strides = [1]} : vector<16xf32> to vector<1xf32>
          %squeeze3A_832 = vector.extract %slice3A_831[0] : f32 from vector<1xf32>
          %mul3A_833 = vector.broadcast %squeeze3A_832 : f32 to vector<16xf32>
          %mul3A_834 = arith.mulf %mul3A_833, %get3A_798 : vector<16xf32>
          %add3A_835 = arith.addf %add3A_695, %mul3A_834 : vector<16xf32>
          %mul3A_836 = vector.broadcast %squeeze3A_832 : f32 to vector<16xf32>
          %mul3A_837 = arith.mulf %mul3A_836, %get3A_804 : vector<16xf32>
          %add3A_838 = arith.addf %add3A_698, %mul3A_837 : vector<16xf32>
          %mul3A_839 = vector.broadcast %squeeze3A_832 : f32 to vector<16xf32>
          %mul3A_840 = arith.mulf %mul3A_839, %get3A_810 : vector<16xf32>
          %add3A_841 = arith.addf %add3A_701, %mul3A_840 : vector<16xf32>
          %mul3A_842 = vector.broadcast %squeeze3A_832 : f32 to vector<16xf32>
          %mul3A_843 = arith.mulf %mul3A_842, %get3A_816 : vector<16xf32>
          %add3A_844 = arith.addf %add3A_704, %mul3A_843 : vector<16xf32>
          %slice3A_845 = vector.extract_strided_slice %get3A_335 {offsets = [3], sizes = [1], strides = [1]} : vector<16xf32> to vector<1xf32>
          %squeeze3A_846 = vector.extract %slice3A_845[0] : f32 from vector<1xf32>
          %mul3A_847 = vector.broadcast %squeeze3A_846 : f32 to vector<16xf32>
          %mul3A_848 = arith.mulf %mul3A_847, %get3A_798 : vector<16xf32>
          %add3A_849 = arith.addf %add3A_709, %mul3A_848 : vector<16xf32>
          %mul3A_850 = vector.broadcast %squeeze3A_846 : f32 to vector<16xf32>
          %mul3A_851 = arith.mulf %mul3A_850, %get3A_804 : vector<16xf32>
          %add3A_852 = arith.addf %add3A_712, %mul3A_851 : vector<16xf32>
          %mul3A_853 = vector.broadcast %squeeze3A_846 : f32 to vector<16xf32>
          %mul3A_854 = arith.mulf %mul3A_853, %get3A_810 : vector<16xf32>
          %add3A_855 = arith.addf %add3A_715, %mul3A_854 : vector<16xf32>
          %mul3A_856 = vector.broadcast %squeeze3A_846 : f32 to vector<16xf32>
          %mul3A_857 = arith.mulf %mul3A_856, %get3A_816 : vector<16xf32>
          %add3A_858 = arith.addf %add3A_718, %mul3A_857 : vector<16xf32>
          %slice3A_859 = vector.extract_strided_slice %get3A_342 {offsets = [3], sizes = [1], strides = [1]} : vector<16xf32> to vector<1xf32>
          %squeeze3A_860 = vector.extract %slice3A_859[0] : f32 from vector<1xf32>
          %mul3A_861 = vector.broadcast %squeeze3A_860 : f32 to vector<16xf32>
          %mul3A_862 = arith.mulf %mul3A_861, %get3A_798 : vector<16xf32>
          %add3A_863 = arith.addf %add3A_723, %mul3A_862 : vector<16xf32>
          %mul3A_864 = vector.broadcast %squeeze3A_860 : f32 to vector<16xf32>
          %mul3A_865 = arith.mulf %mul3A_864, %get3A_804 : vector<16xf32>
          %add3A_866 = arith.addf %add3A_726, %mul3A_865 : vector<16xf32>
          %mul3A_867 = vector.broadcast %squeeze3A_860 : f32 to vector<16xf32>
          %mul3A_868 = arith.mulf %mul3A_867, %get3A_810 : vector<16xf32>
          %add3A_869 = arith.addf %add3A_729, %mul3A_868 : vector<16xf32>
          %mul3A_870 = vector.broadcast %squeeze3A_860 : f32 to vector<16xf32>
          %mul3A_871 = arith.mulf %mul3A_870, %get3A_816 : vector<16xf32>
          %add3A_872 = arith.addf %add3A_732, %mul3A_871 : vector<16xf32>
          %slice3A_873 = vector.extract_strided_slice %get3A_349 {offsets = [3], sizes = [1], strides = [1]} : vector<16xf32> to vector<1xf32>
          %squeeze3A_874 = vector.extract %slice3A_873[0] : f32 from vector<1xf32>
          %mul3A_875 = vector.broadcast %squeeze3A_874 : f32 to vector<16xf32>
          %mul3A_876 = arith.mulf %mul3A_875, %get3A_798 : vector<16xf32>
          %add3A_877 = arith.addf %add3A_737, %mul3A_876 : vector<16xf32>
          %mul3A_878 = vector.broadcast %squeeze3A_874 : f32 to vector<16xf32>
          %mul3A_879 = arith.mulf %mul3A_878, %get3A_804 : vector<16xf32>
          %add3A_880 = arith.addf %add3A_740, %mul3A_879 : vector<16xf32>
          %mul3A_881 = vector.broadcast %squeeze3A_874 : f32 to vector<16xf32>
          %mul3A_882 = arith.mulf %mul3A_881, %get3A_810 : vector<16xf32>
          %add3A_883 = arith.addf %add3A_743, %mul3A_882 : vector<16xf32>
          %mul3A_884 = vector.broadcast %squeeze3A_874 : f32 to vector<16xf32>
          %mul3A_885 = arith.mulf %mul3A_884, %get3A_816 : vector<16xf32>
          %add3A_886 = arith.addf %add3A_746, %mul3A_885 : vector<16xf32>
          %slice3A_887 = vector.extract_strided_slice %get3A_356 {offsets = [3], sizes = [1], strides = [1]} : vector<16xf32> to vector<1xf32>
          %squeeze3A_888 = vector.extract %slice3A_887[0] : f32 from vector<1xf32>
          %mul3A_889 = vector.broadcast %squeeze3A_888 : f32 to vector<16xf32>
          %mul3A_890 = arith.mulf %mul3A_889, %get3A_798 : vector<16xf32>
          %add3A_891 = arith.addf %add3A_751, %mul3A_890 : vector<16xf32>
          %mul3A_892 = vector.broadcast %squeeze3A_888 : f32 to vector<16xf32>
          %mul3A_893 = arith.mulf %mul3A_892, %get3A_804 : vector<16xf32>
          %add3A_894 = arith.addf %add3A_754, %mul3A_893 : vector<16xf32>
          %mul3A_895 = vector.broadcast %squeeze3A_888 : f32 to vector<16xf32>
          %mul3A_896 = arith.mulf %mul3A_895, %get3A_810 : vector<16xf32>
          %add3A_897 = arith.addf %add3A_757, %mul3A_896 : vector<16xf32>
          %mul3A_898 = vector.broadcast %squeeze3A_888 : f32 to vector<16xf32>
          %mul3A_899 = arith.mulf %mul3A_898, %get3A_816 : vector<16xf32>
          %add3A_900 = arith.addf %add3A_760, %mul3A_899 : vector<16xf32>
          %slice3A_901 = vector.extract_strided_slice %get3A_363 {offsets = [3], sizes = [1], strides = [1]} : vector<16xf32> to vector<1xf32>
          %squeeze3A_902 = vector.extract %slice3A_901[0] : f32 from vector<1xf32>
          %mul3A_903 = vector.broadcast %squeeze3A_902 : f32 to vector<16xf32>
          %mul3A_904 = arith.mulf %mul3A_903, %get3A_798 : vector<16xf32>
          %add3A_905 = arith.addf %add3A_765, %mul3A_904 : vector<16xf32>
          %mul3A_906 = vector.broadcast %squeeze3A_902 : f32 to vector<16xf32>
          %mul3A_907 = arith.mulf %mul3A_906, %get3A_804 : vector<16xf32>
          %add3A_908 = arith.addf %add3A_768, %mul3A_907 : vector<16xf32>
          %mul3A_909 = vector.broadcast %squeeze3A_902 : f32 to vector<16xf32>
          %mul3A_910 = arith.mulf %mul3A_909, %get3A_810 : vector<16xf32>
          %add3A_911 = arith.addf %add3A_771, %mul3A_910 : vector<16xf32>
          %mul3A_912 = vector.broadcast %squeeze3A_902 : f32 to vector<16xf32>
          %mul3A_913 = arith.mulf %mul3A_912, %get3A_816 : vector<16xf32>
          %add3A_914 = arith.addf %add3A_774, %mul3A_913 : vector<16xf32>
          %slice3A_915 = vector.extract_strided_slice %get3A_370 {offsets = [3], sizes = [1], strides = [1]} : vector<16xf32> to vector<1xf32>
          %squeeze3A_916 = vector.extract %slice3A_915[0] : f32 from vector<1xf32>
          %mul3A_917 = vector.broadcast %squeeze3A_916 : f32 to vector<16xf32>
          %mul3A_918 = arith.mulf %mul3A_917, %get3A_798 : vector<16xf32>
          %add3A_919 = arith.addf %add3A_779, %mul3A_918 : vector<16xf32>
          %mul3A_920 = vector.broadcast %squeeze3A_916 : f32 to vector<16xf32>
          %mul3A_921 = arith.mulf %mul3A_920, %get3A_804 : vector<16xf32>
          %add3A_922 = arith.addf %add3A_782, %mul3A_921 : vector<16xf32>
          %mul3A_923 = vector.broadcast %squeeze3A_916 : f32 to vector<16xf32>
          %mul3A_924 = arith.mulf %mul3A_923, %get3A_810 : vector<16xf32>
          %add3A_925 = arith.addf %add3A_785, %mul3A_924 : vector<16xf32>
          %mul3A_926 = vector.broadcast %squeeze3A_916 : f32 to vector<16xf32>
          %mul3A_927 = arith.mulf %mul3A_926, %get3A_816 : vector<16xf32>
          %add3A_928 = arith.addf %add3A_788, %mul3A_927 : vector<16xf32>
          %mul3A_929 = arith.constant 16 : i32
          %mul3A_930 = arith.muli %scan3A_283, %mul3A_929 : i32
          %add3A_931 = arith.constant 4 : i32
          %add3A_932 = arith.addi %mul3A_930, %add3A_931 : i32
          %add3A_933 = arith.constant 0 : i32
          %add3A_934 = arith.addi %mul3A_20, %add3A_933 : i32
          %get3A_935 = arith.index_cast %add3A_932 : i32 to index
          %get3A_936 = arith.index_cast %add3A_934 : i32 to index
          %get3A_937 = tpu.vector_load %arg6[%get3A_935, %get3A_936] {strides = array<i32>} : memref<64x512xf32, #tpu.memory_space<vmem>>, vector<1x16xf32>,
          %get3A_938 = vector.shape_cast %get3A_937 : vector<1x16xf32> to vector<16xf32>
          %add3A_939 = arith.constant 16 : i32
          %add3A_940 = arith.addi %mul3A_20, %add3A_939 : i32
          %get3A_941 = arith.index_cast %add3A_932 : i32 to index
          %get3A_942 = arith.index_cast %add3A_940 : i32 to index
          %get3A_943 = tpu.vector_load %arg6[%get3A_941, %get3A_942] {strides = array<i32>} : memref<64x512xf32, #tpu.memory_space<vmem>>, vector<1x16xf32>,
          %get3A_944 = vector.shape_cast %get3A_943 : vector<1x16xf32> to vector<16xf32>
          %add3A_945 = arith.constant 32 : i32
          %add3A_946 = arith.addi %mul3A_20, %add3A_945 : i32
          %get3A_947 = arith.index_cast %add3A_932 : i32 to index
          %get3A_948 = arith.index_cast %add3A_946 : i32 to index
          %get3A_949 = tpu.vector_load %arg6[%get3A_947, %get3A_948] {strides = array<i32>} : memref<64x512xf32, #tpu.memory_space<vmem>>, vector<1x16xf32>,
          %get3A_950 = vector.shape_cast %get3A_949 : vector<1x16xf32> to vector<16xf32>
          %add3A_951 = arith.constant 48 : i32
          %add3A_952 = arith.addi %mul3A_20, %add3A_951 : i32
          %get3A_953 = arith.index_cast %add3A_932 : i32 to index
          %get3A_954 = arith.index_cast %add3A_952 : i32 to index
          %get3A_955 = tpu.vector_load %arg6[%get3A_953, %get3A_954] {strides = array<i32>} : memref<64x512xf32, #tpu.memory_space<vmem>>, vector<1x16xf32>,
          %get3A_956 = vector.shape_cast %get3A_955 : vector<1x16xf32> to vector<16xf32>
          %slice3A_957 = vector.extract_strided_slice %get3A_321 {offsets = [4], sizes = [1], strides = [1]} : vector<16xf32> to vector<1xf32>
          %squeeze3A_958 = vector.extract %slice3A_957[0] : f32 from vector<1xf32>
          %mul3A_959 = vector.broadcast %squeeze3A_958 : f32 to vector<16xf32>
          %mul3A_960 = arith.mulf %mul3A_959, %get3A_938 : vector<16xf32>
          %add3A_961 = arith.addf %add3A_821, %mul3A_960 : vector<16xf32>
          %mul3A_962 = vector.broadcast %squeeze3A_958 : f32 to vector<16xf32>
          %mul3A_963 = arith.mulf %mul3A_962, %get3A_944 : vector<16xf32>
          %add3A_964 = arith.addf %add3A_824, %mul3A_963 : vector<16xf32>
          %mul3A_965 = vector.broadcast %squeeze3A_958 : f32 to vector<16xf32>
          %mul3A_966 = arith.mulf %mul3A_965, %get3A_950 : vector<16xf32>
          %add3A_967 = arith.addf %add3A_827, %mul3A_966 : vector<16xf32>
          %mul3A_968 = vector.broadcast %squeeze3A_958 : f32 to vector<16xf32>
          %mul3A_969 = arith.mulf %mul3A_968, %get3A_956 : vector<16xf32>
          %add3A_970 = arith.addf %add3A_830, %mul3A_969 : vector<16xf32>
          %slice3A_971 = vector.extract_strided_slice %get3A_328 {offsets = [4], sizes = [1], strides = [1]} : vector<16xf32> to vector<1xf32>
          %squeeze3A_972 = vector.extract %slice3A_971[0] : f32 from vector<1xf32>
          %mul3A_973 = vector.broadcast %squeeze3A_972 : f32 to vector<16xf32>
          %mul3A_974 = arith.mulf %mul3A_973, %get3A_938 : vector<16xf32>
          %add3A_975 = arith.addf %add3A_835, %mul3A_974 : vector<16xf32>
          %mul3A_976 = vector.broadcast %squeeze3A_972 : f32 to vector<16xf32>
          %mul3A_977 = arith.mulf %mul3A_976, %get3A_944 : vector<16xf32>
          %add3A_978 = arith.addf %add3A_838, %mul3A_977 : vector<16xf32>
          %mul3A_979 = vector.broadcast %squeeze3A_972 : f32 to vector<16xf32>
          %mul3A_980 = arith.mulf %mul3A_979, %get3A_950 : vector<16xf32>
          %add3A_981 = arith.addf %add3A_841, %mul3A_980 : vector<16xf32>
          %mul3A_982 = vector.broadcast %squeeze3A_972 : f32 to vector<16xf32>
          %mul3A_983 = arith.mulf %mul3A_982, %get3A_956 : vector<16xf32>
          %add3A_984 = arith.addf %add3A_844, %mul3A_983 : vector<16xf32>
          %slice3A_985 = vector.extract_strided_slice %get3A_335 {offsets = [4], sizes = [1], strides = [1]} : vector<16xf32> to vector<1xf32>
          %squeeze3A_986 = vector.extract %slice3A_985[0] : f32 from vector<1xf32>
          %mul3A_987 = vector.broadcast %squeeze3A_986 : f32 to vector<16xf32>
          %mul3A_988 = arith.mulf %mul3A_987, %get3A_938 : vector<16xf32>
          %add3A_989 = arith.addf %add3A_849, %mul3A_988 : vector<16xf32>
          %mul3A_990 = vector.broadcast %squeeze3A_986 : f32 to vector<16xf32>
          %mul3A_991 = arith.mulf %mul3A_990, %get3A_944 : vector<16xf32>
          %add3A_992 = arith.addf %add3A_852, %mul3A_991 : vector<16xf32>
          %mul3A_993 = vector.broadcast %squeeze3A_986 : f32 to vector<16xf32>
          %mul3A_994 = arith.mulf %mul3A_993, %get3A_950 : vector<16xf32>
          %add3A_995 = arith.addf %add3A_855, %mul3A_994 : vector<16xf32>
          %mul3A_996 = vector.broadcast %squeeze3A_986 : f32 to vector<16xf32>
          %mul3A_997 = arith.mulf %mul3A_996, %get3A_956 : vector<16xf32>
          %add3A_998 = arith.addf %add3A_858, %mul3A_997 : vector<16xf32>
          %slice3A_999 = vector.extract_strided_slice %get3A_342 {offsets = [4], sizes = [1], strides = [1]} : vector<16xf32> to vector<1xf32>
          %squeeze3A_1000 = vector.extract %slice3A_999[0] : f32 from vector<1xf32>
          %mul3A_1001 = vector.broadcast %squeeze3A_1000 : f32 to vector<16xf32>
          %mul3A_1002 = arith.mulf %mul3A_1001, %get3A_938 : vector<16xf32>
          %add3A_1003 = arith.addf %add3A_863, %mul3A_1002 : vector<16xf32>
          %mul3A_1004 = vector.broadcast %squeeze3A_1000 : f32 to vector<16xf32>
          %mul3A_1005 = arith.mulf %mul3A_1004, %get3A_944 : vector<16xf32>
          %add3A_1006 = arith.addf %add3A_866, %mul3A_1005 : vector<16xf32>
          %mul3A_1007 = vector.broadcast %squeeze3A_1000 : f32 to vector<16xf32>
          %mul3A_1008 = arith.mulf %mul3A_1007, %get3A_950 : vector<16xf32>
          %add3A_1009 = arith.addf %add3A_869, %mul3A_1008 : vector<16xf32>
          %mul3A_1010 = vector.broadcast %squeeze3A_1000 : f32 to vector<16xf32>
          %mul3A_1011 = arith.mulf %mul3A_1010, %get3A_956 : vector<16xf32>
          %add3A_1012 = arith.addf %add3A_872, %mul3A_1011 : vector<16xf32>
          %slice3A_1013 = vector.extract_strided_slice %get3A_349 {offsets = [4], sizes = [1], strides = [1]} : vector<16xf32> to vector<1xf32>
          %squeeze3A_1014 = vector.extract %slice3A_1013[0] : f32 from vector<1xf32>
          %mul3A_1015 = vector.broadcast %squeeze3A_1014 : f32 to vector<16xf32>
          %mul3A_1016 = arith.mulf %mul3A_1015, %get3A_938 : vector<16xf32>
          %add3A_1017 = arith.addf %add3A_877, %mul3A_1016 : vector<16xf32>
          %mul3A_1018 = vector.broadcast %squeeze3A_1014 : f32 to vector<16xf32>
          %mul3A_1019 = arith.mulf %mul3A_1018, %get3A_944 : vector<16xf32>
          %add3A_1020 = arith.addf %add3A_880, %mul3A_1019 : vector<16xf32>
          %mul3A_1021 = vector.broadcast %squeeze3A_1014 : f32 to vector<16xf32>
          %mul3A_1022 = arith.mulf %mul3A_1021, %get3A_950 : vector<16xf32>
          %add3A_1023 = arith.addf %add3A_883, %mul3A_1022 : vector<16xf32>
          %mul3A_1024 = vector.broadcast %squeeze3A_1014 : f32 to vector<16xf32>
          %mul3A_1025 = arith.mulf %mul3A_1024, %get3A_956 : vector<16xf32>
          %add3A_1026 = arith.addf %add3A_886, %mul3A_1025 : vector<16xf32>
          %slice3A_1027 = vector.extract_strided_slice %get3A_356 {offsets = [4], sizes = [1], strides = [1]} : vector<16xf32> to vector<1xf32>
          %squeeze3A_1028 = vector.extract %slice3A_1027[0] : f32 from vector<1xf32>
          %mul3A_1029 = vector.broadcast %squeeze3A_1028 : f32 to vector<16xf32>
          %mul3A_1030 = arith.mulf %mul3A_1029, %get3A_938 : vector<16xf32>
          %add3A_1031 = arith.addf %add3A_891, %mul3A_1030 : vector<16xf32>
          %mul3A_1032 = vector.broadcast %squeeze3A_1028 : f32 to vector<16xf32>
          %mul3A_1033 = arith.mulf %mul3A_1032, %get3A_944 : vector<16xf32>
          %add3A_1034 = arith.addf %add3A_894, %mul3A_1033 : vector<16xf32>
          %mul3A_1035 = vector.broadcast %squeeze3A_1028 : f32 to vector<16xf32>
          %mul3A_1036 = arith.mulf %mul3A_1035, %get3A_950 : vector<16xf32>
          %add3A_1037 = arith.addf %add3A_897, %mul3A_1036 : vector<16xf32>
          %mul3A_1038 = vector.broadcast %squeeze3A_1028 : f32 to vector<16xf32>
          %mul3A_1039 = arith.mulf %mul3A_1038, %get3A_956 : vector<16xf32>
          %add3A_1040 = arith.addf %add3A_900, %mul3A_1039 : vector<16xf32>
          %slice3A_1041 = vector.extract_strided_slice %get3A_363 {offsets = [4], sizes = [1], strides = [1]} : vector<16xf32> to vector<1xf32>
          %squeeze3A_1042 = vector.extract %slice3A_1041[0] : f32 from vector<1xf32>
          %mul3A_1043 = vector.broadcast %squeeze3A_1042 : f32 to vector<16xf32>
          %mul3A_1044 = arith.mulf %mul3A_1043, %get3A_938 : vector<16xf32>
          %add3A_1045 = arith.addf %add3A_905, %mul3A_1044 : vector<16xf32>
          %mul3A_1046 = vector.broadcast %squeeze3A_1042 : f32 to vector<16xf32>
          %mul3A_1047 = arith.mulf %mul3A_1046, %get3A_944 : vector<16xf32>
          %add3A_1048 = arith.addf %add3A_908, %mul3A_1047 : vector<16xf32>
          %mul3A_1049 = vector.broadcast %squeeze3A_1042 : f32 to vector<16xf32>
          %mul3A_1050 = arith.mulf %mul3A_1049, %get3A_950 : vector<16xf32>
          %add3A_1051 = arith.addf %add3A_911, %mul3A_1050 : vector<16xf32>
          %mul3A_1052 = vector.broadcast %squeeze3A_1042 : f32 to vector<16xf32>
          %mul3A_1053 = arith.mulf %mul3A_1052, %get3A_956 : vector<16xf32>
          %add3A_1054 = arith.addf %add3A_914, %mul3A_1053 : vector<16xf32>
          %slice3A_1055 = vector.extract_strided_slice %get3A_370 {offsets = [4], sizes = [1], strides = [1]} : vector<16xf32> to vector<1xf32>
          %squeeze3A_1056 = vector.extract %slice3A_1055[0] : f32 from vector<1xf32>
          %mul3A_1057 = vector.broadcast %squeeze3A_1056 : f32 to vector<16xf32>
          %mul3A_1058 = arith.mulf %mul3A_1057, %get3A_938 : vector<16xf32>
          %add3A_1059 = arith.addf %add3A_919, %mul3A_1058 : vector<16xf32>
          %mul3A_1060 = vector.broadcast %squeeze3A_1056 : f32 to vector<16xf32>
          %mul3A_1061 = arith.mulf %mul3A_1060, %get3A_944 : vector<16xf32>
          %add3A_1062 = arith.addf %add3A_922, %mul3A_1061 : vector<16xf32>
          %mul3A_1063 = vector.broadcast %squeeze3A_1056 : f32 to vector<16xf32>
          %mul3A_1064 = arith.mulf %mul3A_1063, %get3A_950 : vector<16xf32>
          %add3A_1065 = arith.addf %add3A_925, %mul3A_1064 : vector<16xf32>
          %mul3A_1066 = vector.broadcast %squeeze3A_1056 : f32 to vector<16xf32>
          %mul3A_1067 = arith.mulf %mul3A_1066, %get3A_956 : vector<16xf32>
          %add3A_1068 = arith.addf %add3A_928, %mul3A_1067 : vector<16xf32>
          %mul3A_1069 = arith.constant 16 : i32
          %mul3A_1070 = arith.muli %scan3A_283, %mul3A_1069 : i32
          %add3A_1071 = arith.constant 5 : i32
          %add3A_1072 = arith.addi %mul3A_1070, %add3A_1071 : i32
          %add3A_1073 = arith.constant 0 : i32
          %add3A_1074 = arith.addi %mul3A_20, %add3A_1073 : i32
          %get3A_1075 = arith.index_cast %add3A_1072 : i32 to index
          %get3A_1076 = arith.index_cast %add3A_1074 : i32 to index
          %get3A_1077 = tpu.vector_load %arg6[%get3A_1075, %get3A_1076] {strides = array<i32>} : memref<64x512xf32, #tpu.memory_space<vmem>>, vector<1x16xf32>,
          %get3A_1078 = vector.shape_cast %get3A_1077 : vector<1x16xf32> to vector<16xf32>
          %add3A_1079 = arith.constant 16 : i32
          %add3A_1080 = arith.addi %mul3A_20, %add3A_1079 : i32
          %get3A_1081 = arith.index_cast %add3A_1072 : i32 to index
          %get3A_1082 = arith.index_cast %add3A_1080 : i32 to index
          %get3A_1083 = tpu.vector_load %arg6[%get3A_1081, %get3A_1082] {strides = array<i32>} : memref<64x512xf32, #tpu.memory_space<vmem>>, vector<1x16xf32>,
          %get3A_1084 = vector.shape_cast %get3A_1083 : vector<1x16xf32> to vector<16xf32>
          %add3A_1085 = arith.constant 32 : i32
          %add3A_1086 = arith.addi %mul3A_20, %add3A_1085 : i32
          %get3A_1087 = arith.index_cast %add3A_1072 : i32 to index
          %get3A_1088 = arith.index_cast %add3A_1086 : i32 to index
          %get3A_1089 = tpu.vector_load %arg6[%get3A_1087, %get3A_1088] {strides = array<i32>} : memref<64x512xf32, #tpu.memory_space<vmem>>, vector<1x16xf32>,
          %get3A_1090 = vector.shape_cast %get3A_1089 : vector<1x16xf32> to vector<16xf32>
          %add3A_1091 = arith.constant 48 : i32
          %add3A_1092 = arith.addi %mul3A_20, %add3A_1091 : i32
          %get3A_1093 = arith.index_cast %add3A_1072 : i32 to index
          %get3A_1094 = arith.index_cast %add3A_1092 : i32 to index
          %get3A_1095 = tpu.vector_load %arg6[%get3A_1093, %get3A_1094] {strides = array<i32>} : memref<64x512xf32, #tpu.memory_space<vmem>>, vector<1x16xf32>,
          %get3A_1096 = vector.shape_cast %get3A_1095 : vector<1x16xf32> to vector<16xf32>
          %slice3A_1097 = vector.extract_strided_slice %get3A_321 {offsets = [5], sizes = [1], strides = [1]} : vector<16xf32> to vector<1xf32>
          %squeeze3A_1098 = vector.extract %slice3A_1097[0] : f32 from vector<1xf32>
          %mul3A_1099 = vector.broadcast %squeeze3A_1098 : f32 to vector<16xf32>
          %mul3A_1100 = arith.mulf %mul3A_1099, %get3A_1078 : vector<16xf32>
          %add3A_1101 = arith.addf %add3A_961, %mul3A_1100 : vector<16xf32>
          %mul3A_1102 = vector.broadcast %squeeze3A_1098 : f32 to vector<16xf32>
          %mul3A_1103 = arith.mulf %mul3A_1102, %get3A_1084 : vector<16xf32>
          %add3A_1104 = arith.addf %add3A_964, %mul3A_1103 : vector<16xf32>
          %mul3A_1105 = vector.broadcast %squeeze3A_1098 : f32 to vector<16xf32>
          %mul3A_1106 = arith.mulf %mul3A_1105, %get3A_1090 : vector<16xf32>
          %add3A_1107 = arith.addf %add3A_967, %mul3A_1106 : vector<16xf32>
          %mul3A_1108 = vector.broadcast %squeeze3A_1098 : f32 to vector<16xf32>
          %mul3A_1109 = arith.mulf %mul3A_1108, %get3A_1096 : vector<16xf32>
          %add3A_1110 = arith.addf %add3A_970, %mul3A_1109 : vector<16xf32>
          %slice3A_1111 = vector.extract_strided_slice %get3A_328 {offsets = [5], sizes = [1], strides = [1]} : vector<16xf32> to vector<1xf32>
          %squeeze3A_1112 = vector.extract %slice3A_1111[0] : f32 from vector<1xf32>
          %mul3A_1113 = vector.broadcast %squeeze3A_1112 : f32 to vector<16xf32>
          %mul3A_1114 = arith.mulf %mul3A_1113, %get3A_1078 : vector<16xf32>
          %add3A_1115 = arith.addf %add3A_975, %mul3A_1114 : vector<16xf32>
          %mul3A_1116 = vector.broadcast %squeeze3A_1112 : f32 to vector<16xf32>
          %mul3A_1117 = arith.mulf %mul3A_1116, %get3A_1084 : vector<16xf32>
          %add3A_1118 = arith.addf %add3A_978, %mul3A_1117 : vector<16xf32>
          %mul3A_1119 = vector.broadcast %squeeze3A_1112 : f32 to vector<16xf32>
          %mul3A_1120 = arith.mulf %mul3A_1119, %get3A_1090 : vector<16xf32>
          %add3A_1121 = arith.addf %add3A_981, %mul3A_1120 : vector<16xf32>
          %mul3A_1122 = vector.broadcast %squeeze3A_1112 : f32 to vector<16xf32>
          %mul3A_1123 = arith.mulf %mul3A_1122, %get3A_1096 : vector<16xf32>
          %add3A_1124 = arith.addf %add3A_984, %mul3A_1123 : vector<16xf32>
          %slice3A_1125 = vector.extract_strided_slice %get3A_335 {offsets = [5], sizes = [1], strides = [1]} : vector<16xf32> to vector<1xf32>
          %squeeze3A_1126 = vector.extract %slice3A_1125[0] : f32 from vector<1xf32>
          %mul3A_1127 = vector.broadcast %squeeze3A_1126 : f32 to vector<16xf32>
          %mul3A_1128 = arith.mulf %mul3A_1127, %get3A_1078 : vector<16xf32>
          %add3A_1129 = arith.addf %add3A_989, %mul3A_1128 : vector<16xf32>
          %mul3A_1130 = vector.broadcast %squeeze3A_1126 : f32 to vector<16xf32>
          %mul3A_1131 = arith.mulf %mul3A_1130, %get3A_1084 : vector<16xf32>
          %add3A_1132 = arith.addf %add3A_992, %mul3A_1131 : vector<16xf32>
          %mul3A_1133 = vector.broadcast %squeeze3A_1126 : f32 to vector<16xf32>
          %mul3A_1134 = arith.mulf %mul3A_1133, %get3A_1090 : vector<16xf32>
          %add3A_1135 = arith.addf %add3A_995, %mul3A_1134 : vector<16xf32>
          %mul3A_1136 = vector.broadcast %squeeze3A_1126 : f32 to vector<16xf32>
          %mul3A_1137 = arith.mulf %mul3A_1136, %get3A_1096 : vector<16xf32>
          %add3A_1138 = arith.addf %add3A_998, %mul3A_1137 : vector<16xf32>
          %slice3A_1139 = vector.extract_strided_slice %get3A_342 {offsets = [5], sizes = [1], strides = [1]} : vector<16xf32> to vector<1xf32>
          %squeeze3A_1140 = vector.extract %slice3A_1139[0] : f32 from vector<1xf32>
          %mul3A_1141 = vector.broadcast %squeeze3A_1140 : f32 to vector<16xf32>
          %mul3A_1142 = arith.mulf %mul3A_1141, %get3A_1078 : vector<16xf32>
          %add3A_1143 = arith.addf %add3A_1003, %mul3A_1142 : vector<16xf32>
          %mul3A_1144 = vector.broadcast %squeeze3A_1140 : f32 to vector<16xf32>
          %mul3A_1145 = arith.mulf %mul3A_1144, %get3A_1084 : vector<16xf32>
          %add3A_1146 = arith.addf %add3A_1006, %mul3A_1145 : vector<16xf32>
          %mul3A_1147 = vector.broadcast %squeeze3A_1140 : f32 to vector<16xf32>
          %mul3A_1148 = arith.mulf %mul3A_1147, %get3A_1090 : vector<16xf32>
          %add3A_1149 = arith.addf %add3A_1009, %mul3A_1148 : vector<16xf32>
          %mul3A_1150 = vector.broadcast %squeeze3A_1140 : f32 to vector<16xf32>
          %mul3A_1151 = arith.mulf %mul3A_1150, %get3A_1096 : vector<16xf32>
          %add3A_1152 = arith.addf %add3A_1012, %mul3A_1151 : vector<16xf32>
          %slice3A_1153 = vector.extract_strided_slice %get3A_349 {offsets = [5], sizes = [1], strides = [1]} : vector<16xf32> to vector<1xf32>
          %squeeze3A_1154 = vector.extract %slice3A_1153[0] : f32 from vector<1xf32>
          %mul3A_1155 = vector.broadcast %squeeze3A_1154 : f32 to vector<16xf32>
          %mul3A_1156 = arith.mulf %mul3A_1155, %get3A_1078 : vector<16xf32>
          %add3A_1157 = arith.addf %add3A_1017, %mul3A_1156 : vector<16xf32>
          %mul3A_1158 = vector.broadcast %squeeze3A_1154 : f32 to vector<16xf32>
          %mul3A_1159 = arith.mulf %mul3A_1158, %get3A_1084 : vector<16xf32>
          %add3A_1160 = arith.addf %add3A_1020, %mul3A_1159 : vector<16xf32>
          %mul3A_1161 = vector.broadcast %squeeze3A_1154 : f32 to vector<16xf32>
          %mul3A_1162 = arith.mulf %mul3A_1161, %get3A_1090 : vector<16xf32>
          %add3A_1163 = arith.addf %add3A_1023, %mul3A_1162 : vector<16xf32>
          %mul3A_1164 = vector.broadcast %squeeze3A_1154 : f32 to vector<16xf32>
          %mul3A_1165 = arith.mulf %mul3A_1164, %get3A_1096 : vector<16xf32>
          %add3A_1166 = arith.addf %add3A_1026, %mul3A_1165 : vector<16xf32>
          %slice3A_1167 = vector.extract_strided_slice %get3A_356 {offsets = [5], sizes = [1], strides = [1]} : vector<16xf32> to vector<1xf32>
          %squeeze3A_1168 = vector.extract %slice3A_1167[0] : f32 from vector<1xf32>
          %mul3A_1169 = vector.broadcast %squeeze3A_1168 : f32 to vector<16xf32>
          %mul3A_1170 = arith.mulf %mul3A_1169, %get3A_1078 : vector<16xf32>
          %add3A_1171 = arith.addf %add3A_1031, %mul3A_1170 : vector<16xf32>
          %mul3A_1172 = vector.broadcast %squeeze3A_1168 : f32 to vector<16xf32>
          %mul3A_1173 = arith.mulf %mul3A_1172, %get3A_1084 : vector<16xf32>
          %add3A_1174 = arith.addf %add3A_1034, %mul3A_1173 : vector<16xf32>
          %mul3A_1175 = vector.broadcast %squeeze3A_1168 : f32 to vector<16xf32>
          %mul3A_1176 = arith.mulf %mul3A_1175, %get3A_1090 : vector<16xf32>
          %add3A_1177 = arith.addf %add3A_1037, %mul3A_1176 : vector<16xf32>
          %mul3A_1178 = vector.broadcast %squeeze3A_1168 : f32 to vector<16xf32>
          %mul3A_1179 = arith.mulf %mul3A_1178, %get3A_1096 : vector<16xf32>
          %add3A_1180 = arith.addf %add3A_1040, %mul3A_1179 : vector<16xf32>
          %slice3A_1181 = vector.extract_strided_slice %get3A_363 {offsets = [5], sizes = [1], strides = [1]} : vector<16xf32> to vector<1xf32>
          %squeeze3A_1182 = vector.extract %slice3A_1181[0] : f32 from vector<1xf32>
          %mul3A_1183 = vector.broadcast %squeeze3A_1182 : f32 to vector<16xf32>
          %mul3A_1184 = arith.mulf %mul3A_1183, %get3A_1078 : vector<16xf32>
          %add3A_1185 = arith.addf %add3A_1045, %mul3A_1184 : vector<16xf32>
          %mul3A_1186 = vector.broadcast %squeeze3A_1182 : f32 to vector<16xf32>
          %mul3A_1187 = arith.mulf %mul3A_1186, %get3A_1084 : vector<16xf32>
          %add3A_1188 = arith.addf %add3A_1048, %mul3A_1187 : vector<16xf32>
          %mul3A_1189 = vector.broadcast %squeeze3A_1182 : f32 to vector<16xf32>
          %mul3A_1190 = arith.mulf %mul3A_1189, %get3A_1090 : vector<16xf32>
          %add3A_1191 = arith.addf %add3A_1051, %mul3A_1190 : vector<16xf32>
          %mul3A_1192 = vector.broadcast %squeeze3A_1182 : f32 to vector<16xf32>
          %mul3A_1193 = arith.mulf %mul3A_1192, %get3A_1096 : vector<16xf32>
          %add3A_1194 = arith.addf %add3A_1054, %mul3A_1193 : vector<16xf32>
          %slice3A_1195 = vector.extract_strided_slice %get3A_370 {offsets = [5], sizes = [1], strides = [1]} : vector<16xf32> to vector<1xf32>
          %squeeze3A_1196 = vector.extract %slice3A_1195[0] : f32 from vector<1xf32>
          %mul3A_1197 = vector.broadcast %squeeze3A_1196 : f32 to vector<16xf32>
          %mul3A_1198 = arith.mulf %mul3A_1197, %get3A_1078 : vector<16xf32>
          %add3A_1199 = arith.addf %add3A_1059, %mul3A_1198 : vector<16xf32>
          %mul3A_1200 = vector.broadcast %squeeze3A_1196 : f32 to vector<16xf32>
          %mul3A_1201 = arith.mulf %mul3A_1200, %get3A_1084 : vector<16xf32>
          %add3A_1202 = arith.addf %add3A_1062, %mul3A_1201 : vector<16xf32>
          %mul3A_1203 = vector.broadcast %squeeze3A_1196 : f32 to vector<16xf32>
          %mul3A_1204 = arith.mulf %mul3A_1203, %get3A_1090 : vector<16xf32>
          %add3A_1205 = arith.addf %add3A_1065, %mul3A_1204 : vector<16xf32>
          %mul3A_1206 = vector.broadcast %squeeze3A_1196 : f32 to vector<16xf32>
          %mul3A_1207 = arith.mulf %mul3A_1206, %get3A_1096 : vector<16xf32>
          %add3A_1208 = arith.addf %add3A_1068, %mul3A_1207 : vector<16xf32>
          %mul3A_1209 = arith.constant 16 : i32
          %mul3A_1210 = arith.muli %scan3A_283, %mul3A_1209 : i32
          %add3A_1211 = arith.constant 6 : i32
          %add3A_1212 = arith.addi %mul3A_1210, %add3A_1211 : i32
          %add3A_1213 = arith.constant 0 : i32
          %add3A_1214 = arith.addi %mul3A_20, %add3A_1213 : i32
          %get3A_1215 = arith.index_cast %add3A_1212 : i32 to index
          %get3A_1216 = arith.index_cast %add3A_1214 : i32 to index
          %get3A_1217 = tpu.vector_load %arg6[%get3A_1215, %get3A_1216] {strides = array<i32>} : memref<64x512xf32, #tpu.memory_space<vmem>>, vector<1x16xf32>,
          %get3A_1218 = vector.shape_cast %get3A_1217 : vector<1x16xf32> to vector<16xf32>
          %add3A_1219 = arith.constant 16 : i32
          %add3A_1220 = arith.addi %mul3A_20, %add3A_1219 : i32
          %get3A_1221 = arith.index_cast %add3A_1212 : i32 to index
          %get3A_1222 = arith.index_cast %add3A_1220 : i32 to index
          %get3A_1223 = tpu.vector_load %arg6[%get3A_1221, %get3A_1222] {strides = array<i32>} : memref<64x512xf32, #tpu.memory_space<vmem>>, vector<1x16xf32>,
          %get3A_1224 = vector.shape_cast %get3A_1223 : vector<1x16xf32> to vector<16xf32>
          %add3A_1225 = arith.constant 32 : i32
          %add3A_1226 = arith.addi %mul3A_20, %add3A_1225 : i32
          %get3A_1227 = arith.index_cast %add3A_1212 : i32 to index
          %get3A_1228 = arith.index_cast %add3A_1226 : i32 to index
          %get3A_1229 = tpu.vector_load %arg6[%get3A_1227, %get3A_1228] {strides = array<i32>} : memref<64x512xf32, #tpu.memory_space<vmem>>, vector<1x16xf32>,
          %get3A_1230 = vector.shape_cast %get3A_1229 : vector<1x16xf32> to vector<16xf32>
          %add3A_1231 = arith.constant 48 : i32
          %add3A_1232 = arith.addi %mul3A_20, %add3A_1231 : i32
          %get3A_1233 = arith.index_cast %add3A_1212 : i32 to index
          %get3A_1234 = arith.index_cast %add3A_1232 : i32 to index
          %get3A_1235 = tpu.vector_load %arg6[%get3A_1233, %get3A_1234] {strides = array<i32>} : memref<64x512xf32, #tpu.memory_space<vmem>>, vector<1x16xf32>,
          %get3A_1236 = vector.shape_cast %get3A_1235 : vector<1x16xf32> to vector<16xf32>
          %slice3A_1237 = vector.extract_strided_slice %get3A_321 {offsets = [6], sizes = [1], strides = [1]} : vector<16xf32> to vector<1xf32>
          %squeeze3A_1238 = vector.extract %slice3A_1237[0] : f32 from vector<1xf32>
          %mul3A_1239 = vector.broadcast %squeeze3A_1238 : f32 to vector<16xf32>
          %mul3A_1240 = arith.mulf %mul3A_1239, %get3A_1218 : vector<16xf32>
          %add3A_1241 = arith.addf %add3A_1101, %mul3A_1240 : vector<16xf32>
          %mul3A_1242 = vector.broadcast %squeeze3A_1238 : f32 to vector<16xf32>
          %mul3A_1243 = arith.mulf %mul3A_1242, %get3A_1224 : vector<16xf32>
          %add3A_1244 = arith.addf %add3A_1104, %mul3A_1243 : vector<16xf32>
          %mul3A_1245 = vector.broadcast %squeeze3A_1238 : f32 to vector<16xf32>
          %mul3A_1246 = arith.mulf %mul3A_1245, %get3A_1230 : vector<16xf32>
          %add3A_1247 = arith.addf %add3A_1107, %mul3A_1246 : vector<16xf32>
          %mul3A_1248 = vector.broadcast %squeeze3A_1238 : f32 to vector<16xf32>
          %mul3A_1249 = arith.mulf %mul3A_1248, %get3A_1236 : vector<16xf32>
          %add3A_1250 = arith.addf %add3A_1110, %mul3A_1249 : vector<16xf32>
          %slice3A_1251 = vector.extract_strided_slice %get3A_328 {offsets = [6], sizes = [1], strides = [1]} : vector<16xf32> to vector<1xf32>
          %squeeze3A_1252 = vector.extract %slice3A_1251[0] : f32 from vector<1xf32>
          %mul3A_1253 = vector.broadcast %squeeze3A_1252 : f32 to vector<16xf32>
          %mul3A_1254 = arith.mulf %mul3A_1253, %get3A_1218 : vector<16xf32>
          %add3A_1255 = arith.addf %add3A_1115, %mul3A_1254 : vector<16xf32>
          %mul3A_1256 = vector.broadcast %squeeze3A_1252 : f32 to vector<16xf32>
          %mul3A_1257 = arith.mulf %mul3A_1256, %get3A_1224 : vector<16xf32>
          %add3A_1258 = arith.addf %add3A_1118, %mul3A_1257 : vector<16xf32>
          %mul3A_1259 = vector.broadcast %squeeze3A_1252 : f32 to vector<16xf32>
          %mul3A_1260 = arith.mulf %mul3A_1259, %get3A_1230 : vector<16xf32>
          %add3A_1261 = arith.addf %add3A_1121, %mul3A_1260 : vector<16xf32>
          %mul3A_1262 = vector.broadcast %squeeze3A_1252 : f32 to vector<16xf32>
          %mul3A_1263 = arith.mulf %mul3A_1262, %get3A_1236 : vector<16xf32>
          %add3A_1264 = arith.addf %add3A_1124, %mul3A_1263 : vector<16xf32>
          %slice3A_1265 = vector.extract_strided_slice %get3A_335 {offsets = [6], sizes = [1], strides = [1]} : vector<16xf32> to vector<1xf32>
          %squeeze3A_1266 = vector.extract %slice3A_1265[0] : f32 from vector<1xf32>
          %mul3A_1267 = vector.broadcast %squeeze3A_1266 : f32 to vector<16xf32>
          %mul3A_1268 = arith.mulf %mul3A_1267, %get3A_1218 : vector<16xf32>
          %add3A_1269 = arith.addf %add3A_1129, %mul3A_1268 : vector<16xf32>
          %mul3A_1270 = vector.broadcast %squeeze3A_1266 : f32 to vector<16xf32>
          %mul3A_1271 = arith.mulf %mul3A_1270, %get3A_1224 : vector<16xf32>
          %add3A_1272 = arith.addf %add3A_1132, %mul3A_1271 : vector<16xf32>
          %mul3A_1273 = vector.broadcast %squeeze3A_1266 : f32 to vector<16xf32>
          %mul3A_1274 = arith.mulf %mul3A_1273, %get3A_1230 : vector<16xf32>
          %add3A_1275 = arith.addf %add3A_1135, %mul3A_1274 : vector<16xf32>
          %mul3A_1276 = vector.broadcast %squeeze3A_1266 : f32 to vector<16xf32>
          %mul3A_1277 = arith.mulf %mul3A_1276, %get3A_1236 : vector<16xf32>
          %add3A_1278 = arith.addf %add3A_1138, %mul3A_1277 : vector<16xf32>
          %slice3A_1279 = vector.extract_strided_slice %get3A_342 {offsets = [6], sizes = [1], strides = [1]} : vector<16xf32> to vector<1xf32>
          %squeeze3A_1280 = vector.extract %slice3A_1279[0] : f32 from vector<1xf32>
          %mul3A_1281 = vector.broadcast %squeeze3A_1280 : f32 to vector<16xf32>
          %mul3A_1282 = arith.mulf %mul3A_1281, %get3A_1218 : vector<16xf32>
          %add3A_1283 = arith.addf %add3A_1143, %mul3A_1282 : vector<16xf32>
          %mul3A_1284 = vector.broadcast %squeeze3A_1280 : f32 to vector<16xf32>
          %mul3A_1285 = arith.mulf %mul3A_1284, %get3A_1224 : vector<16xf32>
          %add3A_1286 = arith.addf %add3A_1146, %mul3A_1285 : vector<16xf32>
          %mul3A_1287 = vector.broadcast %squeeze3A_1280 : f32 to vector<16xf32>
          %mul3A_1288 = arith.mulf %mul3A_1287, %get3A_1230 : vector<16xf32>
          %add3A_1289 = arith.addf %add3A_1149, %mul3A_1288 : vector<16xf32>
          %mul3A_1290 = vector.broadcast %squeeze3A_1280 : f32 to vector<16xf32>
          %mul3A_1291 = arith.mulf %mul3A_1290, %get3A_1236 : vector<16xf32>
          %add3A_1292 = arith.addf %add3A_1152, %mul3A_1291 : vector<16xf32>
          %slice3A_1293 = vector.extract_strided_slice %get3A_349 {offsets = [6], sizes = [1], strides = [1]} : vector<16xf32> to vector<1xf32>
          %squeeze3A_1294 = vector.extract %slice3A_1293[0] : f32 from vector<1xf32>
          %mul3A_1295 = vector.broadcast %squeeze3A_1294 : f32 to vector<16xf32>
          %mul3A_1296 = arith.mulf %mul3A_1295, %get3A_1218 : vector<16xf32>
          %add3A_1297 = arith.addf %add3A_1157, %mul3A_1296 : vector<16xf32>
          %mul3A_1298 = vector.broadcast %squeeze3A_1294 : f32 to vector<16xf32>
          %mul3A_1299 = arith.mulf %mul3A_1298, %get3A_1224 : vector<16xf32>
          %add3A_1300 = arith.addf %add3A_1160, %mul3A_1299 : vector<16xf32>
          %mul3A_1301 = vector.broadcast %squeeze3A_1294 : f32 to vector<16xf32>
          %mul3A_1302 = arith.mulf %mul3A_1301, %get3A_1230 : vector<16xf32>
          %add3A_1303 = arith.addf %add3A_1163, %mul3A_1302 : vector<16xf32>
          %mul3A_1304 = vector.broadcast %squeeze3A_1294 : f32 to vector<16xf32>
          %mul3A_1305 = arith.mulf %mul3A_1304, %get3A_1236 : vector<16xf32>
          %add3A_1306 = arith.addf %add3A_1166, %mul3A_1305 : vector<16xf32>
          %slice3A_1307 = vector.extract_strided_slice %get3A_356 {offsets = [6], sizes = [1], strides = [1]} : vector<16xf32> to vector<1xf32>
          %squeeze3A_1308 = vector.extract %slice3A_1307[0] : f32 from vector<1xf32>
          %mul3A_1309 = vector.broadcast %squeeze3A_1308 : f32 to vector<16xf32>
          %mul3A_1310 = arith.mulf %mul3A_1309, %get3A_1218 : vector<16xf32>
          %add3A_1311 = arith.addf %add3A_1171, %mul3A_1310 : vector<16xf32>
          %mul3A_1312 = vector.broadcast %squeeze3A_1308 : f32 to vector<16xf32>
          %mul3A_1313 = arith.mulf %mul3A_1312, %get3A_1224 : vector<16xf32>
          %add3A_1314 = arith.addf %add3A_1174, %mul3A_1313 : vector<16xf32>
          %mul3A_1315 = vector.broadcast %squeeze3A_1308 : f32 to vector<16xf32>
          %mul3A_1316 = arith.mulf %mul3A_1315, %get3A_1230 : vector<16xf32>
          %add3A_1317 = arith.addf %add3A_1177, %mul3A_1316 : vector<16xf32>
          %mul3A_1318 = vector.broadcast %squeeze3A_1308 : f32 to vector<16xf32>
          %mul3A_1319 = arith.mulf %mul3A_1318, %get3A_1236 : vector<16xf32>
          %add3A_1320 = arith.addf %add3A_1180, %mul3A_1319 : vector<16xf32>
          %slice3A_1321 = vector.extract_strided_slice %get3A_363 {offsets = [6], sizes = [1], strides = [1]} : vector<16xf32> to vector<1xf32>
          %squeeze3A_1322 = vector.extract %slice3A_1321[0] : f32 from vector<1xf32>
          %mul3A_1323 = vector.broadcast %squeeze3A_1322 : f32 to vector<16xf32>
          %mul3A_1324 = arith.mulf %mul3A_1323, %get3A_1218 : vector<16xf32>
          %add3A_1325 = arith.addf %add3A_1185, %mul3A_1324 : vector<16xf32>
          %mul3A_1326 = vector.broadcast %squeeze3A_1322 : f32 to vector<16xf32>
          %mul3A_1327 = arith.mulf %mul3A_1326, %get3A_1224 : vector<16xf32>
          %add3A_1328 = arith.addf %add3A_1188, %mul3A_1327 : vector<16xf32>
          %mul3A_1329 = vector.broadcast %squeeze3A_1322 : f32 to vector<16xf32>
          %mul3A_1330 = arith.mulf %mul3A_1329, %get3A_1230 : vector<16xf32>
          %add3A_1331 = arith.addf %add3A_1191, %mul3A_1330 : vector<16xf32>
          %mul3A_1332 = vector.broadcast %squeeze3A_1322 : f32 to vector<16xf32>
          %mul3A_1333 = arith.mulf %mul3A_1332, %get3A_1236 : vector<16xf32>
          %add3A_1334 = arith.addf %add3A_1194, %mul3A_1333 : vector<16xf32>
          %slice3A_1335 = vector.extract_strided_slice %get3A_370 {offsets = [6], sizes = [1], strides = [1]} : vector<16xf32> to vector<1xf32>
          %squeeze3A_1336 = vector.extract %slice3A_1335[0] : f32 from vector<1xf32>
          %mul3A_1337 = vector.broadcast %squeeze3A_1336 : f32 to vector<16xf32>
          %mul3A_1338 = arith.mulf %mul3A_1337, %get3A_1218 : vector<16xf32>
          %add3A_1339 = arith.addf %add3A_1199, %mul3A_1338 : vector<16xf32>
          %mul3A_1340 = vector.broadcast %squeeze3A_1336 : f32 to vector<16xf32>
          %mul3A_1341 = arith.mulf %mul3A_1340, %get3A_1224 : vector<16xf32>
          %add3A_1342 = arith.addf %add3A_1202, %mul3A_1341 : vector<16xf32>
          %mul3A_1343 = vector.broadcast %squeeze3A_1336 : f32 to vector<16xf32>
          %mul3A_1344 = arith.mulf %mul3A_1343, %get3A_1230 : vector<16xf32>
          %add3A_1345 = arith.addf %add3A_1205, %mul3A_1344 : vector<16xf32>
          %mul3A_1346 = vector.broadcast %squeeze3A_1336 : f32 to vector<16xf32>
          %mul3A_1347 = arith.mulf %mul3A_1346, %get3A_1236 : vector<16xf32>
          %add3A_1348 = arith.addf %add3A_1208, %mul3A_1347 : vector<16xf32>
          %mul3A_1349 = arith.constant 16 : i32
          %mul3A_1350 = arith.muli %scan3A_283, %mul3A_1349 : i32
          %add3A_1351 = arith.constant 7 : i32
          %add3A_1352 = arith.addi %mul3A_1350, %add3A_1351 : i32
          %add3A_1353 = arith.constant 0 : i32
          %add3A_1354 = arith.addi %mul3A_20, %add3A_1353 : i32
          %get3A_1355 = arith.index_cast %add3A_1352 : i32 to index
          %get3A_1356 = arith.index_cast %add3A_1354 : i32 to index
          %get3A_1357 = tpu.vector_load %arg6[%get3A_1355, %get3A_1356] {strides = array<i32>} : memref<64x512xf32, #tpu.memory_space<vmem>>, vector<1x16xf32>,
          %get3A_1358 = vector.shape_cast %get3A_1357 : vector<1x16xf32> to vector<16xf32>
          %add3A_1359 = arith.constant 16 : i32
          %add3A_1360 = arith.addi %mul3A_20, %add3A_1359 : i32
          %get3A_1361 = arith.index_cast %add3A_1352 : i32 to index
          %get3A_1362 = arith.index_cast %add3A_1360 : i32 to index
          %get3A_1363 = tpu.vector_load %arg6[%get3A_1361, %get3A_1362] {strides = array<i32>} : memref<64x512xf32, #tpu.memory_space<vmem>>, vector<1x16xf32>,
          %get3A_1364 = vector.shape_cast %get3A_1363 : vector<1x16xf32> to vector<16xf32>
          %add3A_1365 = arith.constant 32 : i32
          %add3A_1366 = arith.addi %mul3A_20, %add3A_1365 : i32
          %get3A_1367 = arith.index_cast %add3A_1352 : i32 to index
          %get3A_1368 = arith.index_cast %add3A_1366 : i32 to index
          %get3A_1369 = tpu.vector_load %arg6[%get3A_1367, %get3A_1368] {strides = array<i32>} : memref<64x512xf32, #tpu.memory_space<vmem>>, vector<1x16xf32>,
          %get3A_1370 = vector.shape_cast %get3A_1369 : vector<1x16xf32> to vector<16xf32>
          %add3A_1371 = arith.constant 48 : i32
          %add3A_1372 = arith.addi %mul3A_20, %add3A_1371 : i32
          %get3A_1373 = arith.index_cast %add3A_1352 : i32 to index
          %get3A_1374 = arith.index_cast %add3A_1372 : i32 to index
          %get3A_1375 = tpu.vector_load %arg6[%get3A_1373, %get3A_1374] {strides = array<i32>} : memref<64x512xf32, #tpu.memory_space<vmem>>, vector<1x16xf32>,
          %get3A_1376 = vector.shape_cast %get3A_1375 : vector<1x16xf32> to vector<16xf32>
          %slice3A_1377 = vector.extract_strided_slice %get3A_321 {offsets = [7], sizes = [1], strides = [1]} : vector<16xf32> to vector<1xf32>
          %squeeze3A_1378 = vector.extract %slice3A_1377[0] : f32 from vector<1xf32>
          %mul3A_1379 = vector.broadcast %squeeze3A_1378 : f32 to vector<16xf32>
          %mul3A_1380 = arith.mulf %mul3A_1379, %get3A_1358 : vector<16xf32>
          %add3A_1381 = arith.addf %add3A_1241, %mul3A_1380 : vector<16xf32>
          %mul3A_1382 = vector.broadcast %squeeze3A_1378 : f32 to vector<16xf32>
          %mul3A_1383 = arith.mulf %mul3A_1382, %get3A_1364 : vector<16xf32>
          %add3A_1384 = arith.addf %add3A_1244, %mul3A_1383 : vector<16xf32>
          %mul3A_1385 = vector.broadcast %squeeze3A_1378 : f32 to vector<16xf32>
          %mul3A_1386 = arith.mulf %mul3A_1385, %get3A_1370 : vector<16xf32>
          %add3A_1387 = arith.addf %add3A_1247, %mul3A_1386 : vector<16xf32>
          %mul3A_1388 = vector.broadcast %squeeze3A_1378 : f32 to vector<16xf32>
          %mul3A_1389 = arith.mulf %mul3A_1388, %get3A_1376 : vector<16xf32>
          %add3A_1390 = arith.addf %add3A_1250, %mul3A_1389 : vector<16xf32>
          %slice3A_1391 = vector.extract_strided_slice %get3A_328 {offsets = [7], sizes = [1], strides = [1]} : vector<16xf32> to vector<1xf32>
          %squeeze3A_1392 = vector.extract %slice3A_1391[0] : f32 from vector<1xf32>
          %mul3A_1393 = vector.broadcast %squeeze3A_1392 : f32 to vector<16xf32>
          %mul3A_1394 = arith.mulf %mul3A_1393, %get3A_1358 : vector<16xf32>
          %add3A_1395 = arith.addf %add3A_1255, %mul3A_1394 : vector<16xf32>
          %mul3A_1396 = vector.broadcast %squeeze3A_1392 : f32 to vector<16xf32>
          %mul3A_1397 = arith.mulf %mul3A_1396, %get3A_1364 : vector<16xf32>
          %add3A_1398 = arith.addf %add3A_1258, %mul3A_1397 : vector<16xf32>
          %mul3A_1399 = vector.broadcast %squeeze3A_1392 : f32 to vector<16xf32>
          %mul3A_1400 = arith.mulf %mul3A_1399, %get3A_1370 : vector<16xf32>
          %add3A_1401 = arith.addf %add3A_1261, %mul3A_1400 : vector<16xf32>
          %mul3A_1402 = vector.broadcast %squeeze3A_1392 : f32 to vector<16xf32>
          %mul3A_1403 = arith.mulf %mul3A_1402, %get3A_1376 : vector<16xf32>
          %add3A_1404 = arith.addf %add3A_1264, %mul3A_1403 : vector<16xf32>
          %slice3A_1405 = vector.extract_strided_slice %get3A_335 {offsets = [7], sizes = [1], strides = [1]} : vector<16xf32> to vector<1xf32>
          %squeeze3A_1406 = vector.extract %slice3A_1405[0] : f32 from vector<1xf32>
          %mul3A_1407 = vector.broadcast %squeeze3A_1406 : f32 to vector<16xf32>
          %mul3A_1408 = arith.mulf %mul3A_1407, %get3A_1358 : vector<16xf32>
          %add3A_1409 = arith.addf %add3A_1269, %mul3A_1408 : vector<16xf32>
          %mul3A_1410 = vector.broadcast %squeeze3A_1406 : f32 to vector<16xf32>
          %mul3A_1411 = arith.mulf %mul3A_1410, %get3A_1364 : vector<16xf32>
          %add3A_1412 = arith.addf %add3A_1272, %mul3A_1411 : vector<16xf32>
          %mul3A_1413 = vector.broadcast %squeeze3A_1406 : f32 to vector<16xf32>
          %mul3A_1414 = arith.mulf %mul3A_1413, %get3A_1370 : vector<16xf32>
          %add3A_1415 = arith.addf %add3A_1275, %mul3A_1414 : vector<16xf32>
          %mul3A_1416 = vector.broadcast %squeeze3A_1406 : f32 to vector<16xf32>
          %mul3A_1417 = arith.mulf %mul3A_1416, %get3A_1376 : vector<16xf32>
          %add3A_1418 = arith.addf %add3A_1278, %mul3A_1417 : vector<16xf32>
          %slice3A_1419 = vector.extract_strided_slice %get3A_342 {offsets = [7], sizes = [1], strides = [1]} : vector<16xf32> to vector<1xf32>
          %squeeze3A_1420 = vector.extract %slice3A_1419[0] : f32 from vector<1xf32>
          %mul3A_1421 = vector.broadcast %squeeze3A_1420 : f32 to vector<16xf32>
          %mul3A_1422 = arith.mulf %mul3A_1421, %get3A_1358 : vector<16xf32>
          %add3A_1423 = arith.addf %add3A_1283, %mul3A_1422 : vector<16xf32>
          %mul3A_1424 = vector.broadcast %squeeze3A_1420 : f32 to vector<16xf32>
          %mul3A_1425 = arith.mulf %mul3A_1424, %get3A_1364 : vector<16xf32>
          %add3A_1426 = arith.addf %add3A_1286, %mul3A_1425 : vector<16xf32>
          %mul3A_1427 = vector.broadcast %squeeze3A_1420 : f32 to vector<16xf32>
          %mul3A_1428 = arith.mulf %mul3A_1427, %get3A_1370 : vector<16xf32>
          %add3A_1429 = arith.addf %add3A_1289, %mul3A_1428 : vector<16xf32>
          %mul3A_1430 = vector.broadcast %squeeze3A_1420 : f32 to vector<16xf32>
          %mul3A_1431 = arith.mulf %mul3A_1430, %get3A_1376 : vector<16xf32>
          %add3A_1432 = arith.addf %add3A_1292, %mul3A_1431 : vector<16xf32>
          %slice3A_1433 = vector.extract_strided_slice %get3A_349 {offsets = [7], sizes = [1], strides = [1]} : vector<16xf32> to vector<1xf32>
          %squeeze3A_1434 = vector.extract %slice3A_1433[0] : f32 from vector<1xf32>
          %mul3A_1435 = vector.broadcast %squeeze3A_1434 : f32 to vector<16xf32>
          %mul3A_1436 = arith.mulf %mul3A_1435, %get3A_1358 : vector<16xf32>
          %add3A_1437 = arith.addf %add3A_1297, %mul3A_1436 : vector<16xf32>
          %mul3A_1438 = vector.broadcast %squeeze3A_1434 : f32 to vector<16xf32>
          %mul3A_1439 = arith.mulf %mul3A_1438, %get3A_1364 : vector<16xf32>
          %add3A_1440 = arith.addf %add3A_1300, %mul3A_1439 : vector<16xf32>
          %mul3A_1441 = vector.broadcast %squeeze3A_1434 : f32 to vector<16xf32>
          %mul3A_1442 = arith.mulf %mul3A_1441, %get3A_1370 : vector<16xf32>
          %add3A_1443 = arith.addf %add3A_1303, %mul3A_1442 : vector<16xf32>
          %mul3A_1444 = vector.broadcast %squeeze3A_1434 : f32 to vector<16xf32>
          %mul3A_1445 = arith.mulf %mul3A_1444, %get3A_1376 : vector<16xf32>
          %add3A_1446 = arith.addf %add3A_1306, %mul3A_1445 : vector<16xf32>
          %slice3A_1447 = vector.extract_strided_slice %get3A_356 {offsets = [7], sizes = [1], strides = [1]} : vector<16xf32> to vector<1xf32>
          %squeeze3A_1448 = vector.extract %slice3A_1447[0] : f32 from vector<1xf32>
          %mul3A_1449 = vector.broadcast %squeeze3A_1448 : f32 to vector<16xf32>
          %mul3A_1450 = arith.mulf %mul3A_1449, %get3A_1358 : vector<16xf32>
          %add3A_1451 = arith.addf %add3A_1311, %mul3A_1450 : vector<16xf32>
          %mul3A_1452 = vector.broadcast %squeeze3A_1448 : f32 to vector<16xf32>
          %mul3A_1453 = arith.mulf %mul3A_1452, %get3A_1364 : vector<16xf32>
          %add3A_1454 = arith.addf %add3A_1314, %mul3A_1453 : vector<16xf32>
          %mul3A_1455 = vector.broadcast %squeeze3A_1448 : f32 to vector<16xf32>
          %mul3A_1456 = arith.mulf %mul3A_1455, %get3A_1370 : vector<16xf32>
          %add3A_1457 = arith.addf %add3A_1317, %mul3A_1456 : vector<16xf32>
          %mul3A_1458 = vector.broadcast %squeeze3A_1448 : f32 to vector<16xf32>
          %mul3A_1459 = arith.mulf %mul3A_1458, %get3A_1376 : vector<16xf32>
          %add3A_1460 = arith.addf %add3A_1320, %mul3A_1459 : vector<16xf32>
          %slice3A_1461 = vector.extract_strided_slice %get3A_363 {offsets = [7], sizes = [1], strides = [1]} : vector<16xf32> to vector<1xf32>
          %squeeze3A_1462 = vector.extract %slice3A_1461[0] : f32 from vector<1xf32>
          %mul3A_1463 = vector.broadcast %squeeze3A_1462 : f32 to vector<16xf32>
          %mul3A_1464 = arith.mulf %mul3A_1463, %get3A_1358 : vector<16xf32>
          %add3A_1465 = arith.addf %add3A_1325, %mul3A_1464 : vector<16xf32>
          %mul3A_1466 = vector.broadcast %squeeze3A_1462 : f32 to vector<16xf32>
          %mul3A_1467 = arith.mulf %mul3A_1466, %get3A_1364 : vector<16xf32>
          %add3A_1468 = arith.addf %add3A_1328, %mul3A_1467 : vector<16xf32>
          %mul3A_1469 = vector.broadcast %squeeze3A_1462 : f32 to vector<16xf32>
          %mul3A_1470 = arith.mulf %mul3A_1469, %get3A_1370 : vector<16xf32>
          %add3A_1471 = arith.addf %add3A_1331, %mul3A_1470 : vector<16xf32>
          %mul3A_1472 = vector.broadcast %squeeze3A_1462 : f32 to vector<16xf32>
          %mul3A_1473 = arith.mulf %mul3A_1472, %get3A_1376 : vector<16xf32>
          %add3A_1474 = arith.addf %add3A_1334, %mul3A_1473 : vector<16xf32>
          %slice3A_1475 = vector.extract_strided_slice %get3A_370 {offsets = [7], sizes = [1], strides = [1]} : vector<16xf32> to vector<1xf32>
          %squeeze3A_1476 = vector.extract %slice3A_1475[0] : f32 from vector<1xf32>
          %mul3A_1477 = vector.broadcast %squeeze3A_1476 : f32 to vector<16xf32>
          %mul3A_1478 = arith.mulf %mul3A_1477, %get3A_1358 : vector<16xf32>
          %add3A_1479 = arith.addf %add3A_1339, %mul3A_1478 : vector<16xf32>
          %mul3A_1480 = vector.broadcast %squeeze3A_1476 : f32 to vector<16xf32>
          %mul3A_1481 = arith.mulf %mul3A_1480, %get3A_1364 : vector<16xf32>
          %add3A_1482 = arith.addf %add3A_1342, %mul3A_1481 : vector<16xf32>
          %mul3A_1483 = vector.broadcast %squeeze3A_1476 : f32 to vector<16xf32>
          %mul3A_1484 = arith.mulf %mul3A_1483, %get3A_1370 : vector<16xf32>
          %add3A_1485 = arith.addf %add3A_1345, %mul3A_1484 : vector<16xf32>
          %mul3A_1486 = vector.broadcast %squeeze3A_1476 : f32 to vector<16xf32>
          %mul3A_1487 = arith.mulf %mul3A_1486, %get3A_1376 : vector<16xf32>
          %add3A_1488 = arith.addf %add3A_1348, %mul3A_1487 : vector<16xf32>
          %mul3A_1489 = arith.constant 16 : i32
          %mul3A_1490 = arith.muli %scan3A_283, %mul3A_1489 : i32
          %add3A_1491 = arith.constant 8 : i32
          %add3A_1492 = arith.addi %mul3A_1490, %add3A_1491 : i32
          %add3A_1493 = arith.constant 0 : i32
          %add3A_1494 = arith.addi %mul3A_20, %add3A_1493 : i32
          %get3A_1495 = arith.index_cast %add3A_1492 : i32 to index
          %get3A_1496 = arith.index_cast %add3A_1494 : i32 to index
          %get3A_1497 = tpu.vector_load %arg6[%get3A_1495, %get3A_1496] {strides = array<i32>} : memref<64x512xf32, #tpu.memory_space<vmem>>, vector<1x16xf32>,
          %get3A_1498 = vector.shape_cast %get3A_1497 : vector<1x16xf32> to vector<16xf32>
          %add3A_1499 = arith.constant 16 : i32
          %add3A_1500 = arith.addi %mul3A_20, %add3A_1499 : i32
          %get3A_1501 = arith.index_cast %add3A_1492 : i32 to index
          %get3A_1502 = arith.index_cast %add3A_1500 : i32 to index
          %get3A_1503 = tpu.vector_load %arg6[%get3A_1501, %get3A_1502] {strides = array<i32>} : memref<64x512xf32, #tpu.memory_space<vmem>>, vector<1x16xf32>,
          %get3A_1504 = vector.shape_cast %get3A_1503 : vector<1x16xf32> to vector<16xf32>
          %add3A_1505 = arith.constant 32 : i32
          %add3A_1506 = arith.addi %mul3A_20, %add3A_1505 : i32
          %get3A_1507 = arith.index_cast %add3A_1492 : i32 to index
          %get3A_1508 = arith.index_cast %add3A_1506 : i32 to index
          %get3A_1509 = tpu.vector_load %arg6[%get3A_1507, %get3A_1508] {strides = array<i32>} : memref<64x512xf32, #tpu.memory_space<vmem>>, vector<1x16xf32>,
          %get3A_1510 = vector.shape_cast %get3A_1509 : vector<1x16xf32> to vector<16xf32>
          %add3A_1511 = arith.constant 48 : i32
          %add3A_1512 = arith.addi %mul3A_20, %add3A_1511 : i32
          %get3A_1513 = arith.index_cast %add3A_1492 : i32 to index
          %get3A_1514 = arith.index_cast %add3A_1512 : i32 to index
          %get3A_1515 = tpu.vector_load %arg6[%get3A_1513, %get3A_1514] {strides = array<i32>} : memref<64x512xf32, #tpu.memory_space<vmem>>, vector<1x16xf32>,
          %get3A_1516 = vector.shape_cast %get3A_1515 : vector<1x16xf32> to vector<16xf32>
          %slice3A_1517 = vector.extract_strided_slice %get3A_321 {offsets = [8], sizes = [1], strides = [1]} : vector<16xf32> to vector<1xf32>
          %squeeze3A_1518 = vector.extract %slice3A_1517[0] : f32 from vector<1xf32>
          %mul3A_1519 = vector.broadcast %squeeze3A_1518 : f32 to vector<16xf32>
          %mul3A_1520 = arith.mulf %mul3A_1519, %get3A_1498 : vector<16xf32>
          %add3A_1521 = arith.addf %add3A_1381, %mul3A_1520 : vector<16xf32>
          %mul3A_1522 = vector.broadcast %squeeze3A_1518 : f32 to vector<16xf32>
          %mul3A_1523 = arith.mulf %mul3A_1522, %get3A_1504 : vector<16xf32>
          %add3A_1524 = arith.addf %add3A_1384, %mul3A_1523 : vector<16xf32>
          %mul3A_1525 = vector.broadcast %squeeze3A_1518 : f32 to vector<16xf32>
          %mul3A_1526 = arith.mulf %mul3A_1525, %get3A_1510 : vector<16xf32>
          %add3A_1527 = arith.addf %add3A_1387, %mul3A_1526 : vector<16xf32>
          %mul3A_1528 = vector.broadcast %squeeze3A_1518 : f32 to vector<16xf32>
          %mul3A_1529 = arith.mulf %mul3A_1528, %get3A_1516 : vector<16xf32>
          %add3A_1530 = arith.addf %add3A_1390, %mul3A_1529 : vector<16xf32>
          %slice3A_1531 = vector.extract_strided_slice %get3A_328 {offsets = [8], sizes = [1], strides = [1]} : vector<16xf32> to vector<1xf32>
          %squeeze3A_1532 = vector.extract %slice3A_1531[0] : f32 from vector<1xf32>
          %mul3A_1533 = vector.broadcast %squeeze3A_1532 : f32 to vector<16xf32>
          %mul3A_1534 = arith.mulf %mul3A_1533, %get3A_1498 : vector<16xf32>
          %add3A_1535 = arith.addf %add3A_1395, %mul3A_1534 : vector<16xf32>
          %mul3A_1536 = vector.broadcast %squeeze3A_1532 : f32 to vector<16xf32>
          %mul3A_1537 = arith.mulf %mul3A_1536, %get3A_1504 : vector<16xf32>
          %add3A_1538 = arith.addf %add3A_1398, %mul3A_1537 : vector<16xf32>
          %mul3A_1539 = vector.broadcast %squeeze3A_1532 : f32 to vector<16xf32>
          %mul3A_1540 = arith.mulf %mul3A_1539, %get3A_1510 : vector<16xf32>
          %add3A_1541 = arith.addf %add3A_1401, %mul3A_1540 : vector<16xf32>
          %mul3A_1542 = vector.broadcast %squeeze3A_1532 : f32 to vector<16xf32>
          %mul3A_1543 = arith.mulf %mul3A_1542, %get3A_1516 : vector<16xf32>
          %add3A_1544 = arith.addf %add3A_1404, %mul3A_1543 : vector<16xf32>
          %slice3A_1545 = vector.extract_strided_slice %get3A_335 {offsets = [8], sizes = [1], strides = [1]} : vector<16xf32> to vector<1xf32>
          %squeeze3A_1546 = vector.extract %slice3A_1545[0] : f32 from vector<1xf32>
          %mul3A_1547 = vector.broadcast %squeeze3A_1546 : f32 to vector<16xf32>
          %mul3A_1548 = arith.mulf %mul3A_1547, %get3A_1498 : vector<16xf32>
          %add3A_1549 = arith.addf %add3A_1409, %mul3A_1548 : vector<16xf32>
          %mul3A_1550 = vector.broadcast %squeeze3A_1546 : f32 to vector<16xf32>
          %mul3A_1551 = arith.mulf %mul3A_1550, %get3A_1504 : vector<16xf32>
          %add3A_1552 = arith.addf %add3A_1412, %mul3A_1551 : vector<16xf32>
          %mul3A_1553 = vector.broadcast %squeeze3A_1546 : f32 to vector<16xf32>
          %mul3A_1554 = arith.mulf %mul3A_1553, %get3A_1510 : vector<16xf32>
          %add3A_1555 = arith.addf %add3A_1415, %mul3A_1554 : vector<16xf32>
          %mul3A_1556 = vector.broadcast %squeeze3A_1546 : f32 to vector<16xf32>
          %mul3A_1557 = arith.mulf %mul3A_1556, %get3A_1516 : vector<16xf32>
          %add3A_1558 = arith.addf %add3A_1418, %mul3A_1557 : vector<16xf32>
          %slice3A_1559 = vector.extract_strided_slice %get3A_342 {offsets = [8], sizes = [1], strides = [1]} : vector<16xf32> to vector<1xf32>
          %squeeze3A_1560 = vector.extract %slice3A_1559[0] : f32 from vector<1xf32>
          %mul3A_1561 = vector.broadcast %squeeze3A_1560 : f32 to vector<16xf32>
          %mul3A_1562 = arith.mulf %mul3A_1561, %get3A_1498 : vector<16xf32>
          %add3A_1563 = arith.addf %add3A_1423, %mul3A_1562 : vector<16xf32>
          %mul3A_1564 = vector.broadcast %squeeze3A_1560 : f32 to vector<16xf32>
          %mul3A_1565 = arith.mulf %mul3A_1564, %get3A_1504 : vector<16xf32>
          %add3A_1566 = arith.addf %add3A_1426, %mul3A_1565 : vector<16xf32>
          %mul3A_1567 = vector.broadcast %squeeze3A_1560 : f32 to vector<16xf32>
          %mul3A_1568 = arith.mulf %mul3A_1567, %get3A_1510 : vector<16xf32>
          %add3A_1569 = arith.addf %add3A_1429, %mul3A_1568 : vector<16xf32>
          %mul3A_1570 = vector.broadcast %squeeze3A_1560 : f32 to vector<16xf32>
          %mul3A_1571 = arith.mulf %mul3A_1570, %get3A_1516 : vector<16xf32>
          %add3A_1572 = arith.addf %add3A_1432, %mul3A_1571 : vector<16xf32>
          %slice3A_1573 = vector.extract_strided_slice %get3A_349 {offsets = [8], sizes = [1], strides = [1]} : vector<16xf32> to vector<1xf32>
          %squeeze3A_1574 = vector.extract %slice3A_1573[0] : f32 from vector<1xf32>
          %mul3A_1575 = vector.broadcast %squeeze3A_1574 : f32 to vector<16xf32>
          %mul3A_1576 = arith.mulf %mul3A_1575, %get3A_1498 : vector<16xf32>
          %add3A_1577 = arith.addf %add3A_1437, %mul3A_1576 : vector<16xf32>
          %mul3A_1578 = vector.broadcast %squeeze3A_1574 : f32 to vector<16xf32>
          %mul3A_1579 = arith.mulf %mul3A_1578, %get3A_1504 : vector<16xf32>
          %add3A_1580 = arith.addf %add3A_1440, %mul3A_1579 : vector<16xf32>
          %mul3A_1581 = vector.broadcast %squeeze3A_1574 : f32 to vector<16xf32>
          %mul3A_1582 = arith.mulf %mul3A_1581, %get3A_1510 : vector<16xf32>
          %add3A_1583 = arith.addf %add3A_1443, %mul3A_1582 : vector<16xf32>
          %mul3A_1584 = vector.broadcast %squeeze3A_1574 : f32 to vector<16xf32>
          %mul3A_1585 = arith.mulf %mul3A_1584, %get3A_1516 : vector<16xf32>
          %add3A_1586 = arith.addf %add3A_1446, %mul3A_1585 : vector<16xf32>
          %slice3A_1587 = vector.extract_strided_slice %get3A_356 {offsets = [8], sizes = [1], strides = [1]} : vector<16xf32> to vector<1xf32>
          %squeeze3A_1588 = vector.extract %slice3A_1587[0] : f32 from vector<1xf32>
          %mul3A_1589 = vector.broadcast %squeeze3A_1588 : f32 to vector<16xf32>
          %mul3A_1590 = arith.mulf %mul3A_1589, %get3A_1498 : vector<16xf32>
          %add3A_1591 = arith.addf %add3A_1451, %mul3A_1590 : vector<16xf32>
          %mul3A_1592 = vector.broadcast %squeeze3A_1588 : f32 to vector<16xf32>
          %mul3A_1593 = arith.mulf %mul3A_1592, %get3A_1504 : vector<16xf32>
          %add3A_1594 = arith.addf %add3A_1454, %mul3A_1593 : vector<16xf32>
          %mul3A_1595 = vector.broadcast %squeeze3A_1588 : f32 to vector<16xf32>
          %mul3A_1596 = arith.mulf %mul3A_1595, %get3A_1510 : vector<16xf32>
          %add3A_1597 = arith.addf %add3A_1457, %mul3A_1596 : vector<16xf32>
          %mul3A_1598 = vector.broadcast %squeeze3A_1588 : f32 to vector<16xf32>
          %mul3A_1599 = arith.mulf %mul3A_1598, %get3A_1516 : vector<16xf32>
          %add3A_1600 = arith.addf %add3A_1460, %mul3A_1599 : vector<16xf32>
          %slice3A_1601 = vector.extract_strided_slice %get3A_363 {offsets = [8], sizes = [1], strides = [1]} : vector<16xf32> to vector<1xf32>
          %squeeze3A_1602 = vector.extract %slice3A_1601[0] : f32 from vector<1xf32>
          %mul3A_1603 = vector.broadcast %squeeze3A_1602 : f32 to vector<16xf32>
          %mul3A_1604 = arith.mulf %mul3A_1603, %get3A_1498 : vector<16xf32>
          %add3A_1605 = arith.addf %add3A_1465, %mul3A_1604 : vector<16xf32>
          %mul3A_1606 = vector.broadcast %squeeze3A_1602 : f32 to vector<16xf32>
          %mul3A_1607 = arith.mulf %mul3A_1606, %get3A_1504 : vector<16xf32>
          %add3A_1608 = arith.addf %add3A_1468, %mul3A_1607 : vector<16xf32>
          %mul3A_1609 = vector.broadcast %squeeze3A_1602 : f32 to vector<16xf32>
          %mul3A_1610 = arith.mulf %mul3A_1609, %get3A_1510 : vector<16xf32>
          %add3A_1611 = arith.addf %add3A_1471, %mul3A_1610 : vector<16xf32>
          %mul3A_1612 = vector.broadcast %squeeze3A_1602 : f32 to vector<16xf32>
          %mul3A_1613 = arith.mulf %mul3A_1612, %get3A_1516 : vector<16xf32>
          %add3A_1614 = arith.addf %add3A_1474, %mul3A_1613 : vector<16xf32>
          %slice3A_1615 = vector.extract_strided_slice %get3A_370 {offsets = [8], sizes = [1], strides = [1]} : vector<16xf32> to vector<1xf32>
          %squeeze3A_1616 = vector.extract %slice3A_1615[0] : f32 from vector<1xf32>
          %mul3A_1617 = vector.broadcast %squeeze3A_1616 : f32 to vector<16xf32>
          %mul3A_1618 = arith.mulf %mul3A_1617, %get3A_1498 : vector<16xf32>
          %add3A_1619 = arith.addf %add3A_1479, %mul3A_1618 : vector<16xf32>
          %mul3A_1620 = vector.broadcast %squeeze3A_1616 : f32 to vector<16xf32>
          %mul3A_1621 = arith.mulf %mul3A_1620, %get3A_1504 : vector<16xf32>
          %add3A_1622 = arith.addf %add3A_1482, %mul3A_1621 : vector<16xf32>
          %mul3A_1623 = vector.broadcast %squeeze3A_1616 : f32 to vector<16xf32>
          %mul3A_1624 = arith.mulf %mul3A_1623, %get3A_1510 : vector<16xf32>
          %add3A_1625 = arith.addf %add3A_1485, %mul3A_1624 : vector<16xf32>
          %mul3A_1626 = vector.broadcast %squeeze3A_1616 : f32 to vector<16xf32>
          %mul3A_1627 = arith.mulf %mul3A_1626, %get3A_1516 : vector<16xf32>
          %add3A_1628 = arith.addf %add3A_1488, %mul3A_1627 : vector<16xf32>
          %mul3A_1629 = arith.constant 16 : i32
          %mul3A_1630 = arith.muli %scan3A_283, %mul3A_1629 : i32
          %add3A_1631 = arith.constant 9 : i32
          %add3A_1632 = arith.addi %mul3A_1630, %add3A_1631 : i32
          %add3A_1633 = arith.constant 0 : i32
          %add3A_1634 = arith.addi %mul3A_20, %add3A_1633 : i32
          %get3A_1635 = arith.index_cast %add3A_1632 : i32 to index
          %get3A_1636 = arith.index_cast %add3A_1634 : i32 to index
          %get3A_1637 = tpu.vector_load %arg6[%get3A_1635, %get3A_1636] {strides = array<i32>} : memref<64x512xf32, #tpu.memory_space<vmem>>, vector<1x16xf32>,
          %get3A_1638 = vector.shape_cast %get3A_1637 : vector<1x16xf32> to vector<16xf32>
          %add3A_1639 = arith.constant 16 : i32
          %add3A_1640 = arith.addi %mul3A_20, %add3A_1639 : i32
          %get3A_1641 = arith.index_cast %add3A_1632 : i32 to index
          %get3A_1642 = arith.index_cast %add3A_1640 : i32 to index
          %get3A_1643 = tpu.vector_load %arg6[%get3A_1641, %get3A_1642] {strides = array<i32>} : memref<64x512xf32, #tpu.memory_space<vmem>>, vector<1x16xf32>,
          %get3A_1644 = vector.shape_cast %get3A_1643 : vector<1x16xf32> to vector<16xf32>
          %add3A_1645 = arith.constant 32 : i32
          %add3A_1646 = arith.addi %mul3A_20, %add3A_1645 : i32
          %get3A_1647 = arith.index_cast %add3A_1632 : i32 to index
          %get3A_1648 = arith.index_cast %add3A_1646 : i32 to index
          %get3A_1649 = tpu.vector_load %arg6[%get3A_1647, %get3A_1648] {strides = array<i32>} : memref<64x512xf32, #tpu.memory_space<vmem>>, vector<1x16xf32>,
          %get3A_1650 = vector.shape_cast %get3A_1649 : vector<1x16xf32> to vector<16xf32>
          %add3A_1651 = arith.constant 48 : i32
          %add3A_1652 = arith.addi %mul3A_20, %add3A_1651 : i32
          %get3A_1653 = arith.index_cast %add3A_1632 : i32 to index
          %get3A_1654 = arith.index_cast %add3A_1652 : i32 to index
          %get3A_1655 = tpu.vector_load %arg6[%get3A_1653, %get3A_1654] {strides = array<i32>} : memref<64x512xf32, #tpu.memory_space<vmem>>, vector<1x16xf32>,
          %get3A_1656 = vector.shape_cast %get3A_1655 : vector<1x16xf32> to vector<16xf32>
          %slice3A_1657 = vector.extract_strided_slice %get3A_321 {offsets = [9], sizes = [1], strides = [1]} : vector<16xf32> to vector<1xf32>
          %squeeze3A_1658 = vector.extract %slice3A_1657[0] : f32 from vector<1xf32>
          %mul3A_1659 = vector.broadcast %squeeze3A_1658 : f32 to vector<16xf32>
          %mul3A_1660 = arith.mulf %mul3A_1659, %get3A_1638 : vector<16xf32>
          %add3A_1661 = arith.addf %add3A_1521, %mul3A_1660 : vector<16xf32>
          %mul3A_1662 = vector.broadcast %squeeze3A_1658 : f32 to vector<16xf32>
          %mul3A_1663 = arith.mulf %mul3A_1662, %get3A_1644 : vector<16xf32>
          %add3A_1664 = arith.addf %add3A_1524, %mul3A_1663 : vector<16xf32>
          %mul3A_1665 = vector.broadcast %squeeze3A_1658 : f32 to vector<16xf32>
          %mul3A_1666 = arith.mulf %mul3A_1665, %get3A_1650 : vector<16xf32>
          %add3A_1667 = arith.addf %add3A_1527, %mul3A_1666 : vector<16xf32>
          %mul3A_1668 = vector.broadcast %squeeze3A_1658 : f32 to vector<16xf32>
          %mul3A_1669 = arith.mulf %mul3A_1668, %get3A_1656 : vector<16xf32>
          %add3A_1670 = arith.addf %add3A_1530, %mul3A_1669 : vector<16xf32>
          %slice3A_1671 = vector.extract_strided_slice %get3A_328 {offsets = [9], sizes = [1], strides = [1]} : vector<16xf32> to vector<1xf32>
          %squeeze3A_1672 = vector.extract %slice3A_1671[0] : f32 from vector<1xf32>
          %mul3A_1673 = vector.broadcast %squeeze3A_1672 : f32 to vector<16xf32>
          %mul3A_1674 = arith.mulf %mul3A_1673, %get3A_1638 : vector<16xf32>
          %add3A_1675 = arith.addf %add3A_1535, %mul3A_1674 : vector<16xf32>
          %mul3A_1676 = vector.broadcast %squeeze3A_1672 : f32 to vector<16xf32>
          %mul3A_1677 = arith.mulf %mul3A_1676, %get3A_1644 : vector<16xf32>
          %add3A_1678 = arith.addf %add3A_1538, %mul3A_1677 : vector<16xf32>
          %mul3A_1679 = vector.broadcast %squeeze3A_1672 : f32 to vector<16xf32>
          %mul3A_1680 = arith.mulf %mul3A_1679, %get3A_1650 : vector<16xf32>
          %add3A_1681 = arith.addf %add3A_1541, %mul3A_1680 : vector<16xf32>
          %mul3A_1682 = vector.broadcast %squeeze3A_1672 : f32 to vector<16xf32>
          %mul3A_1683 = arith.mulf %mul3A_1682, %get3A_1656 : vector<16xf32>
          %add3A_1684 = arith.addf %add3A_1544, %mul3A_1683 : vector<16xf32>
          %slice3A_1685 = vector.extract_strided_slice %get3A_335 {offsets = [9], sizes = [1], strides = [1]} : vector<16xf32> to vector<1xf32>
          %squeeze3A_1686 = vector.extract %slice3A_1685[0] : f32 from vector<1xf32>
          %mul3A_1687 = vector.broadcast %squeeze3A_1686 : f32 to vector<16xf32>
          %mul3A_1688 = arith.mulf %mul3A_1687, %get3A_1638 : vector<16xf32>
          %add3A_1689 = arith.addf %add3A_1549, %mul3A_1688 : vector<16xf32>
          %mul3A_1690 = vector.broadcast %squeeze3A_1686 : f32 to vector<16xf32>
          %mul3A_1691 = arith.mulf %mul3A_1690, %get3A_1644 : vector<16xf32>
          %add3A_1692 = arith.addf %add3A_1552, %mul3A_1691 : vector<16xf32>
          %mul3A_1693 = vector.broadcast %squeeze3A_1686 : f32 to vector<16xf32>
          %mul3A_1694 = arith.mulf %mul3A_1693, %get3A_1650 : vector<16xf32>
          %add3A_1695 = arith.addf %add3A_1555, %mul3A_1694 : vector<16xf32>
          %mul3A_1696 = vector.broadcast %squeeze3A_1686 : f32 to vector<16xf32>
          %mul3A_1697 = arith.mulf %mul3A_1696, %get3A_1656 : vector<16xf32>
          %add3A_1698 = arith.addf %add3A_1558, %mul3A_1697 : vector<16xf32>
          %slice3A_1699 = vector.extract_strided_slice %get3A_342 {offsets = [9], sizes = [1], strides = [1]} : vector<16xf32> to vector<1xf32>
          %squeeze3A_1700 = vector.extract %slice3A_1699[0] : f32 from vector<1xf32>
          %mul3A_1701 = vector.broadcast %squeeze3A_1700 : f32 to vector<16xf32>
          %mul3A_1702 = arith.mulf %mul3A_1701, %get3A_1638 : vector<16xf32>
          %add3A_1703 = arith.addf %add3A_1563, %mul3A_1702 : vector<16xf32>
          %mul3A_1704 = vector.broadcast %squeeze3A_1700 : f32 to vector<16xf32>
          %mul3A_1705 = arith.mulf %mul3A_1704, %get3A_1644 : vector<16xf32>
          %add3A_1706 = arith.addf %add3A_1566, %mul3A_1705 : vector<16xf32>
          %mul3A_1707 = vector.broadcast %squeeze3A_1700 : f32 to vector<16xf32>
          %mul3A_1708 = arith.mulf %mul3A_1707, %get3A_1650 : vector<16xf32>
          %add3A_1709 = arith.addf %add3A_1569, %mul3A_1708 : vector<16xf32>
          %mul3A_1710 = vector.broadcast %squeeze3A_1700 : f32 to vector<16xf32>
          %mul3A_1711 = arith.mulf %mul3A_1710, %get3A_1656 : vector<16xf32>
          %add3A_1712 = arith.addf %add3A_1572, %mul3A_1711 : vector<16xf32>
          %slice3A_1713 = vector.extract_strided_slice %get3A_349 {offsets = [9], sizes = [1], strides = [1]} : vector<16xf32> to vector<1xf32>
          %squeeze3A_1714 = vector.extract %slice3A_1713[0] : f32 from vector<1xf32>
          %mul3A_1715 = vector.broadcast %squeeze3A_1714 : f32 to vector<16xf32>
          %mul3A_1716 = arith.mulf %mul3A_1715, %get3A_1638 : vector<16xf32>
          %add3A_1717 = arith.addf %add3A_1577, %mul3A_1716 : vector<16xf32>
          %mul3A_1718 = vector.broadcast %squeeze3A_1714 : f32 to vector<16xf32>
          %mul3A_1719 = arith.mulf %mul3A_1718, %get3A_1644 : vector<16xf32>
          %add3A_1720 = arith.addf %add3A_1580, %mul3A_1719 : vector<16xf32>
          %mul3A_1721 = vector.broadcast %squeeze3A_1714 : f32 to vector<16xf32>
          %mul3A_1722 = arith.mulf %mul3A_1721, %get3A_1650 : vector<16xf32>
          %add3A_1723 = arith.addf %add3A_1583, %mul3A_1722 : vector<16xf32>
          %mul3A_1724 = vector.broadcast %squeeze3A_1714 : f32 to vector<16xf32>
          %mul3A_1725 = arith.mulf %mul3A_1724, %get3A_1656 : vector<16xf32>
          %add3A_1726 = arith.addf %add3A_1586, %mul3A_1725 : vector<16xf32>
          %slice3A_1727 = vector.extract_strided_slice %get3A_356 {offsets = [9], sizes = [1], strides = [1]} : vector<16xf32> to vector<1xf32>
          %squeeze3A_1728 = vector.extract %slice3A_1727[0] : f32 from vector<1xf32>
          %mul3A_1729 = vector.broadcast %squeeze3A_1728 : f32 to vector<16xf32>
          %mul3A_1730 = arith.mulf %mul3A_1729, %get3A_1638 : vector<16xf32>
          %add3A_1731 = arith.addf %add3A_1591, %mul3A_1730 : vector<16xf32>
          %mul3A_1732 = vector.broadcast %squeeze3A_1728 : f32 to vector<16xf32>
          %mul3A_1733 = arith.mulf %mul3A_1732, %get3A_1644 : vector<16xf32>
          %add3A_1734 = arith.addf %add3A_1594, %mul3A_1733 : vector<16xf32>
          %mul3A_1735 = vector.broadcast %squeeze3A_1728 : f32 to vector<16xf32>
          %mul3A_1736 = arith.mulf %mul3A_1735, %get3A_1650 : vector<16xf32>
          %add3A_1737 = arith.addf %add3A_1597, %mul3A_1736 : vector<16xf32>
          %mul3A_1738 = vector.broadcast %squeeze3A_1728 : f32 to vector<16xf32>
          %mul3A_1739 = arith.mulf %mul3A_1738, %get3A_1656 : vector<16xf32>
          %add3A_1740 = arith.addf %add3A_1600, %mul3A_1739 : vector<16xf32>
          %slice3A_1741 = vector.extract_strided_slice %get3A_363 {offsets = [9], sizes = [1], strides = [1]} : vector<16xf32> to vector<1xf32>
          %squeeze3A_1742 = vector.extract %slice3A_1741[0] : f32 from vector<1xf32>
          %mul3A_1743 = vector.broadcast %squeeze3A_1742 : f32 to vector<16xf32>
          %mul3A_1744 = arith.mulf %mul3A_1743, %get3A_1638 : vector<16xf32>
          %add3A_1745 = arith.addf %add3A_1605, %mul3A_1744 : vector<16xf32>
          %mul3A_1746 = vector.broadcast %squeeze3A_1742 : f32 to vector<16xf32>
          %mul3A_1747 = arith.mulf %mul3A_1746, %get3A_1644 : vector<16xf32>
          %add3A_1748 = arith.addf %add3A_1608, %mul3A_1747 : vector<16xf32>
          %mul3A_1749 = vector.broadcast %squeeze3A_1742 : f32 to vector<16xf32>
          %mul3A_1750 = arith.mulf %mul3A_1749, %get3A_1650 : vector<16xf32>
          %add3A_1751 = arith.addf %add3A_1611, %mul3A_1750 : vector<16xf32>
          %mul3A_1752 = vector.broadcast %squeeze3A_1742 : f32 to vector<16xf32>
          %mul3A_1753 = arith.mulf %mul3A_1752, %get3A_1656 : vector<16xf32>
          %add3A_1754 = arith.addf %add3A_1614, %mul3A_1753 : vector<16xf32>
          %slice3A_1755 = vector.extract_strided_slice %get3A_370 {offsets = [9], sizes = [1], strides = [1]} : vector<16xf32> to vector<1xf32>
          %squeeze3A_1756 = vector.extract %slice3A_1755[0] : f32 from vector<1xf32>
          %mul3A_1757 = vector.broadcast %squeeze3A_1756 : f32 to vector<16xf32>
          %mul3A_1758 = arith.mulf %mul3A_1757, %get3A_1638 : vector<16xf32>
          %add3A_1759 = arith.addf %add3A_1619, %mul3A_1758 : vector<16xf32>
          %mul3A_1760 = vector.broadcast %squeeze3A_1756 : f32 to vector<16xf32>
          %mul3A_1761 = arith.mulf %mul3A_1760, %get3A_1644 : vector<16xf32>
          %add3A_1762 = arith.addf %add3A_1622, %mul3A_1761 : vector<16xf32>
          %mul3A_1763 = vector.broadcast %squeeze3A_1756 : f32 to vector<16xf32>
          %mul3A_1764 = arith.mulf %mul3A_1763, %get3A_1650 : vector<16xf32>
          %add3A_1765 = arith.addf %add3A_1625, %mul3A_1764 : vector<16xf32>
          %mul3A_1766 = vector.broadcast %squeeze3A_1756 : f32 to vector<16xf32>
          %mul3A_1767 = arith.mulf %mul3A_1766, %get3A_1656 : vector<16xf32>
          %add3A_1768 = arith.addf %add3A_1628, %mul3A_1767 : vector<16xf32>
          %mul3A_1769 = arith.constant 16 : i32
          %mul3A_1770 = arith.muli %scan3A_283, %mul3A_1769 : i32
          %add3A_1771 = arith.constant 10 : i32
          %add3A_1772 = arith.addi %mul3A_1770, %add3A_1771 : i32
          %add3A_1773 = arith.constant 0 : i32
          %add3A_1774 = arith.addi %mul3A_20, %add3A_1773 : i32
          %get3A_1775 = arith.index_cast %add3A_1772 : i32 to index
          %get3A_1776 = arith.index_cast %add3A_1774 : i32 to index
          %get3A_1777 = tpu.vector_load %arg6[%get3A_1775, %get3A_1776] {strides = array<i32>} : memref<64x512xf32, #tpu.memory_space<vmem>>, vector<1x16xf32>,
          %get3A_1778 = vector.shape_cast %get3A_1777 : vector<1x16xf32> to vector<16xf32>
          %add3A_1779 = arith.constant 16 : i32
          %add3A_1780 = arith.addi %mul3A_20, %add3A_1779 : i32
          %get3A_1781 = arith.index_cast %add3A_1772 : i32 to index
          %get3A_1782 = arith.index_cast %add3A_1780 : i32 to index
          %get3A_1783 = tpu.vector_load %arg6[%get3A_1781, %get3A_1782] {strides = array<i32>} : memref<64x512xf32, #tpu.memory_space<vmem>>, vector<1x16xf32>,
          %get3A_1784 = vector.shape_cast %get3A_1783 : vector<1x16xf32> to vector<16xf32>
          %add3A_1785 = arith.constant 32 : i32
          %add3A_1786 = arith.addi %mul3A_20, %add3A_1785 : i32
          %get3A_1787 = arith.index_cast %add3A_1772 : i32 to index
          %get3A_1788 = arith.index_cast %add3A_1786 : i32 to index
          %get3A_1789 = tpu.vector_load %arg6[%get3A_1787, %get3A_1788] {strides = array<i32>} : memref<64x512xf32, #tpu.memory_space<vmem>>, vector<1x16xf32>,
          %get3A_1790 = vector.shape_cast %get3A_1789 : vector<1x16xf32> to vector<16xf32>
          %add3A_1791 = arith.constant 48 : i32
          %add3A_1792 = arith.addi %mul3A_20, %add3A_1791 : i32
          %get3A_1793 = arith.index_cast %add3A_1772 : i32 to index
          %get3A_1794 = arith.index_cast %add3A_1792 : i32 to index
          %get3A_1795 = tpu.vector_load %arg6[%get3A_1793, %get3A_1794] {strides = array<i32>} : memref<64x512xf32, #tpu.memory_space<vmem>>, vector<1x16xf32>,
          %get3A_1796 = vector.shape_cast %get3A_1795 : vector<1x16xf32> to vector<16xf32>
          %slice3A_1797 = vector.extract_strided_slice %get3A_321 {offsets = [10], sizes = [1], strides = [1]} : vector<16xf32> to vector<1xf32>
          %squeeze3A_1798 = vector.extract %slice3A_1797[0] : f32 from vector<1xf32>
          %mul3A_1799 = vector.broadcast %squeeze3A_1798 : f32 to vector<16xf32>
          %mul3A_1800 = arith.mulf %mul3A_1799, %get3A_1778 : vector<16xf32>
          %add3A_1801 = arith.addf %add3A_1661, %mul3A_1800 : vector<16xf32>
          %mul3A_1802 = vector.broadcast %squeeze3A_1798 : f32 to vector<16xf32>
          %mul3A_1803 = arith.mulf %mul3A_1802, %get3A_1784 : vector<16xf32>
          %add3A_1804 = arith.addf %add3A_1664, %mul3A_1803 : vector<16xf32>
          %mul3A_1805 = vector.broadcast %squeeze3A_1798 : f32 to vector<16xf32>
          %mul3A_1806 = arith.mulf %mul3A_1805, %get3A_1790 : vector<16xf32>
          %add3A_1807 = arith.addf %add3A_1667, %mul3A_1806 : vector<16xf32>
          %mul3A_1808 = vector.broadcast %squeeze3A_1798 : f32 to vector<16xf32>
          %mul3A_1809 = arith.mulf %mul3A_1808, %get3A_1796 : vector<16xf32>
          %add3A_1810 = arith.addf %add3A_1670, %mul3A_1809 : vector<16xf32>
          %slice3A_1811 = vector.extract_strided_slice %get3A_328 {offsets = [10], sizes = [1], strides = [1]} : vector<16xf32> to vector<1xf32>
          %squeeze3A_1812 = vector.extract %slice3A_1811[0] : f32 from vector<1xf32>
          %mul3A_1813 = vector.broadcast %squeeze3A_1812 : f32 to vector<16xf32>
          %mul3A_1814 = arith.mulf %mul3A_1813, %get3A_1778 : vector<16xf32>
          %add3A_1815 = arith.addf %add3A_1675, %mul3A_1814 : vector<16xf32>
          %mul3A_1816 = vector.broadcast %squeeze3A_1812 : f32 to vector<16xf32>
          %mul3A_1817 = arith.mulf %mul3A_1816, %get3A_1784 : vector<16xf32>
          %add3A_1818 = arith.addf %add3A_1678, %mul3A_1817 : vector<16xf32>
          %mul3A_1819 = vector.broadcast %squeeze3A_1812 : f32 to vector<16xf32>
          %mul3A_1820 = arith.mulf %mul3A_1819, %get3A_1790 : vector<16xf32>
          %add3A_1821 = arith.addf %add3A_1681, %mul3A_1820 : vector<16xf32>
          %mul3A_1822 = vector.broadcast %squeeze3A_1812 : f32 to vector<16xf32>
          %mul3A_1823 = arith.mulf %mul3A_1822, %get3A_1796 : vector<16xf32>
          %add3A_1824 = arith.addf %add3A_1684, %mul3A_1823 : vector<16xf32>
          %slice3A_1825 = vector.extract_strided_slice %get3A_335 {offsets = [10], sizes = [1], strides = [1]} : vector<16xf32> to vector<1xf32>
          %squeeze3A_1826 = vector.extract %slice3A_1825[0] : f32 from vector<1xf32>
          %mul3A_1827 = vector.broadcast %squeeze3A_1826 : f32 to vector<16xf32>
          %mul3A_1828 = arith.mulf %mul3A_1827, %get3A_1778 : vector<16xf32>
          %add3A_1829 = arith.addf %add3A_1689, %mul3A_1828 : vector<16xf32>
          %mul3A_1830 = vector.broadcast %squeeze3A_1826 : f32 to vector<16xf32>
          %mul3A_1831 = arith.mulf %mul3A_1830, %get3A_1784 : vector<16xf32>
          %add3A_1832 = arith.addf %add3A_1692, %mul3A_1831 : vector<16xf32>
          %mul3A_1833 = vector.broadcast %squeeze3A_1826 : f32 to vector<16xf32>
          %mul3A_1834 = arith.mulf %mul3A_1833, %get3A_1790 : vector<16xf32>
          %add3A_1835 = arith.addf %add3A_1695, %mul3A_1834 : vector<16xf32>
          %mul3A_1836 = vector.broadcast %squeeze3A_1826 : f32 to vector<16xf32>
          %mul3A_1837 = arith.mulf %mul3A_1836, %get3A_1796 : vector<16xf32>
          %add3A_1838 = arith.addf %add3A_1698, %mul3A_1837 : vector<16xf32>
          %slice3A_1839 = vector.extract_strided_slice %get3A_342 {offsets = [10], sizes = [1], strides = [1]} : vector<16xf32> to vector<1xf32>
          %squeeze3A_1840 = vector.extract %slice3A_1839[0] : f32 from vector<1xf32>
          %mul3A_1841 = vector.broadcast %squeeze3A_1840 : f32 to vector<16xf32>
          %mul3A_1842 = arith.mulf %mul3A_1841, %get3A_1778 : vector<16xf32>
          %add3A_1843 = arith.addf %add3A_1703, %mul3A_1842 : vector<16xf32>
          %mul3A_1844 = vector.broadcast %squeeze3A_1840 : f32 to vector<16xf32>
          %mul3A_1845 = arith.mulf %mul3A_1844, %get3A_1784 : vector<16xf32>
          %add3A_1846 = arith.addf %add3A_1706, %mul3A_1845 : vector<16xf32>
          %mul3A_1847 = vector.broadcast %squeeze3A_1840 : f32 to vector<16xf32>
          %mul3A_1848 = arith.mulf %mul3A_1847, %get3A_1790 : vector<16xf32>
          %add3A_1849 = arith.addf %add3A_1709, %mul3A_1848 : vector<16xf32>
          %mul3A_1850 = vector.broadcast %squeeze3A_1840 : f32 to vector<16xf32>
          %mul3A_1851 = arith.mulf %mul3A_1850, %get3A_1796 : vector<16xf32>
          %add3A_1852 = arith.addf %add3A_1712, %mul3A_1851 : vector<16xf32>
          %slice3A_1853 = vector.extract_strided_slice %get3A_349 {offsets = [10], sizes = [1], strides = [1]} : vector<16xf32> to vector<1xf32>
          %squeeze3A_1854 = vector.extract %slice3A_1853[0] : f32 from vector<1xf32>
          %mul3A_1855 = vector.broadcast %squeeze3A_1854 : f32 to vector<16xf32>
          %mul3A_1856 = arith.mulf %mul3A_1855, %get3A_1778 : vector<16xf32>
          %add3A_1857 = arith.addf %add3A_1717, %mul3A_1856 : vector<16xf32>
          %mul3A_1858 = vector.broadcast %squeeze3A_1854 : f32 to vector<16xf32>
          %mul3A_1859 = arith.mulf %mul3A_1858, %get3A_1784 : vector<16xf32>
          %add3A_1860 = arith.addf %add3A_1720, %mul3A_1859 : vector<16xf32>
          %mul3A_1861 = vector.broadcast %squeeze3A_1854 : f32 to vector<16xf32>
          %mul3A_1862 = arith.mulf %mul3A_1861, %get3A_1790 : vector<16xf32>
          %add3A_1863 = arith.addf %add3A_1723, %mul3A_1862 : vector<16xf32>
          %mul3A_1864 = vector.broadcast %squeeze3A_1854 : f32 to vector<16xf32>
          %mul3A_1865 = arith.mulf %mul3A_1864, %get3A_1796 : vector<16xf32>
          %add3A_1866 = arith.addf %add3A_1726, %mul3A_1865 : vector<16xf32>
          %slice3A_1867 = vector.extract_strided_slice %get3A_356 {offsets = [10], sizes = [1], strides = [1]} : vector<16xf32> to vector<1xf32>
          %squeeze3A_1868 = vector.extract %slice3A_1867[0] : f32 from vector<1xf32>
          %mul3A_1869 = vector.broadcast %squeeze3A_1868 : f32 to vector<16xf32>
          %mul3A_1870 = arith.mulf %mul3A_1869, %get3A_1778 : vector<16xf32>
          %add3A_1871 = arith.addf %add3A_1731, %mul3A_1870 : vector<16xf32>
          %mul3A_1872 = vector.broadcast %squeeze3A_1868 : f32 to vector<16xf32>
          %mul3A_1873 = arith.mulf %mul3A_1872, %get3A_1784 : vector<16xf32>
          %add3A_1874 = arith.addf %add3A_1734, %mul3A_1873 : vector<16xf32>
          %mul3A_1875 = vector.broadcast %squeeze3A_1868 : f32 to vector<16xf32>
          %mul3A_1876 = arith.mulf %mul3A_1875, %get3A_1790 : vector<16xf32>
          %add3A_1877 = arith.addf %add3A_1737, %mul3A_1876 : vector<16xf32>
          %mul3A_1878 = vector.broadcast %squeeze3A_1868 : f32 to vector<16xf32>
          %mul3A_1879 = arith.mulf %mul3A_1878, %get3A_1796 : vector<16xf32>
          %add3A_1880 = arith.addf %add3A_1740, %mul3A_1879 : vector<16xf32>
          %slice3A_1881 = vector.extract_strided_slice %get3A_363 {offsets = [10], sizes = [1], strides = [1]} : vector<16xf32> to vector<1xf32>
          %squeeze3A_1882 = vector.extract %slice3A_1881[0] : f32 from vector<1xf32>
          %mul3A_1883 = vector.broadcast %squeeze3A_1882 : f32 to vector<16xf32>
          %mul3A_1884 = arith.mulf %mul3A_1883, %get3A_1778 : vector<16xf32>
          %add3A_1885 = arith.addf %add3A_1745, %mul3A_1884 : vector<16xf32>
          %mul3A_1886 = vector.broadcast %squeeze3A_1882 : f32 to vector<16xf32>
          %mul3A_1887 = arith.mulf %mul3A_1886, %get3A_1784 : vector<16xf32>
          %add3A_1888 = arith.addf %add3A_1748, %mul3A_1887 : vector<16xf32>
          %mul3A_1889 = vector.broadcast %squeeze3A_1882 : f32 to vector<16xf32>
          %mul3A_1890 = arith.mulf %mul3A_1889, %get3A_1790 : vector<16xf32>
          %add3A_1891 = arith.addf %add3A_1751, %mul3A_1890 : vector<16xf32>
          %mul3A_1892 = vector.broadcast %squeeze3A_1882 : f32 to vector<16xf32>
          %mul3A_1893 = arith.mulf %mul3A_1892, %get3A_1796 : vector<16xf32>
          %add3A_1894 = arith.addf %add3A_1754, %mul3A_1893 : vector<16xf32>
          %slice3A_1895 = vector.extract_strided_slice %get3A_370 {offsets = [10], sizes = [1], strides = [1]} : vector<16xf32> to vector<1xf32>
          %squeeze3A_1896 = vector.extract %slice3A_1895[0] : f32 from vector<1xf32>
          %mul3A_1897 = vector.broadcast %squeeze3A_1896 : f32 to vector<16xf32>
          %mul3A_1898 = arith.mulf %mul3A_1897, %get3A_1778 : vector<16xf32>
          %add3A_1899 = arith.addf %add3A_1759, %mul3A_1898 : vector<16xf32>
          %mul3A_1900 = vector.broadcast %squeeze3A_1896 : f32 to vector<16xf32>
          %mul3A_1901 = arith.mulf %mul3A_1900, %get3A_1784 : vector<16xf32>
          %add3A_1902 = arith.addf %add3A_1762, %mul3A_1901 : vector<16xf32>
          %mul3A_1903 = vector.broadcast %squeeze3A_1896 : f32 to vector<16xf32>
          %mul3A_1904 = arith.mulf %mul3A_1903, %get3A_1790 : vector<16xf32>
          %add3A_1905 = arith.addf %add3A_1765, %mul3A_1904 : vector<16xf32>
          %mul3A_1906 = vector.broadcast %squeeze3A_1896 : f32 to vector<16xf32>
          %mul3A_1907 = arith.mulf %mul3A_1906, %get3A_1796 : vector<16xf32>
          %add3A_1908 = arith.addf %add3A_1768, %mul3A_1907 : vector<16xf32>
          %mul3A_1909 = arith.constant 16 : i32
          %mul3A_1910 = arith.muli %scan3A_283, %mul3A_1909 : i32
          %add3A_1911 = arith.constant 11 : i32
          %add3A_1912 = arith.addi %mul3A_1910, %add3A_1911 : i32
          %add3A_1913 = arith.constant 0 : i32
          %add3A_1914 = arith.addi %mul3A_20, %add3A_1913 : i32
          %get3A_1915 = arith.index_cast %add3A_1912 : i32 to index
          %get3A_1916 = arith.index_cast %add3A_1914 : i32 to index
          %get3A_1917 = tpu.vector_load %arg6[%get3A_1915, %get3A_1916] {strides = array<i32>} : memref<64x512xf32, #tpu.memory_space<vmem>>, vector<1x16xf32>,
          %get3A_1918 = vector.shape_cast %get3A_1917 : vector<1x16xf32> to vector<16xf32>
          %add3A_1919 = arith.constant 16 : i32
          %add3A_1920 = arith.addi %mul3A_20, %add3A_1919 : i32
          %get3A_1921 = arith.index_cast %add3A_1912 : i32 to index
          %get3A_1922 = arith.index_cast %add3A_1920 : i32 to index
          %get3A_1923 = tpu.vector_load %arg6[%get3A_1921, %get3A_1922] {strides = array<i32>} : memref<64x512xf32, #tpu.memory_space<vmem>>, vector<1x16xf32>,
          %get3A_1924 = vector.shape_cast %get3A_1923 : vector<1x16xf32> to vector<16xf32>
          %add3A_1925 = arith.constant 32 : i32
          %add3A_1926 = arith.addi %mul3A_20, %add3A_1925 : i32
          %get3A_1927 = arith.index_cast %add3A_1912 : i32 to index
          %get3A_1928 = arith.index_cast %add3A_1926 : i32 to index
          %get3A_1929 = tpu.vector_load %arg6[%get3A_1927, %get3A_1928] {strides = array<i32>} : memref<64x512xf32, #tpu.memory_space<vmem>>, vector<1x16xf32>,
          %get3A_1930 = vector.shape_cast %get3A_1929 : vector<1x16xf32> to vector<16xf32>
          %add3A_1931 = arith.constant 48 : i32
          %add3A_1932 = arith.addi %mul3A_20, %add3A_1931 : i32
          %get3A_1933 = arith.index_cast %add3A_1912 : i32 to index
          %get3A_1934 = arith.index_cast %add3A_1932 : i32 to index
          %get3A_1935 = tpu.vector_load %arg6[%get3A_1933, %get3A_1934] {strides = array<i32>} : memref<64x512xf32, #tpu.memory_space<vmem>>, vector<1x16xf32>,
          %get3A_1936 = vector.shape_cast %get3A_1935 : vector<1x16xf32> to vector<16xf32>
          %slice3A_1937 = vector.extract_strided_slice %get3A_321 {offsets = [11], sizes = [1], strides = [1]} : vector<16xf32> to vector<1xf32>
          %squeeze3A_1938 = vector.extract %slice3A_1937[0] : f32 from vector<1xf32>
          %mul3A_1939 = vector.broadcast %squeeze3A_1938 : f32 to vector<16xf32>
          %mul3A_1940 = arith.mulf %mul3A_1939, %get3A_1918 : vector<16xf32>
          %add3A_1941 = arith.addf %add3A_1801, %mul3A_1940 : vector<16xf32>
          %mul3A_1942 = vector.broadcast %squeeze3A_1938 : f32 to vector<16xf32>
          %mul3A_1943 = arith.mulf %mul3A_1942, %get3A_1924 : vector<16xf32>
          %add3A_1944 = arith.addf %add3A_1804, %mul3A_1943 : vector<16xf32>
          %mul3A_1945 = vector.broadcast %squeeze3A_1938 : f32 to vector<16xf32>
          %mul3A_1946 = arith.mulf %mul3A_1945, %get3A_1930 : vector<16xf32>
          %add3A_1947 = arith.addf %add3A_1807, %mul3A_1946 : vector<16xf32>
          %mul3A_1948 = vector.broadcast %squeeze3A_1938 : f32 to vector<16xf32>
          %mul3A_1949 = arith.mulf %mul3A_1948, %get3A_1936 : vector<16xf32>
          %add3A_1950 = arith.addf %add3A_1810, %mul3A_1949 : vector<16xf32>
          %slice3A_1951 = vector.extract_strided_slice %get3A_328 {offsets = [11], sizes = [1], strides = [1]} : vector<16xf32> to vector<1xf32>
          %squeeze3A_1952 = vector.extract %slice3A_1951[0] : f32 from vector<1xf32>
          %mul3A_1953 = vector.broadcast %squeeze3A_1952 : f32 to vector<16xf32>
          %mul3A_1954 = arith.mulf %mul3A_1953, %get3A_1918 : vector<16xf32>
          %add3A_1955 = arith.addf %add3A_1815, %mul3A_1954 : vector<16xf32>
          %mul3A_1956 = vector.broadcast %squeeze3A_1952 : f32 to vector<16xf32>
          %mul3A_1957 = arith.mulf %mul3A_1956, %get3A_1924 : vector<16xf32>
          %add3A_1958 = arith.addf %add3A_1818, %mul3A_1957 : vector<16xf32>
          %mul3A_1959 = vector.broadcast %squeeze3A_1952 : f32 to vector<16xf32>
          %mul3A_1960 = arith.mulf %mul3A_1959, %get3A_1930 : vector<16xf32>
          %add3A_1961 = arith.addf %add3A_1821, %mul3A_1960 : vector<16xf32>
          %mul3A_1962 = vector.broadcast %squeeze3A_1952 : f32 to vector<16xf32>
          %mul3A_1963 = arith.mulf %mul3A_1962, %get3A_1936 : vector<16xf32>
          %add3A_1964 = arith.addf %add3A_1824, %mul3A_1963 : vector<16xf32>
          %slice3A_1965 = vector.extract_strided_slice %get3A_335 {offsets = [11], sizes = [1], strides = [1]} : vector<16xf32> to vector<1xf32>
          %squeeze3A_1966 = vector.extract %slice3A_1965[0] : f32 from vector<1xf32>
          %mul3A_1967 = vector.broadcast %squeeze3A_1966 : f32 to vector<16xf32>
          %mul3A_1968 = arith.mulf %mul3A_1967, %get3A_1918 : vector<16xf32>
          %add3A_1969 = arith.addf %add3A_1829, %mul3A_1968 : vector<16xf32>
          %mul3A_1970 = vector.broadcast %squeeze3A_1966 : f32 to vector<16xf32>
          %mul3A_1971 = arith.mulf %mul3A_1970, %get3A_1924 : vector<16xf32>
          %add3A_1972 = arith.addf %add3A_1832, %mul3A_1971 : vector<16xf32>
          %mul3A_1973 = vector.broadcast %squeeze3A_1966 : f32 to vector<16xf32>
          %mul3A_1974 = arith.mulf %mul3A_1973, %get3A_1930 : vector<16xf32>
          %add3A_1975 = arith.addf %add3A_1835, %mul3A_1974 : vector<16xf32>
          %mul3A_1976 = vector.broadcast %squeeze3A_1966 : f32 to vector<16xf32>
          %mul3A_1977 = arith.mulf %mul3A_1976, %get3A_1936 : vector<16xf32>
          %add3A_1978 = arith.addf %add3A_1838, %mul3A_1977 : vector<16xf32>
          %slice3A_1979 = vector.extract_strided_slice %get3A_342 {offsets = [11], sizes = [1], strides = [1]} : vector<16xf32> to vector<1xf32>
          %squeeze3A_1980 = vector.extract %slice3A_1979[0] : f32 from vector<1xf32>
          %mul3A_1981 = vector.broadcast %squeeze3A_1980 : f32 to vector<16xf32>
          %mul3A_1982 = arith.mulf %mul3A_1981, %get3A_1918 : vector<16xf32>
          %add3A_1983 = arith.addf %add3A_1843, %mul3A_1982 : vector<16xf32>
          %mul3A_1984 = vector.broadcast %squeeze3A_1980 : f32 to vector<16xf32>
          %mul3A_1985 = arith.mulf %mul3A_1984, %get3A_1924 : vector<16xf32>
          %add3A_1986 = arith.addf %add3A_1846, %mul3A_1985 : vector<16xf32>
          %mul3A_1987 = vector.broadcast %squeeze3A_1980 : f32 to vector<16xf32>
          %mul3A_1988 = arith.mulf %mul3A_1987, %get3A_1930 : vector<16xf32>
          %add3A_1989 = arith.addf %add3A_1849, %mul3A_1988 : vector<16xf32>
          %mul3A_1990 = vector.broadcast %squeeze3A_1980 : f32 to vector<16xf32>
          %mul3A_1991 = arith.mulf %mul3A_1990, %get3A_1936 : vector<16xf32>
          %add3A_1992 = arith.addf %add3A_1852, %mul3A_1991 : vector<16xf32>
          %slice3A_1993 = vector.extract_strided_slice %get3A_349 {offsets = [11], sizes = [1], strides = [1]} : vector<16xf32> to vector<1xf32>
          %squeeze3A_1994 = vector.extract %slice3A_1993[0] : f32 from vector<1xf32>
          %mul3A_1995 = vector.broadcast %squeeze3A_1994 : f32 to vector<16xf32>
          %mul3A_1996 = arith.mulf %mul3A_1995, %get3A_1918 : vector<16xf32>
          %add3A_1997 = arith.addf %add3A_1857, %mul3A_1996 : vector<16xf32>
          %mul3A_1998 = vector.broadcast %squeeze3A_1994 : f32 to vector<16xf32>
          %mul3A_1999 = arith.mulf %mul3A_1998, %get3A_1924 : vector<16xf32>
          %add3A_2000 = arith.addf %add3A_1860, %mul3A_1999 : vector<16xf32>
          %mul3A_2001 = vector.broadcast %squeeze3A_1994 : f32 to vector<16xf32>
          %mul3A_2002 = arith.mulf %mul3A_2001, %get3A_1930 : vector<16xf32>
          %add3A_2003 = arith.addf %add3A_1863, %mul3A_2002 : vector<16xf32>
          %mul3A_2004 = vector.broadcast %squeeze3A_1994 : f32 to vector<16xf32>
          %mul3A_2005 = arith.mulf %mul3A_2004, %get3A_1936 : vector<16xf32>
          %add3A_2006 = arith.addf %add3A_1866, %mul3A_2005 : vector<16xf32>
          %slice3A_2007 = vector.extract_strided_slice %get3A_356 {offsets = [11], sizes = [1], strides = [1]} : vector<16xf32> to vector<1xf32>
          %squeeze3A_2008 = vector.extract %slice3A_2007[0] : f32 from vector<1xf32>
          %mul3A_2009 = vector.broadcast %squeeze3A_2008 : f32 to vector<16xf32>
          %mul3A_2010 = arith.mulf %mul3A_2009, %get3A_1918 : vector<16xf32>
          %add3A_2011 = arith.addf %add3A_1871, %mul3A_2010 : vector<16xf32>
          %mul3A_2012 = vector.broadcast %squeeze3A_2008 : f32 to vector<16xf32>
          %mul3A_2013 = arith.mulf %mul3A_2012, %get3A_1924 : vector<16xf32>
          %add3A_2014 = arith.addf %add3A_1874, %mul3A_2013 : vector<16xf32>
          %mul3A_2015 = vector.broadcast %squeeze3A_2008 : f32 to vector<16xf32>
          %mul3A_2016 = arith.mulf %mul3A_2015, %get3A_1930 : vector<16xf32>
          %add3A_2017 = arith.addf %add3A_1877, %mul3A_2016 : vector<16xf32>
          %mul3A_2018 = vector.broadcast %squeeze3A_2008 : f32 to vector<16xf32>
          %mul3A_2019 = arith.mulf %mul3A_2018, %get3A_1936 : vector<16xf32>
          %add3A_2020 = arith.addf %add3A_1880, %mul3A_2019 : vector<16xf32>
          %slice3A_2021 = vector.extract_strided_slice %get3A_363 {offsets = [11], sizes = [1], strides = [1]} : vector<16xf32> to vector<1xf32>
          %squeeze3A_2022 = vector.extract %slice3A_2021[0] : f32 from vector<1xf32>
          %mul3A_2023 = vector.broadcast %squeeze3A_2022 : f32 to vector<16xf32>
          %mul3A_2024 = arith.mulf %mul3A_2023, %get3A_1918 : vector<16xf32>
          %add3A_2025 = arith.addf %add3A_1885, %mul3A_2024 : vector<16xf32>
          %mul3A_2026 = vector.broadcast %squeeze3A_2022 : f32 to vector<16xf32>
          %mul3A_2027 = arith.mulf %mul3A_2026, %get3A_1924 : vector<16xf32>
          %add3A_2028 = arith.addf %add3A_1888, %mul3A_2027 : vector<16xf32>
          %mul3A_2029 = vector.broadcast %squeeze3A_2022 : f32 to vector<16xf32>
          %mul3A_2030 = arith.mulf %mul3A_2029, %get3A_1930 : vector<16xf32>
          %add3A_2031 = arith.addf %add3A_1891, %mul3A_2030 : vector<16xf32>
          %mul3A_2032 = vector.broadcast %squeeze3A_2022 : f32 to vector<16xf32>
          %mul3A_2033 = arith.mulf %mul3A_2032, %get3A_1936 : vector<16xf32>
          %add3A_2034 = arith.addf %add3A_1894, %mul3A_2033 : vector<16xf32>
          %slice3A_2035 = vector.extract_strided_slice %get3A_370 {offsets = [11], sizes = [1], strides = [1]} : vector<16xf32> to vector<1xf32>
          %squeeze3A_2036 = vector.extract %slice3A_2035[0] : f32 from vector<1xf32>
          %mul3A_2037 = vector.broadcast %squeeze3A_2036 : f32 to vector<16xf32>
          %mul3A_2038 = arith.mulf %mul3A_2037, %get3A_1918 : vector<16xf32>
          %add3A_2039 = arith.addf %add3A_1899, %mul3A_2038 : vector<16xf32>
          %mul3A_2040 = vector.broadcast %squeeze3A_2036 : f32 to vector<16xf32>
          %mul3A_2041 = arith.mulf %mul3A_2040, %get3A_1924 : vector<16xf32>
          %add3A_2042 = arith.addf %add3A_1902, %mul3A_2041 : vector<16xf32>
          %mul3A_2043 = vector.broadcast %squeeze3A_2036 : f32 to vector<16xf32>
          %mul3A_2044 = arith.mulf %mul3A_2043, %get3A_1930 : vector<16xf32>
          %add3A_2045 = arith.addf %add3A_1905, %mul3A_2044 : vector<16xf32>
          %mul3A_2046 = vector.broadcast %squeeze3A_2036 : f32 to vector<16xf32>
          %mul3A_2047 = arith.mulf %mul3A_2046, %get3A_1936 : vector<16xf32>
          %add3A_2048 = arith.addf %add3A_1908, %mul3A_2047 : vector<16xf32>
          %mul3A_2049 = arith.constant 16 : i32
          %mul3A_2050 = arith.muli %scan3A_283, %mul3A_2049 : i32
          %add3A_2051 = arith.constant 12 : i32
          %add3A_2052 = arith.addi %mul3A_2050, %add3A_2051 : i32
          %add3A_2053 = arith.constant 0 : i32
          %add3A_2054 = arith.addi %mul3A_20, %add3A_2053 : i32
          %get3A_2055 = arith.index_cast %add3A_2052 : i32 to index
          %get3A_2056 = arith.index_cast %add3A_2054 : i32 to index
          %get3A_2057 = tpu.vector_load %arg6[%get3A_2055, %get3A_2056] {strides = array<i32>} : memref<64x512xf32, #tpu.memory_space<vmem>>, vector<1x16xf32>,
          %get3A_2058 = vector.shape_cast %get3A_2057 : vector<1x16xf32> to vector<16xf32>
          %add3A_2059 = arith.constant 16 : i32
          %add3A_2060 = arith.addi %mul3A_20, %add3A_2059 : i32
          %get3A_2061 = arith.index_cast %add3A_2052 : i32 to index
          %get3A_2062 = arith.index_cast %add3A_2060 : i32 to index
          %get3A_2063 = tpu.vector_load %arg6[%get3A_2061, %get3A_2062] {strides = array<i32>} : memref<64x512xf32, #tpu.memory_space<vmem>>, vector<1x16xf32>,
          %get3A_2064 = vector.shape_cast %get3A_2063 : vector<1x16xf32> to vector<16xf32>
          %add3A_2065 = arith.constant 32 : i32
          %add3A_2066 = arith.addi %mul3A_20, %add3A_2065 : i32
          %get3A_2067 = arith.index_cast %add3A_2052 : i32 to index
          %get3A_2068 = arith.index_cast %add3A_2066 : i32 to index
          %get3A_2069 = tpu.vector_load %arg6[%get3A_2067, %get3A_2068] {strides = array<i32>} : memref<64x512xf32, #tpu.memory_space<vmem>>, vector<1x16xf32>,
          %get3A_2070 = vector.shape_cast %get3A_2069 : vector<1x16xf32> to vector<16xf32>
          %add3A_2071 = arith.constant 48 : i32
          %add3A_2072 = arith.addi %mul3A_20, %add3A_2071 : i32
          %get3A_2073 = arith.index_cast %add3A_2052 : i32 to index
          %get3A_2074 = arith.index_cast %add3A_2072 : i32 to index
          %get3A_2075 = tpu.vector_load %arg6[%get3A_2073, %get3A_2074] {strides = array<i32>} : memref<64x512xf32, #tpu.memory_space<vmem>>, vector<1x16xf32>,
          %get3A_2076 = vector.shape_cast %get3A_2075 : vector<1x16xf32> to vector<16xf32>
          %slice3A_2077 = vector.extract_strided_slice %get3A_321 {offsets = [12], sizes = [1], strides = [1]} : vector<16xf32> to vector<1xf32>
          %squeeze3A_2078 = vector.extract %slice3A_2077[0] : f32 from vector<1xf32>
          %mul3A_2079 = vector.broadcast %squeeze3A_2078 : f32 to vector<16xf32>
          %mul3A_2080 = arith.mulf %mul3A_2079, %get3A_2058 : vector<16xf32>
          %add3A_2081 = arith.addf %add3A_1941, %mul3A_2080 : vector<16xf32>
          %mul3A_2082 = vector.broadcast %squeeze3A_2078 : f32 to vector<16xf32>
          %mul3A_2083 = arith.mulf %mul3A_2082, %get3A_2064 : vector<16xf32>
          %add3A_2084 = arith.addf %add3A_1944, %mul3A_2083 : vector<16xf32>
          %mul3A_2085 = vector.broadcast %squeeze3A_2078 : f32 to vector<16xf32>
          %mul3A_2086 = arith.mulf %mul3A_2085, %get3A_2070 : vector<16xf32>
          %add3A_2087 = arith.addf %add3A_1947, %mul3A_2086 : vector<16xf32>
          %mul3A_2088 = vector.broadcast %squeeze3A_2078 : f32 to vector<16xf32>
          %mul3A_2089 = arith.mulf %mul3A_2088, %get3A_2076 : vector<16xf32>
          %add3A_2090 = arith.addf %add3A_1950, %mul3A_2089 : vector<16xf32>
          %slice3A_2091 = vector.extract_strided_slice %get3A_328 {offsets = [12], sizes = [1], strides = [1]} : vector<16xf32> to vector<1xf32>
          %squeeze3A_2092 = vector.extract %slice3A_2091[0] : f32 from vector<1xf32>
          %mul3A_2093 = vector.broadcast %squeeze3A_2092 : f32 to vector<16xf32>
          %mul3A_2094 = arith.mulf %mul3A_2093, %get3A_2058 : vector<16xf32>
          %add3A_2095 = arith.addf %add3A_1955, %mul3A_2094 : vector<16xf32>
          %mul3A_2096 = vector.broadcast %squeeze3A_2092 : f32 to vector<16xf32>
          %mul3A_2097 = arith.mulf %mul3A_2096, %get3A_2064 : vector<16xf32>
          %add3A_2098 = arith.addf %add3A_1958, %mul3A_2097 : vector<16xf32>
          %mul3A_2099 = vector.broadcast %squeeze3A_2092 : f32 to vector<16xf32>
          %mul3A_2100 = arith.mulf %mul3A_2099, %get3A_2070 : vector<16xf32>
          %add3A_2101 = arith.addf %add3A_1961, %mul3A_2100 : vector<16xf32>
          %mul3A_2102 = vector.broadcast %squeeze3A_2092 : f32 to vector<16xf32>
          %mul3A_2103 = arith.mulf %mul3A_2102, %get3A_2076 : vector<16xf32>
          %add3A_2104 = arith.addf %add3A_1964, %mul3A_2103 : vector<16xf32>
          %slice3A_2105 = vector.extract_strided_slice %get3A_335 {offsets = [12], sizes = [1], strides = [1]} : vector<16xf32> to vector<1xf32>
          %squeeze3A_2106 = vector.extract %slice3A_2105[0] : f32 from vector<1xf32>
          %mul3A_2107 = vector.broadcast %squeeze3A_2106 : f32 to vector<16xf32>
          %mul3A_2108 = arith.mulf %mul3A_2107, %get3A_2058 : vector<16xf32>
          %add3A_2109 = arith.addf %add3A_1969, %mul3A_2108 : vector<16xf32>
          %mul3A_2110 = vector.broadcast %squeeze3A_2106 : f32 to vector<16xf32>
          %mul3A_2111 = arith.mulf %mul3A_2110, %get3A_2064 : vector<16xf32>
          %add3A_2112 = arith.addf %add3A_1972, %mul3A_2111 : vector<16xf32>
          %mul3A_2113 = vector.broadcast %squeeze3A_2106 : f32 to vector<16xf32>
          %mul3A_2114 = arith.mulf %mul3A_2113, %get3A_2070 : vector<16xf32>
          %add3A_2115 = arith.addf %add3A_1975, %mul3A_2114 : vector<16xf32>
          %mul3A_2116 = vector.broadcast %squeeze3A_2106 : f32 to vector<16xf32>
          %mul3A_2117 = arith.mulf %mul3A_2116, %get3A_2076 : vector<16xf32>
          %add3A_2118 = arith.addf %add3A_1978, %mul3A_2117 : vector<16xf32>
          %slice3A_2119 = vector.extract_strided_slice %get3A_342 {offsets = [12], sizes = [1], strides = [1]} : vector<16xf32> to vector<1xf32>
          %squeeze3A_2120 = vector.extract %slice3A_2119[0] : f32 from vector<1xf32>
          %mul3A_2121 = vector.broadcast %squeeze3A_2120 : f32 to vector<16xf32>
          %mul3A_2122 = arith.mulf %mul3A_2121, %get3A_2058 : vector<16xf32>
          %add3A_2123 = arith.addf %add3A_1983, %mul3A_2122 : vector<16xf32>
          %mul3A_2124 = vector.broadcast %squeeze3A_2120 : f32 to vector<16xf32>
          %mul3A_2125 = arith.mulf %mul3A_2124, %get3A_2064 : vector<16xf32>
          %add3A_2126 = arith.addf %add3A_1986, %mul3A_2125 : vector<16xf32>
          %mul3A_2127 = vector.broadcast %squeeze3A_2120 : f32 to vector<16xf32>
          %mul3A_2128 = arith.mulf %mul3A_2127, %get3A_2070 : vector<16xf32>
          %add3A_2129 = arith.addf %add3A_1989, %mul3A_2128 : vector<16xf32>
          %mul3A_2130 = vector.broadcast %squeeze3A_2120 : f32 to vector<16xf32>
          %mul3A_2131 = arith.mulf %mul3A_2130, %get3A_2076 : vector<16xf32>
          %add3A_2132 = arith.addf %add3A_1992, %mul3A_2131 : vector<16xf32>
          %slice3A_2133 = vector.extract_strided_slice %get3A_349 {offsets = [12], sizes = [1], strides = [1]} : vector<16xf32> to vector<1xf32>
          %squeeze3A_2134 = vector.extract %slice3A_2133[0] : f32 from vector<1xf32>
          %mul3A_2135 = vector.broadcast %squeeze3A_2134 : f32 to vector<16xf32>
          %mul3A_2136 = arith.mulf %mul3A_2135, %get3A_2058 : vector<16xf32>
          %add3A_2137 = arith.addf %add3A_1997, %mul3A_2136 : vector<16xf32>
          %mul3A_2138 = vector.broadcast %squeeze3A_2134 : f32 to vector<16xf32>
          %mul3A_2139 = arith.mulf %mul3A_2138, %get3A_2064 : vector<16xf32>
          %add3A_2140 = arith.addf %add3A_2000, %mul3A_2139 : vector<16xf32>
          %mul3A_2141 = vector.broadcast %squeeze3A_2134 : f32 to vector<16xf32>
          %mul3A_2142 = arith.mulf %mul3A_2141, %get3A_2070 : vector<16xf32>
          %add3A_2143 = arith.addf %add3A_2003, %mul3A_2142 : vector<16xf32>
          %mul3A_2144 = vector.broadcast %squeeze3A_2134 : f32 to vector<16xf32>
          %mul3A_2145 = arith.mulf %mul3A_2144, %get3A_2076 : vector<16xf32>
          %add3A_2146 = arith.addf %add3A_2006, %mul3A_2145 : vector<16xf32>
          %slice3A_2147 = vector.extract_strided_slice %get3A_356 {offsets = [12], sizes = [1], strides = [1]} : vector<16xf32> to vector<1xf32>
          %squeeze3A_2148 = vector.extract %slice3A_2147[0] : f32 from vector<1xf32>
          %mul3A_2149 = vector.broadcast %squeeze3A_2148 : f32 to vector<16xf32>
          %mul3A_2150 = arith.mulf %mul3A_2149, %get3A_2058 : vector<16xf32>
          %add3A_2151 = arith.addf %add3A_2011, %mul3A_2150 : vector<16xf32>
          %mul3A_2152 = vector.broadcast %squeeze3A_2148 : f32 to vector<16xf32>
          %mul3A_2153 = arith.mulf %mul3A_2152, %get3A_2064 : vector<16xf32>
          %add3A_2154 = arith.addf %add3A_2014, %mul3A_2153 : vector<16xf32>
          %mul3A_2155 = vector.broadcast %squeeze3A_2148 : f32 to vector<16xf32>
          %mul3A_2156 = arith.mulf %mul3A_2155, %get3A_2070 : vector<16xf32>
          %add3A_2157 = arith.addf %add3A_2017, %mul3A_2156 : vector<16xf32>
          %mul3A_2158 = vector.broadcast %squeeze3A_2148 : f32 to vector<16xf32>
          %mul3A_2159 = arith.mulf %mul3A_2158, %get3A_2076 : vector<16xf32>
          %add3A_2160 = arith.addf %add3A_2020, %mul3A_2159 : vector<16xf32>
          %slice3A_2161 = vector.extract_strided_slice %get3A_363 {offsets = [12], sizes = [1], strides = [1]} : vector<16xf32> to vector<1xf32>
          %squeeze3A_2162 = vector.extract %slice3A_2161[0] : f32 from vector<1xf32>
          %mul3A_2163 = vector.broadcast %squeeze3A_2162 : f32 to vector<16xf32>
          %mul3A_2164 = arith.mulf %mul3A_2163, %get3A_2058 : vector<16xf32>
          %add3A_2165 = arith.addf %add3A_2025, %mul3A_2164 : vector<16xf32>
          %mul3A_2166 = vector.broadcast %squeeze3A_2162 : f32 to vector<16xf32>
          %mul3A_2167 = arith.mulf %mul3A_2166, %get3A_2064 : vector<16xf32>
          %add3A_2168 = arith.addf %add3A_2028, %mul3A_2167 : vector<16xf32>
          %mul3A_2169 = vector.broadcast %squeeze3A_2162 : f32 to vector<16xf32>
          %mul3A_2170 = arith.mulf %mul3A_2169, %get3A_2070 : vector<16xf32>
          %add3A_2171 = arith.addf %add3A_2031, %mul3A_2170 : vector<16xf32>
          %mul3A_2172 = vector.broadcast %squeeze3A_2162 : f32 to vector<16xf32>
          %mul3A_2173 = arith.mulf %mul3A_2172, %get3A_2076 : vector<16xf32>
          %add3A_2174 = arith.addf %add3A_2034, %mul3A_2173 : vector<16xf32>
          %slice3A_2175 = vector.extract_strided_slice %get3A_370 {offsets = [12], sizes = [1], strides = [1]} : vector<16xf32> to vector<1xf32>
          %squeeze3A_2176 = vector.extract %slice3A_2175[0] : f32 from vector<1xf32>
          %mul3A_2177 = vector.broadcast %squeeze3A_2176 : f32 to vector<16xf32>
          %mul3A_2178 = arith.mulf %mul3A_2177, %get3A_2058 : vector<16xf32>
          %add3A_2179 = arith.addf %add3A_2039, %mul3A_2178 : vector<16xf32>
          %mul3A_2180 = vector.broadcast %squeeze3A_2176 : f32 to vector<16xf32>
          %mul3A_2181 = arith.mulf %mul3A_2180, %get3A_2064 : vector<16xf32>
          %add3A_2182 = arith.addf %add3A_2042, %mul3A_2181 : vector<16xf32>
          %mul3A_2183 = vector.broadcast %squeeze3A_2176 : f32 to vector<16xf32>
          %mul3A_2184 = arith.mulf %mul3A_2183, %get3A_2070 : vector<16xf32>
          %add3A_2185 = arith.addf %add3A_2045, %mul3A_2184 : vector<16xf32>
          %mul3A_2186 = vector.broadcast %squeeze3A_2176 : f32 to vector<16xf32>
          %mul3A_2187 = arith.mulf %mul3A_2186, %get3A_2076 : vector<16xf32>
          %add3A_2188 = arith.addf %add3A_2048, %mul3A_2187 : vector<16xf32>
          %mul3A_2189 = arith.constant 16 : i32
          %mul3A_2190 = arith.muli %scan3A_283, %mul3A_2189 : i32
          %add3A_2191 = arith.constant 13 : i32
          %add3A_2192 = arith.addi %mul3A_2190, %add3A_2191 : i32
          %add3A_2193 = arith.constant 0 : i32
          %add3A_2194 = arith.addi %mul3A_20, %add3A_2193 : i32
          %get3A_2195 = arith.index_cast %add3A_2192 : i32 to index
          %get3A_2196 = arith.index_cast %add3A_2194 : i32 to index
          %get3A_2197 = tpu.vector_load %arg6[%get3A_2195, %get3A_2196] {strides = array<i32>} : memref<64x512xf32, #tpu.memory_space<vmem>>, vector<1x16xf32>,
          %get3A_2198 = vector.shape_cast %get3A_2197 : vector<1x16xf32> to vector<16xf32>
          %add3A_2199 = arith.constant 16 : i32
          %add3A_2200 = arith.addi %mul3A_20, %add3A_2199 : i32
          %get3A_2201 = arith.index_cast %add3A_2192 : i32 to index
          %get3A_2202 = arith.index_cast %add3A_2200 : i32 to index
          %get3A_2203 = tpu.vector_load %arg6[%get3A_2201, %get3A_2202] {strides = array<i32>} : memref<64x512xf32, #tpu.memory_space<vmem>>, vector<1x16xf32>,
          %get3A_2204 = vector.shape_cast %get3A_2203 : vector<1x16xf32> to vector<16xf32>
          %add3A_2205 = arith.constant 32 : i32
          %add3A_2206 = arith.addi %mul3A_20, %add3A_2205 : i32
          %get3A_2207 = arith.index_cast %add3A_2192 : i32 to index
          %get3A_2208 = arith.index_cast %add3A_2206 : i32 to index
          %get3A_2209 = tpu.vector_load %arg6[%get3A_2207, %get3A_2208] {strides = array<i32>} : memref<64x512xf32, #tpu.memory_space<vmem>>, vector<1x16xf32>,
          %get3A_2210 = vector.shape_cast %get3A_2209 : vector<1x16xf32> to vector<16xf32>
          %add3A_2211 = arith.constant 48 : i32
          %add3A_2212 = arith.addi %mul3A_20, %add3A_2211 : i32
          %get3A_2213 = arith.index_cast %add3A_2192 : i32 to index
          %get3A_2214 = arith.index_cast %add3A_2212 : i32 to index
          %get3A_2215 = tpu.vector_load %arg6[%get3A_2213, %get3A_2214] {strides = array<i32>} : memref<64x512xf32, #tpu.memory_space<vmem>>, vector<1x16xf32>,
          %get3A_2216 = vector.shape_cast %get3A_2215 : vector<1x16xf32> to vector<16xf32>
          %slice3A_2217 = vector.extract_strided_slice %get3A_321 {offsets = [13], sizes = [1], strides = [1]} : vector<16xf32> to vector<1xf32>
          %squeeze3A_2218 = vector.extract %slice3A_2217[0] : f32 from vector<1xf32>
          %mul3A_2219 = vector.broadcast %squeeze3A_2218 : f32 to vector<16xf32>
          %mul3A_2220 = arith.mulf %mul3A_2219, %get3A_2198 : vector<16xf32>
          %add3A_2221 = arith.addf %add3A_2081, %mul3A_2220 : vector<16xf32>
          %mul3A_2222 = vector.broadcast %squeeze3A_2218 : f32 to vector<16xf32>
          %mul3A_2223 = arith.mulf %mul3A_2222, %get3A_2204 : vector<16xf32>
          %add3A_2224 = arith.addf %add3A_2084, %mul3A_2223 : vector<16xf32>
          %mul3A_2225 = vector.broadcast %squeeze3A_2218 : f32 to vector<16xf32>
          %mul3A_2226 = arith.mulf %mul3A_2225, %get3A_2210 : vector<16xf32>
          %add3A_2227 = arith.addf %add3A_2087, %mul3A_2226 : vector<16xf32>
          %mul3A_2228 = vector.broadcast %squeeze3A_2218 : f32 to vector<16xf32>
          %mul3A_2229 = arith.mulf %mul3A_2228, %get3A_2216 : vector<16xf32>
          %add3A_2230 = arith.addf %add3A_2090, %mul3A_2229 : vector<16xf32>
          %slice3A_2231 = vector.extract_strided_slice %get3A_328 {offsets = [13], sizes = [1], strides = [1]} : vector<16xf32> to vector<1xf32>
          %squeeze3A_2232 = vector.extract %slice3A_2231[0] : f32 from vector<1xf32>
          %mul3A_2233 = vector.broadcast %squeeze3A_2232 : f32 to vector<16xf32>
          %mul3A_2234 = arith.mulf %mul3A_2233, %get3A_2198 : vector<16xf32>
          %add3A_2235 = arith.addf %add3A_2095, %mul3A_2234 : vector<16xf32>
          %mul3A_2236 = vector.broadcast %squeeze3A_2232 : f32 to vector<16xf32>
          %mul3A_2237 = arith.mulf %mul3A_2236, %get3A_2204 : vector<16xf32>
          %add3A_2238 = arith.addf %add3A_2098, %mul3A_2237 : vector<16xf32>
          %mul3A_2239 = vector.broadcast %squeeze3A_2232 : f32 to vector<16xf32>
          %mul3A_2240 = arith.mulf %mul3A_2239, %get3A_2210 : vector<16xf32>
          %add3A_2241 = arith.addf %add3A_2101, %mul3A_2240 : vector<16xf32>
          %mul3A_2242 = vector.broadcast %squeeze3A_2232 : f32 to vector<16xf32>
          %mul3A_2243 = arith.mulf %mul3A_2242, %get3A_2216 : vector<16xf32>
          %add3A_2244 = arith.addf %add3A_2104, %mul3A_2243 : vector<16xf32>
          %slice3A_2245 = vector.extract_strided_slice %get3A_335 {offsets = [13], sizes = [1], strides = [1]} : vector<16xf32> to vector<1xf32>
          %squeeze3A_2246 = vector.extract %slice3A_2245[0] : f32 from vector<1xf32>
          %mul3A_2247 = vector.broadcast %squeeze3A_2246 : f32 to vector<16xf32>
          %mul3A_2248 = arith.mulf %mul3A_2247, %get3A_2198 : vector<16xf32>
          %add3A_2249 = arith.addf %add3A_2109, %mul3A_2248 : vector<16xf32>
          %mul3A_2250 = vector.broadcast %squeeze3A_2246 : f32 to vector<16xf32>
          %mul3A_2251 = arith.mulf %mul3A_2250, %get3A_2204 : vector<16xf32>
          %add3A_2252 = arith.addf %add3A_2112, %mul3A_2251 : vector<16xf32>
          %mul3A_2253 = vector.broadcast %squeeze3A_2246 : f32 to vector<16xf32>
          %mul3A_2254 = arith.mulf %mul3A_2253, %get3A_2210 : vector<16xf32>
          %add3A_2255 = arith.addf %add3A_2115, %mul3A_2254 : vector<16xf32>
          %mul3A_2256 = vector.broadcast %squeeze3A_2246 : f32 to vector<16xf32>
          %mul3A_2257 = arith.mulf %mul3A_2256, %get3A_2216 : vector<16xf32>
          %add3A_2258 = arith.addf %add3A_2118, %mul3A_2257 : vector<16xf32>
          %slice3A_2259 = vector.extract_strided_slice %get3A_342 {offsets = [13], sizes = [1], strides = [1]} : vector<16xf32> to vector<1xf32>
          %squeeze3A_2260 = vector.extract %slice3A_2259[0] : f32 from vector<1xf32>
          %mul3A_2261 = vector.broadcast %squeeze3A_2260 : f32 to vector<16xf32>
          %mul3A_2262 = arith.mulf %mul3A_2261, %get3A_2198 : vector<16xf32>
          %add3A_2263 = arith.addf %add3A_2123, %mul3A_2262 : vector<16xf32>
          %mul3A_2264 = vector.broadcast %squeeze3A_2260 : f32 to vector<16xf32>
          %mul3A_2265 = arith.mulf %mul3A_2264, %get3A_2204 : vector<16xf32>
          %add3A_2266 = arith.addf %add3A_2126, %mul3A_2265 : vector<16xf32>
          %mul3A_2267 = vector.broadcast %squeeze3A_2260 : f32 to vector<16xf32>
          %mul3A_2268 = arith.mulf %mul3A_2267, %get3A_2210 : vector<16xf32>
          %add3A_2269 = arith.addf %add3A_2129, %mul3A_2268 : vector<16xf32>
          %mul3A_2270 = vector.broadcast %squeeze3A_2260 : f32 to vector<16xf32>
          %mul3A_2271 = arith.mulf %mul3A_2270, %get3A_2216 : vector<16xf32>
          %add3A_2272 = arith.addf %add3A_2132, %mul3A_2271 : vector<16xf32>
          %slice3A_2273 = vector.extract_strided_slice %get3A_349 {offsets = [13], sizes = [1], strides = [1]} : vector<16xf32> to vector<1xf32>
          %squeeze3A_2274 = vector.extract %slice3A_2273[0] : f32 from vector<1xf32>
          %mul3A_2275 = vector.broadcast %squeeze3A_2274 : f32 to vector<16xf32>
          %mul3A_2276 = arith.mulf %mul3A_2275, %get3A_2198 : vector<16xf32>
          %add3A_2277 = arith.addf %add3A_2137, %mul3A_2276 : vector<16xf32>
          %mul3A_2278 = vector.broadcast %squeeze3A_2274 : f32 to vector<16xf32>
          %mul3A_2279 = arith.mulf %mul3A_2278, %get3A_2204 : vector<16xf32>
          %add3A_2280 = arith.addf %add3A_2140, %mul3A_2279 : vector<16xf32>
          %mul3A_2281 = vector.broadcast %squeeze3A_2274 : f32 to vector<16xf32>
          %mul3A_2282 = arith.mulf %mul3A_2281, %get3A_2210 : vector<16xf32>
          %add3A_2283 = arith.addf %add3A_2143, %mul3A_2282 : vector<16xf32>
          %mul3A_2284 = vector.broadcast %squeeze3A_2274 : f32 to vector<16xf32>
          %mul3A_2285 = arith.mulf %mul3A_2284, %get3A_2216 : vector<16xf32>
          %add3A_2286 = arith.addf %add3A_2146, %mul3A_2285 : vector<16xf32>
          %slice3A_2287 = vector.extract_strided_slice %get3A_356 {offsets = [13], sizes = [1], strides = [1]} : vector<16xf32> to vector<1xf32>
          %squeeze3A_2288 = vector.extract %slice3A_2287[0] : f32 from vector<1xf32>
          %mul3A_2289 = vector.broadcast %squeeze3A_2288 : f32 to vector<16xf32>
          %mul3A_2290 = arith.mulf %mul3A_2289, %get3A_2198 : vector<16xf32>
          %add3A_2291 = arith.addf %add3A_2151, %mul3A_2290 : vector<16xf32>
          %mul3A_2292 = vector.broadcast %squeeze3A_2288 : f32 to vector<16xf32>
          %mul3A_2293 = arith.mulf %mul3A_2292, %get3A_2204 : vector<16xf32>
          %add3A_2294 = arith.addf %add3A_2154, %mul3A_2293 : vector<16xf32>
          %mul3A_2295 = vector.broadcast %squeeze3A_2288 : f32 to vector<16xf32>
          %mul3A_2296 = arith.mulf %mul3A_2295, %get3A_2210 : vector<16xf32>
          %add3A_2297 = arith.addf %add3A_2157, %mul3A_2296 : vector<16xf32>
          %mul3A_2298 = vector.broadcast %squeeze3A_2288 : f32 to vector<16xf32>
          %mul3A_2299 = arith.mulf %mul3A_2298, %get3A_2216 : vector<16xf32>
          %add3A_2300 = arith.addf %add3A_2160, %mul3A_2299 : vector<16xf32>
          %slice3A_2301 = vector.extract_strided_slice %get3A_363 {offsets = [13], sizes = [1], strides = [1]} : vector<16xf32> to vector<1xf32>
          %squeeze3A_2302 = vector.extract %slice3A_2301[0] : f32 from vector<1xf32>
          %mul3A_2303 = vector.broadcast %squeeze3A_2302 : f32 to vector<16xf32>
          %mul3A_2304 = arith.mulf %mul3A_2303, %get3A_2198 : vector<16xf32>
          %add3A_2305 = arith.addf %add3A_2165, %mul3A_2304 : vector<16xf32>
          %mul3A_2306 = vector.broadcast %squeeze3A_2302 : f32 to vector<16xf32>
          %mul3A_2307 = arith.mulf %mul3A_2306, %get3A_2204 : vector<16xf32>
          %add3A_2308 = arith.addf %add3A_2168, %mul3A_2307 : vector<16xf32>
          %mul3A_2309 = vector.broadcast %squeeze3A_2302 : f32 to vector<16xf32>
          %mul3A_2310 = arith.mulf %mul3A_2309, %get3A_2210 : vector<16xf32>
          %add3A_2311 = arith.addf %add3A_2171, %mul3A_2310 : vector<16xf32>
          %mul3A_2312 = vector.broadcast %squeeze3A_2302 : f32 to vector<16xf32>
          %mul3A_2313 = arith.mulf %mul3A_2312, %get3A_2216 : vector<16xf32>
          %add3A_2314 = arith.addf %add3A_2174, %mul3A_2313 : vector<16xf32>
          %slice3A_2315 = vector.extract_strided_slice %get3A_370 {offsets = [13], sizes = [1], strides = [1]} : vector<16xf32> to vector<1xf32>
          %squeeze3A_2316 = vector.extract %slice3A_2315[0] : f32 from vector<1xf32>
          %mul3A_2317 = vector.broadcast %squeeze3A_2316 : f32 to vector<16xf32>
          %mul3A_2318 = arith.mulf %mul3A_2317, %get3A_2198 : vector<16xf32>
          %add3A_2319 = arith.addf %add3A_2179, %mul3A_2318 : vector<16xf32>
          %mul3A_2320 = vector.broadcast %squeeze3A_2316 : f32 to vector<16xf32>
          %mul3A_2321 = arith.mulf %mul3A_2320, %get3A_2204 : vector<16xf32>
          %add3A_2322 = arith.addf %add3A_2182, %mul3A_2321 : vector<16xf32>
          %mul3A_2323 = vector.broadcast %squeeze3A_2316 : f32 to vector<16xf32>
          %mul3A_2324 = arith.mulf %mul3A_2323, %get3A_2210 : vector<16xf32>
          %add3A_2325 = arith.addf %add3A_2185, %mul3A_2324 : vector<16xf32>
          %mul3A_2326 = vector.broadcast %squeeze3A_2316 : f32 to vector<16xf32>
          %mul3A_2327 = arith.mulf %mul3A_2326, %get3A_2216 : vector<16xf32>
          %add3A_2328 = arith.addf %add3A_2188, %mul3A_2327 : vector<16xf32>
          %mul3A_2329 = arith.constant 16 : i32
          %mul3A_2330 = arith.muli %scan3A_283, %mul3A_2329 : i32
          %add3A_2331 = arith.constant 14 : i32
          %add3A_2332 = arith.addi %mul3A_2330, %add3A_2331 : i32
          %add3A_2333 = arith.constant 0 : i32
          %add3A_2334 = arith.addi %mul3A_20, %add3A_2333 : i32
          %get3A_2335 = arith.index_cast %add3A_2332 : i32 to index
          %get3A_2336 = arith.index_cast %add3A_2334 : i32 to index
          %get3A_2337 = tpu.vector_load %arg6[%get3A_2335, %get3A_2336] {strides = array<i32>} : memref<64x512xf32, #tpu.memory_space<vmem>>, vector<1x16xf32>,
          %get3A_2338 = vector.shape_cast %get3A_2337 : vector<1x16xf32> to vector<16xf32>
          %add3A_2339 = arith.constant 16 : i32
          %add3A_2340 = arith.addi %mul3A_20, %add3A_2339 : i32
          %get3A_2341 = arith.index_cast %add3A_2332 : i32 to index
          %get3A_2342 = arith.index_cast %add3A_2340 : i32 to index
          %get3A_2343 = tpu.vector_load %arg6[%get3A_2341, %get3A_2342] {strides = array<i32>} : memref<64x512xf32, #tpu.memory_space<vmem>>, vector<1x16xf32>,
          %get3A_2344 = vector.shape_cast %get3A_2343 : vector<1x16xf32> to vector<16xf32>
          %add3A_2345 = arith.constant 32 : i32
          %add3A_2346 = arith.addi %mul3A_20, %add3A_2345 : i32
          %get3A_2347 = arith.index_cast %add3A_2332 : i32 to index
          %get3A_2348 = arith.index_cast %add3A_2346 : i32 to index
          %get3A_2349 = tpu.vector_load %arg6[%get3A_2347, %get3A_2348] {strides = array<i32>} : memref<64x512xf32, #tpu.memory_space<vmem>>, vector<1x16xf32>,
          %get3A_2350 = vector.shape_cast %get3A_2349 : vector<1x16xf32> to vector<16xf32>
          %add3A_2351 = arith.constant 48 : i32
          %add3A_2352 = arith.addi %mul3A_20, %add3A_2351 : i32
          %get3A_2353 = arith.index_cast %add3A_2332 : i32 to index
          %get3A_2354 = arith.index_cast %add3A_2352 : i32 to index
          %get3A_2355 = tpu.vector_load %arg6[%get3A_2353, %get3A_2354] {strides = array<i32>} : memref<64x512xf32, #tpu.memory_space<vmem>>, vector<1x16xf32>,
          %get3A_2356 = vector.shape_cast %get3A_2355 : vector<1x16xf32> to vector<16xf32>
          %slice3A_2357 = vector.extract_strided_slice %get3A_321 {offsets = [14], sizes = [1], strides = [1]} : vector<16xf32> to vector<1xf32>
          %squeeze3A_2358 = vector.extract %slice3A_2357[0] : f32 from vector<1xf32>
          %mul3A_2359 = vector.broadcast %squeeze3A_2358 : f32 to vector<16xf32>
          %mul3A_2360 = arith.mulf %mul3A_2359, %get3A_2338 : vector<16xf32>
          %add3A_2361 = arith.addf %add3A_2221, %mul3A_2360 : vector<16xf32>
          %mul3A_2362 = vector.broadcast %squeeze3A_2358 : f32 to vector<16xf32>
          %mul3A_2363 = arith.mulf %mul3A_2362, %get3A_2344 : vector<16xf32>
          %add3A_2364 = arith.addf %add3A_2224, %mul3A_2363 : vector<16xf32>
          %mul3A_2365 = vector.broadcast %squeeze3A_2358 : f32 to vector<16xf32>
          %mul3A_2366 = arith.mulf %mul3A_2365, %get3A_2350 : vector<16xf32>
          %add3A_2367 = arith.addf %add3A_2227, %mul3A_2366 : vector<16xf32>
          %mul3A_2368 = vector.broadcast %squeeze3A_2358 : f32 to vector<16xf32>
          %mul3A_2369 = arith.mulf %mul3A_2368, %get3A_2356 : vector<16xf32>
          %add3A_2370 = arith.addf %add3A_2230, %mul3A_2369 : vector<16xf32>
          %slice3A_2371 = vector.extract_strided_slice %get3A_328 {offsets = [14], sizes = [1], strides = [1]} : vector<16xf32> to vector<1xf32>
          %squeeze3A_2372 = vector.extract %slice3A_2371[0] : f32 from vector<1xf32>
          %mul3A_2373 = vector.broadcast %squeeze3A_2372 : f32 to vector<16xf32>
          %mul3A_2374 = arith.mulf %mul3A_2373, %get3A_2338 : vector<16xf32>
          %add3A_2375 = arith.addf %add3A_2235, %mul3A_2374 : vector<16xf32>
          %mul3A_2376 = vector.broadcast %squeeze3A_2372 : f32 to vector<16xf32>
          %mul3A_2377 = arith.mulf %mul3A_2376, %get3A_2344 : vector<16xf32>
          %add3A_2378 = arith.addf %add3A_2238, %mul3A_2377 : vector<16xf32>
          %mul3A_2379 = vector.broadcast %squeeze3A_2372 : f32 to vector<16xf32>
          %mul3A_2380 = arith.mulf %mul3A_2379, %get3A_2350 : vector<16xf32>
          %add3A_2381 = arith.addf %add3A_2241, %mul3A_2380 : vector<16xf32>
          %mul3A_2382 = vector.broadcast %squeeze3A_2372 : f32 to vector<16xf32>
          %mul3A_2383 = arith.mulf %mul3A_2382, %get3A_2356 : vector<16xf32>
          %add3A_2384 = arith.addf %add3A_2244, %mul3A_2383 : vector<16xf32>
          %slice3A_2385 = vector.extract_strided_slice %get3A_335 {offsets = [14], sizes = [1], strides = [1]} : vector<16xf32> to vector<1xf32>
          %squeeze3A_2386 = vector.extract %slice3A_2385[0] : f32 from vector<1xf32>
          %mul3A_2387 = vector.broadcast %squeeze3A_2386 : f32 to vector<16xf32>
          %mul3A_2388 = arith.mulf %mul3A_2387, %get3A_2338 : vector<16xf32>
          %add3A_2389 = arith.addf %add3A_2249, %mul3A_2388 : vector<16xf32>
          %mul3A_2390 = vector.broadcast %squeeze3A_2386 : f32 to vector<16xf32>
          %mul3A_2391 = arith.mulf %mul3A_2390, %get3A_2344 : vector<16xf32>
          %add3A_2392 = arith.addf %add3A_2252, %mul3A_2391 : vector<16xf32>
          %mul3A_2393 = vector.broadcast %squeeze3A_2386 : f32 to vector<16xf32>
          %mul3A_2394 = arith.mulf %mul3A_2393, %get3A_2350 : vector<16xf32>
          %add3A_2395 = arith.addf %add3A_2255, %mul3A_2394 : vector<16xf32>
          %mul3A_2396 = vector.broadcast %squeeze3A_2386 : f32 to vector<16xf32>
          %mul3A_2397 = arith.mulf %mul3A_2396, %get3A_2356 : vector<16xf32>
          %add3A_2398 = arith.addf %add3A_2258, %mul3A_2397 : vector<16xf32>
          %slice3A_2399 = vector.extract_strided_slice %get3A_342 {offsets = [14], sizes = [1], strides = [1]} : vector<16xf32> to vector<1xf32>
          %squeeze3A_2400 = vector.extract %slice3A_2399[0] : f32 from vector<1xf32>
          %mul3A_2401 = vector.broadcast %squeeze3A_2400 : f32 to vector<16xf32>
          %mul3A_2402 = arith.mulf %mul3A_2401, %get3A_2338 : vector<16xf32>
          %add3A_2403 = arith.addf %add3A_2263, %mul3A_2402 : vector<16xf32>
          %mul3A_2404 = vector.broadcast %squeeze3A_2400 : f32 to vector<16xf32>
          %mul3A_2405 = arith.mulf %mul3A_2404, %get3A_2344 : vector<16xf32>
          %add3A_2406 = arith.addf %add3A_2266, %mul3A_2405 : vector<16xf32>
          %mul3A_2407 = vector.broadcast %squeeze3A_2400 : f32 to vector<16xf32>
          %mul3A_2408 = arith.mulf %mul3A_2407, %get3A_2350 : vector<16xf32>
          %add3A_2409 = arith.addf %add3A_2269, %mul3A_2408 : vector<16xf32>
          %mul3A_2410 = vector.broadcast %squeeze3A_2400 : f32 to vector<16xf32>
          %mul3A_2411 = arith.mulf %mul3A_2410, %get3A_2356 : vector<16xf32>
          %add3A_2412 = arith.addf %add3A_2272, %mul3A_2411 : vector<16xf32>
          %slice3A_2413 = vector.extract_strided_slice %get3A_349 {offsets = [14], sizes = [1], strides = [1]} : vector<16xf32> to vector<1xf32>
          %squeeze3A_2414 = vector.extract %slice3A_2413[0] : f32 from vector<1xf32>
          %mul3A_2415 = vector.broadcast %squeeze3A_2414 : f32 to vector<16xf32>
          %mul3A_2416 = arith.mulf %mul3A_2415, %get3A_2338 : vector<16xf32>
          %add3A_2417 = arith.addf %add3A_2277, %mul3A_2416 : vector<16xf32>
          %mul3A_2418 = vector.broadcast %squeeze3A_2414 : f32 to vector<16xf32>
          %mul3A_2419 = arith.mulf %mul3A_2418, %get3A_2344 : vector<16xf32>
          %add3A_2420 = arith.addf %add3A_2280, %mul3A_2419 : vector<16xf32>
          %mul3A_2421 = vector.broadcast %squeeze3A_2414 : f32 to vector<16xf32>
          %mul3A_2422 = arith.mulf %mul3A_2421, %get3A_2350 : vector<16xf32>
          %add3A_2423 = arith.addf %add3A_2283, %mul3A_2422 : vector<16xf32>
          %mul3A_2424 = vector.broadcast %squeeze3A_2414 : f32 to vector<16xf32>
          %mul3A_2425 = arith.mulf %mul3A_2424, %get3A_2356 : vector<16xf32>
          %add3A_2426 = arith.addf %add3A_2286, %mul3A_2425 : vector<16xf32>
          %slice3A_2427 = vector.extract_strided_slice %get3A_356 {offsets = [14], sizes = [1], strides = [1]} : vector<16xf32> to vector<1xf32>
          %squeeze3A_2428 = vector.extract %slice3A_2427[0] : f32 from vector<1xf32>
          %mul3A_2429 = vector.broadcast %squeeze3A_2428 : f32 to vector<16xf32>
          %mul3A_2430 = arith.mulf %mul3A_2429, %get3A_2338 : vector<16xf32>
          %add3A_2431 = arith.addf %add3A_2291, %mul3A_2430 : vector<16xf32>
          %mul3A_2432 = vector.broadcast %squeeze3A_2428 : f32 to vector<16xf32>
          %mul3A_2433 = arith.mulf %mul3A_2432, %get3A_2344 : vector<16xf32>
          %add3A_2434 = arith.addf %add3A_2294, %mul3A_2433 : vector<16xf32>
          %mul3A_2435 = vector.broadcast %squeeze3A_2428 : f32 to vector<16xf32>
          %mul3A_2436 = arith.mulf %mul3A_2435, %get3A_2350 : vector<16xf32>
          %add3A_2437 = arith.addf %add3A_2297, %mul3A_2436 : vector<16xf32>
          %mul3A_2438 = vector.broadcast %squeeze3A_2428 : f32 to vector<16xf32>
          %mul3A_2439 = arith.mulf %mul3A_2438, %get3A_2356 : vector<16xf32>
          %add3A_2440 = arith.addf %add3A_2300, %mul3A_2439 : vector<16xf32>
          %slice3A_2441 = vector.extract_strided_slice %get3A_363 {offsets = [14], sizes = [1], strides = [1]} : vector<16xf32> to vector<1xf32>
          %squeeze3A_2442 = vector.extract %slice3A_2441[0] : f32 from vector<1xf32>
          %mul3A_2443 = vector.broadcast %squeeze3A_2442 : f32 to vector<16xf32>
          %mul3A_2444 = arith.mulf %mul3A_2443, %get3A_2338 : vector<16xf32>
          %add3A_2445 = arith.addf %add3A_2305, %mul3A_2444 : vector<16xf32>
          %mul3A_2446 = vector.broadcast %squeeze3A_2442 : f32 to vector<16xf32>
          %mul3A_2447 = arith.mulf %mul3A_2446, %get3A_2344 : vector<16xf32>
          %add3A_2448 = arith.addf %add3A_2308, %mul3A_2447 : vector<16xf32>
          %mul3A_2449 = vector.broadcast %squeeze3A_2442 : f32 to vector<16xf32>
          %mul3A_2450 = arith.mulf %mul3A_2449, %get3A_2350 : vector<16xf32>
          %add3A_2451 = arith.addf %add3A_2311, %mul3A_2450 : vector<16xf32>
          %mul3A_2452 = vector.broadcast %squeeze3A_2442 : f32 to vector<16xf32>
          %mul3A_2453 = arith.mulf %mul3A_2452, %get3A_2356 : vector<16xf32>
          %add3A_2454 = arith.addf %add3A_2314, %mul3A_2453 : vector<16xf32>
          %slice3A_2455 = vector.extract_strided_slice %get3A_370 {offsets = [14], sizes = [1], strides = [1]} : vector<16xf32> to vector<1xf32>
          %squeeze3A_2456 = vector.extract %slice3A_2455[0] : f32 from vector<1xf32>
          %mul3A_2457 = vector.broadcast %squeeze3A_2456 : f32 to vector<16xf32>
          %mul3A_2458 = arith.mulf %mul3A_2457, %get3A_2338 : vector<16xf32>
          %add3A_2459 = arith.addf %add3A_2319, %mul3A_2458 : vector<16xf32>
          %mul3A_2460 = vector.broadcast %squeeze3A_2456 : f32 to vector<16xf32>
          %mul3A_2461 = arith.mulf %mul3A_2460, %get3A_2344 : vector<16xf32>
          %add3A_2462 = arith.addf %add3A_2322, %mul3A_2461 : vector<16xf32>
          %mul3A_2463 = vector.broadcast %squeeze3A_2456 : f32 to vector<16xf32>
          %mul3A_2464 = arith.mulf %mul3A_2463, %get3A_2350 : vector<16xf32>
          %add3A_2465 = arith.addf %add3A_2325, %mul3A_2464 : vector<16xf32>
          %mul3A_2466 = vector.broadcast %squeeze3A_2456 : f32 to vector<16xf32>
          %mul3A_2467 = arith.mulf %mul3A_2466, %get3A_2356 : vector<16xf32>
          %add3A_2468 = arith.addf %add3A_2328, %mul3A_2467 : vector<16xf32>
          %mul3A_2469 = arith.constant 16 : i32
          %mul3A_2470 = arith.muli %scan3A_283, %mul3A_2469 : i32
          %add3A_2471 = arith.constant 15 : i32
          %add3A_2472 = arith.addi %mul3A_2470, %add3A_2471 : i32
          %add3A_2473 = arith.constant 0 : i32
          %add3A_2474 = arith.addi %mul3A_20, %add3A_2473 : i32
          %get3A_2475 = arith.index_cast %add3A_2472 : i32 to index
          %get3A_2476 = arith.index_cast %add3A_2474 : i32 to index
          %get3A_2477 = tpu.vector_load %arg6[%get3A_2475, %get3A_2476] {strides = array<i32>} : memref<64x512xf32, #tpu.memory_space<vmem>>, vector<1x16xf32>,
          %get3A_2478 = vector.shape_cast %get3A_2477 : vector<1x16xf32> to vector<16xf32>
          %add3A_2479 = arith.constant 16 : i32
          %add3A_2480 = arith.addi %mul3A_20, %add3A_2479 : i32
          %get3A_2481 = arith.index_cast %add3A_2472 : i32 to index
          %get3A_2482 = arith.index_cast %add3A_2480 : i32 to index
          %get3A_2483 = tpu.vector_load %arg6[%get3A_2481, %get3A_2482] {strides = array<i32>} : memref<64x512xf32, #tpu.memory_space<vmem>>, vector<1x16xf32>,
          %get3A_2484 = vector.shape_cast %get3A_2483 : vector<1x16xf32> to vector<16xf32>
          %add3A_2485 = arith.constant 32 : i32
          %add3A_2486 = arith.addi %mul3A_20, %add3A_2485 : i32
          %get3A_2487 = arith.index_cast %add3A_2472 : i32 to index
          %get3A_2488 = arith.index_cast %add3A_2486 : i32 to index
          %get3A_2489 = tpu.vector_load %arg6[%get3A_2487, %get3A_2488] {strides = array<i32>} : memref<64x512xf32, #tpu.memory_space<vmem>>, vector<1x16xf32>,
          %get3A_2490 = vector.shape_cast %get3A_2489 : vector<1x16xf32> to vector<16xf32>
          %add3A_2491 = arith.constant 48 : i32
          %add3A_2492 = arith.addi %mul3A_20, %add3A_2491 : i32
          %get3A_2493 = arith.index_cast %add3A_2472 : i32 to index
          %get3A_2494 = arith.index_cast %add3A_2492 : i32 to index
          %get3A_2495 = tpu.vector_load %arg6[%get3A_2493, %get3A_2494] {strides = array<i32>} : memref<64x512xf32, #tpu.memory_space<vmem>>, vector<1x16xf32>,
          %get3A_2496 = vector.shape_cast %get3A_2495 : vector<1x16xf32> to vector<16xf32>
          %slice3A_2497 = vector.extract_strided_slice %get3A_321 {offsets = [15], sizes = [1], strides = [1]} : vector<16xf32> to vector<1xf32>
          %squeeze3A_2498 = vector.extract %slice3A_2497[0] : f32 from vector<1xf32>
          %mul3A_2499 = vector.broadcast %squeeze3A_2498 : f32 to vector<16xf32>
          %mul3A_2500 = arith.mulf %mul3A_2499, %get3A_2478 : vector<16xf32>
          %add3A_2501 = arith.addf %add3A_2361, %mul3A_2500 : vector<16xf32>
          %mul3A_2502 = vector.broadcast %squeeze3A_2498 : f32 to vector<16xf32>
          %mul3A_2503 = arith.mulf %mul3A_2502, %get3A_2484 : vector<16xf32>
          %add3A_2504 = arith.addf %add3A_2364, %mul3A_2503 : vector<16xf32>
          %mul3A_2505 = vector.broadcast %squeeze3A_2498 : f32 to vector<16xf32>
          %mul3A_2506 = arith.mulf %mul3A_2505, %get3A_2490 : vector<16xf32>
          %add3A_2507 = arith.addf %add3A_2367, %mul3A_2506 : vector<16xf32>
          %mul3A_2508 = vector.broadcast %squeeze3A_2498 : f32 to vector<16xf32>
          %mul3A_2509 = arith.mulf %mul3A_2508, %get3A_2496 : vector<16xf32>
          %add3A_2510 = arith.addf %add3A_2370, %mul3A_2509 : vector<16xf32>
          %slice3A_2511 = vector.extract_strided_slice %get3A_328 {offsets = [15], sizes = [1], strides = [1]} : vector<16xf32> to vector<1xf32>
          %squeeze3A_2512 = vector.extract %slice3A_2511[0] : f32 from vector<1xf32>
          %mul3A_2513 = vector.broadcast %squeeze3A_2512 : f32 to vector<16xf32>
          %mul3A_2514 = arith.mulf %mul3A_2513, %get3A_2478 : vector<16xf32>
          %add3A_2515 = arith.addf %add3A_2375, %mul3A_2514 : vector<16xf32>
          %mul3A_2516 = vector.broadcast %squeeze3A_2512 : f32 to vector<16xf32>
          %mul3A_2517 = arith.mulf %mul3A_2516, %get3A_2484 : vector<16xf32>
          %add3A_2518 = arith.addf %add3A_2378, %mul3A_2517 : vector<16xf32>
          %mul3A_2519 = vector.broadcast %squeeze3A_2512 : f32 to vector<16xf32>
          %mul3A_2520 = arith.mulf %mul3A_2519, %get3A_2490 : vector<16xf32>
          %add3A_2521 = arith.addf %add3A_2381, %mul3A_2520 : vector<16xf32>
          %mul3A_2522 = vector.broadcast %squeeze3A_2512 : f32 to vector<16xf32>
          %mul3A_2523 = arith.mulf %mul3A_2522, %get3A_2496 : vector<16xf32>
          %add3A_2524 = arith.addf %add3A_2384, %mul3A_2523 : vector<16xf32>
          %slice3A_2525 = vector.extract_strided_slice %get3A_335 {offsets = [15], sizes = [1], strides = [1]} : vector<16xf32> to vector<1xf32>
          %squeeze3A_2526 = vector.extract %slice3A_2525[0] : f32 from vector<1xf32>
          %mul3A_2527 = vector.broadcast %squeeze3A_2526 : f32 to vector<16xf32>
          %mul3A_2528 = arith.mulf %mul3A_2527, %get3A_2478 : vector<16xf32>
          %add3A_2529 = arith.addf %add3A_2389, %mul3A_2528 : vector<16xf32>
          %mul3A_2530 = vector.broadcast %squeeze3A_2526 : f32 to vector<16xf32>
          %mul3A_2531 = arith.mulf %mul3A_2530, %get3A_2484 : vector<16xf32>
          %add3A_2532 = arith.addf %add3A_2392, %mul3A_2531 : vector<16xf32>
          %mul3A_2533 = vector.broadcast %squeeze3A_2526 : f32 to vector<16xf32>
          %mul3A_2534 = arith.mulf %mul3A_2533, %get3A_2490 : vector<16xf32>
          %add3A_2535 = arith.addf %add3A_2395, %mul3A_2534 : vector<16xf32>
          %mul3A_2536 = vector.broadcast %squeeze3A_2526 : f32 to vector<16xf32>
          %mul3A_2537 = arith.mulf %mul3A_2536, %get3A_2496 : vector<16xf32>
          %add3A_2538 = arith.addf %add3A_2398, %mul3A_2537 : vector<16xf32>
          %slice3A_2539 = vector.extract_strided_slice %get3A_342 {offsets = [15], sizes = [1], strides = [1]} : vector<16xf32> to vector<1xf32>
          %squeeze3A_2540 = vector.extract %slice3A_2539[0] : f32 from vector<1xf32>
          %mul3A_2541 = vector.broadcast %squeeze3A_2540 : f32 to vector<16xf32>
          %mul3A_2542 = arith.mulf %mul3A_2541, %get3A_2478 : vector<16xf32>
          %add3A_2543 = arith.addf %add3A_2403, %mul3A_2542 : vector<16xf32>
          %mul3A_2544 = vector.broadcast %squeeze3A_2540 : f32 to vector<16xf32>
          %mul3A_2545 = arith.mulf %mul3A_2544, %get3A_2484 : vector<16xf32>
          %add3A_2546 = arith.addf %add3A_2406, %mul3A_2545 : vector<16xf32>
          %mul3A_2547 = vector.broadcast %squeeze3A_2540 : f32 to vector<16xf32>
          %mul3A_2548 = arith.mulf %mul3A_2547, %get3A_2490 : vector<16xf32>
          %add3A_2549 = arith.addf %add3A_2409, %mul3A_2548 : vector<16xf32>
          %mul3A_2550 = vector.broadcast %squeeze3A_2540 : f32 to vector<16xf32>
          %mul3A_2551 = arith.mulf %mul3A_2550, %get3A_2496 : vector<16xf32>
          %add3A_2552 = arith.addf %add3A_2412, %mul3A_2551 : vector<16xf32>
          %slice3A_2553 = vector.extract_strided_slice %get3A_349 {offsets = [15], sizes = [1], strides = [1]} : vector<16xf32> to vector<1xf32>
          %squeeze3A_2554 = vector.extract %slice3A_2553[0] : f32 from vector<1xf32>
          %mul3A_2555 = vector.broadcast %squeeze3A_2554 : f32 to vector<16xf32>
          %mul3A_2556 = arith.mulf %mul3A_2555, %get3A_2478 : vector<16xf32>
          %add3A_2557 = arith.addf %add3A_2417, %mul3A_2556 : vector<16xf32>
          %mul3A_2558 = vector.broadcast %squeeze3A_2554 : f32 to vector<16xf32>
          %mul3A_2559 = arith.mulf %mul3A_2558, %get3A_2484 : vector<16xf32>
          %add3A_2560 = arith.addf %add3A_2420, %mul3A_2559 : vector<16xf32>
          %mul3A_2561 = vector.broadcast %squeeze3A_2554 : f32 to vector<16xf32>
          %mul3A_2562 = arith.mulf %mul3A_2561, %get3A_2490 : vector<16xf32>
          %add3A_2563 = arith.addf %add3A_2423, %mul3A_2562 : vector<16xf32>
          %mul3A_2564 = vector.broadcast %squeeze3A_2554 : f32 to vector<16xf32>
          %mul3A_2565 = arith.mulf %mul3A_2564, %get3A_2496 : vector<16xf32>
          %add3A_2566 = arith.addf %add3A_2426, %mul3A_2565 : vector<16xf32>
          %slice3A_2567 = vector.extract_strided_slice %get3A_356 {offsets = [15], sizes = [1], strides = [1]} : vector<16xf32> to vector<1xf32>
          %squeeze3A_2568 = vector.extract %slice3A_2567[0] : f32 from vector<1xf32>
          %mul3A_2569 = vector.broadcast %squeeze3A_2568 : f32 to vector<16xf32>
          %mul3A_2570 = arith.mulf %mul3A_2569, %get3A_2478 : vector<16xf32>
          %add3A_2571 = arith.addf %add3A_2431, %mul3A_2570 : vector<16xf32>
          %mul3A_2572 = vector.broadcast %squeeze3A_2568 : f32 to vector<16xf32>
          %mul3A_2573 = arith.mulf %mul3A_2572, %get3A_2484 : vector<16xf32>
          %add3A_2574 = arith.addf %add3A_2434, %mul3A_2573 : vector<16xf32>
          %mul3A_2575 = vector.broadcast %squeeze3A_2568 : f32 to vector<16xf32>
          %mul3A_2576 = arith.mulf %mul3A_2575, %get3A_2490 : vector<16xf32>
          %add3A_2577 = arith.addf %add3A_2437, %mul3A_2576 : vector<16xf32>
          %mul3A_2578 = vector.broadcast %squeeze3A_2568 : f32 to vector<16xf32>
          %mul3A_2579 = arith.mulf %mul3A_2578, %get3A_2496 : vector<16xf32>
          %add3A_2580 = arith.addf %add3A_2440, %mul3A_2579 : vector<16xf32>
          %slice3A_2581 = vector.extract_strided_slice %get3A_363 {offsets = [15], sizes = [1], strides = [1]} : vector<16xf32> to vector<1xf32>
          %squeeze3A_2582 = vector.extract %slice3A_2581[0] : f32 from vector<1xf32>
          %mul3A_2583 = vector.broadcast %squeeze3A_2582 : f32 to vector<16xf32>
          %mul3A_2584 = arith.mulf %mul3A_2583, %get3A_2478 : vector<16xf32>
          %add3A_2585 = arith.addf %add3A_2445, %mul3A_2584 : vector<16xf32>
          %mul3A_2586 = vector.broadcast %squeeze3A_2582 : f32 to vector<16xf32>
          %mul3A_2587 = arith.mulf %mul3A_2586, %get3A_2484 : vector<16xf32>
          %add3A_2588 = arith.addf %add3A_2448, %mul3A_2587 : vector<16xf32>
          %mul3A_2589 = vector.broadcast %squeeze3A_2582 : f32 to vector<16xf32>
          %mul3A_2590 = arith.mulf %mul3A_2589, %get3A_2490 : vector<16xf32>
          %add3A_2591 = arith.addf %add3A_2451, %mul3A_2590 : vector<16xf32>
          %mul3A_2592 = vector.broadcast %squeeze3A_2582 : f32 to vector<16xf32>
          %mul3A_2593 = arith.mulf %mul3A_2592, %get3A_2496 : vector<16xf32>
          %add3A_2594 = arith.addf %add3A_2454, %mul3A_2593 : vector<16xf32>
          %slice3A_2595 = vector.extract_strided_slice %get3A_370 {offsets = [15], sizes = [1], strides = [1]} : vector<16xf32> to vector<1xf32>
          %squeeze3A_2596 = vector.extract %slice3A_2595[0] : f32 from vector<1xf32>
          %mul3A_2597 = vector.broadcast %squeeze3A_2596 : f32 to vector<16xf32>
          %mul3A_2598 = arith.mulf %mul3A_2597, %get3A_2478 : vector<16xf32>
          %add3A_2599 = arith.addf %add3A_2459, %mul3A_2598 : vector<16xf32>
          %mul3A_2600 = vector.broadcast %squeeze3A_2596 : f32 to vector<16xf32>
          %mul3A_2601 = arith.mulf %mul3A_2600, %get3A_2484 : vector<16xf32>
          %add3A_2602 = arith.addf %add3A_2462, %mul3A_2601 : vector<16xf32>
          %mul3A_2603 = vector.broadcast %squeeze3A_2596 : f32 to vector<16xf32>
          %mul3A_2604 = arith.mulf %mul3A_2603, %get3A_2490 : vector<16xf32>
          %add3A_2605 = arith.addf %add3A_2465, %mul3A_2604 : vector<16xf32>
          %mul3A_2606 = vector.broadcast %squeeze3A_2596 : f32 to vector<16xf32>
          %mul3A_2607 = arith.mulf %mul3A_2606, %get3A_2496 : vector<16xf32>
          %add3A_2608 = arith.addf %add3A_2468, %mul3A_2607 : vector<16xf32>
          scf.yield %add3A_2501, %add3A_2504, %add3A_2507, %add3A_2510, %add3A_2515, %add3A_2518, %add3A_2521, %add3A_2524, %add3A_2529, %add3A_2532, %add3A_2535, %add3A_2538, %add3A_2543, %add3A_2546, %add3A_2549, %add3A_2552, %add3A_2557, %add3A_2560, %add3A_2563, %add3A_2566, %add3A_2571, %add3A_2574, %add3A_2577, %add3A_2580, %add3A_2585, %add3A_2588, %add3A_2591, %add3A_2594, %add3A_2599, %add3A_2602, %add3A_2605, %add3A_2608 : vector<16xf32>, vector<16xf32>, vector<16xf32>, vector<16xf32>, vector<16xf32>, vector<16xf32>, vector<16xf32>, vector<16xf32>, vector<16xf32>, vector<16xf32>, vector<16xf32>, vector<16xf32>, vector<16xf32>, vector<16xf32>, vector<16xf32>, vector<16xf32>, vector<16xf32>, vector<16xf32>, vector<16xf32>, vector<16xf32>, vector<16xf32>, vector<16xf32>, vector<16xf32>, vector<16xf32>, vector<16xf32>, vector<16xf32>, vector<16xf32>, vector<16xf32>, vector<16xf32>, vector<16xf32>, vector<16xf32>, vector<16xf32>
        }
        %scan3A_27 = arith.constant 4 : i32
        %add3A_28 = arith.constant 0 : i32
        %add3A_29 = arith.addi %mul3A_20, %add3A_28 : i32
        %swap3A = arith.constant 0 : i32
        %swap3A_30 = arith.index_cast %swap3A : i32 to index
        %swap3A_31 = arith.index_cast %add3A_29 : i32 to index
        %swap3A_32 = tpu.vector_load %arg7[%swap3A_30, %swap3A_31] {strides = array<i32>} : memref<8x512xf32, #tpu.memory_space<vmem>>, vector<1x16xf32>,
        %swap3A_33 = vector.shape_cast %swap3A_32 : vector<1x16xf32> to vector<16xf32>
        %swap3A_34 = vector.shape_cast %scan3A_26#0 : vector<16xf32> to vector<1x16xf32>
        tpu.vector_store %arg7[%swap3A_30, %swap3A_31], %swap3A_34 {strides = array<i32>} : memref<8x512xf32, #tpu.memory_space<vmem>>, vector<1x16xf32>,
        %add3A_35 = arith.constant 16 : i32
        %add3A_36 = arith.addi %mul3A_20, %add3A_35 : i32
        %swap3A_37 = arith.constant 0 : i32
        %swap3A_38 = arith.index_cast %swap3A_37 : i32 to index
        %swap3A_39 = arith.index_cast %add3A_36 : i32 to index
        %swap3A_40 = tpu.vector_load %arg7[%swap3A_38, %swap3A_39] {strides = array<i32>} : memref<8x512xf32, #tpu.memory_space<vmem>>, vector<1x16xf32>,
        %swap3A_41 = vector.shape_cast %swap3A_40 : vector<1x16xf32> to vector<16xf32>
        %swap3A_42 = vector.shape_cast %scan3A_26#1 : vector<16xf32> to vector<1x16xf32>
        tpu.vector_store %arg7[%swap3A_38, %swap3A_39], %swap3A_42 {strides = array<i32>} : memref<8x512xf32, #tpu.memory_space<vmem>>, vector<1x16xf32>,
        %add3A_43 = arith.constant 32 : i32
        %add3A_44 = arith.addi %mul3A_20, %add3A_43 : i32
        %swap3A_45 = arith.constant 0 : i32
        %swap3A_46 = arith.index_cast %swap3A_45 : i32 to index
        %swap3A_47 = arith.index_cast %add3A_44 : i32 to index
        %swap3A_48 = tpu.vector_load %arg7[%swap3A_46, %swap3A_47] {strides = array<i32>} : memref<8x512xf32, #tpu.memory_space<vmem>>, vector<1x16xf32>,
        %swap3A_49 = vector.shape_cast %swap3A_48 : vector<1x16xf32> to vector<16xf32>
        %swap3A_50 = vector.shape_cast %scan3A_26#2 : vector<16xf32> to vector<1x16xf32>
        tpu.vector_store %arg7[%swap3A_46, %swap3A_47], %swap3A_50 {strides = array<i32>} : memref<8x512xf32, #tpu.memory_space<vmem>>, vector<1x16xf32>,
        %add3A_51 = arith.constant 48 : i32
        %add3A_52 = arith.addi %mul3A_20, %add3A_51 : i32
        %swap3A_53 = arith.constant 0 : i32
        %swap3A_54 = arith.index_cast %swap3A_53 : i32 to index
        %swap3A_55 = arith.index_cast %add3A_52 : i32 to index
        %swap3A_56 = tpu.vector_load %arg7[%swap3A_54, %swap3A_55] {strides = array<i32>} : memref<8x512xf32, #tpu.memory_space<vmem>>, vector<1x16xf32>,
        %swap3A_57 = vector.shape_cast %swap3A_56 : vector<1x16xf32> to vector<16xf32>
        %swap3A_58 = vector.shape_cast %scan3A_26#3 : vector<16xf32> to vector<1x16xf32>
        tpu.vector_store %arg7[%swap3A_54, %swap3A_55], %swap3A_58 {strides = array<i32>} : memref<8x512xf32, #tpu.memory_space<vmem>>, vector<1x16xf32>,
        %add3A_59 = arith.constant 0 : i32
        %add3A_60 = arith.addi %mul3A_20, %add3A_59 : i32
        %swap3A_61 = arith.constant 1 : i32
        %swap3A_62 = arith.index_cast %swap3A_61 : i32 to index
        %swap3A_63 = arith.index_cast %add3A_60 : i32 to index
        %swap3A_64 = tpu.vector_load %arg7[%swap3A_62, %swap3A_63] {strides = array<i32>} : memref<8x512xf32, #tpu.memory_space<vmem>>, vector<1x16xf32>,
        %swap3A_65 = vector.shape_cast %swap3A_64 : vector<1x16xf32> to vector<16xf32>
        %swap3A_66 = vector.shape_cast %scan3A_26#4 : vector<16xf32> to vector<1x16xf32>
        tpu.vector_store %arg7[%swap3A_62, %swap3A_63], %swap3A_66 {strides = array<i32>} : memref<8x512xf32, #tpu.memory_space<vmem>>, vector<1x16xf32>,
        %add3A_67 = arith.constant 16 : i32
        %add3A_68 = arith.addi %mul3A_20, %add3A_67 : i32
        %swap3A_69 = arith.constant 1 : i32
        %swap3A_70 = arith.index_cast %swap3A_69 : i32 to index
        %swap3A_71 = arith.index_cast %add3A_68 : i32 to index
        %swap3A_72 = tpu.vector_load %arg7[%swap3A_70, %swap3A_71] {strides = array<i32>} : memref<8x512xf32, #tpu.memory_space<vmem>>, vector<1x16xf32>,
        %swap3A_73 = vector.shape_cast %swap3A_72 : vector<1x16xf32> to vector<16xf32>
        %swap3A_74 = vector.shape_cast %scan3A_26#5 : vector<16xf32> to vector<1x16xf32>
        tpu.vector_store %arg7[%swap3A_70, %swap3A_71], %swap3A_74 {strides = array<i32>} : memref<8x512xf32, #tpu.memory_space<vmem>>, vector<1x16xf32>,
        %add3A_75 = arith.constant 32 : i32
        %add3A_76 = arith.addi %mul3A_20, %add3A_75 : i32
        %swap3A_77 = arith.constant 1 : i32
        %swap3A_78 = arith.index_cast %swap3A_77 : i32 to index
        %swap3A_79 = arith.index_cast %add3A_76 : i32 to index
        %swap3A_80 = tpu.vector_load %arg7[%swap3A_78, %swap3A_79] {strides = array<i32>} : memref<8x512xf32, #tpu.memory_space<vmem>>, vector<1x16xf32>,
        %swap3A_81 = vector.shape_cast %swap3A_80 : vector<1x16xf32> to vector<16xf32>
        %swap3A_82 = vector.shape_cast %scan3A_26#6 : vector<16xf32> to vector<1x16xf32>
        tpu.vector_store %arg7[%swap3A_78, %swap3A_79], %swap3A_82 {strides = array<i32>} : memref<8x512xf32, #tpu.memory_space<vmem>>, vector<1x16xf32>,
        %add3A_83 = arith.constant 48 : i32
        %add3A_84 = arith.addi %mul3A_20, %add3A_83 : i32
        %swap3A_85 = arith.constant 1 : i32
        %swap3A_86 = arith.index_cast %swap3A_85 : i32 to index
        %swap3A_87 = arith.index_cast %add3A_84 : i32 to index
        %swap3A_88 = tpu.vector_load %arg7[%swap3A_86, %swap3A_87] {strides = array<i32>} : memref<8x512xf32, #tpu.memory_space<vmem>>, vector<1x16xf32>,
        %swap3A_89 = vector.shape_cast %swap3A_88 : vector<1x16xf32> to vector<16xf32>
        %swap3A_90 = vector.shape_cast %scan3A_26#7 : vector<16xf32> to vector<1x16xf32>
        tpu.vector_store %arg7[%swap3A_86, %swap3A_87], %swap3A_90 {strides = array<i32>} : memref<8x512xf32, #tpu.memory_space<vmem>>, vector<1x16xf32>,
        %add3A_91 = arith.constant 0 : i32
        %add3A_92 = arith.addi %mul3A_20, %add3A_91 : i32
        %swap3A_93 = arith.constant 2 : i32
        %swap3A_94 = arith.index_cast %swap3A_93 : i32 to index
        %swap3A_95 = arith.index_cast %add3A_92 : i32 to index
        %swap3A_96 = tpu.vector_load %arg7[%swap3A_94, %swap3A_95] {strides = array<i32>} : memref<8x512xf32, #tpu.memory_space<vmem>>, vector<1x16xf32>,
        %swap3A_97 = vector.shape_cast %swap3A_96 : vector<1x16xf32> to vector<16xf32>
        %swap3A_98 = vector.shape_cast %scan3A_26#8 : vector<16xf32> to vector<1x16xf32>
        tpu.vector_store %arg7[%swap3A_94, %swap3A_95], %swap3A_98 {strides = array<i32>} : memref<8x512xf32, #tpu.memory_space<vmem>>, vector<1x16xf32>,
        %add3A_99 = arith.constant 16 : i32
        %add3A_100 = arith.addi %mul3A_20, %add3A_99 : i32
        %swap3A_101 = arith.constant 2 : i32
        %swap3A_102 = arith.index_cast %swap3A_101 : i32 to index
        %swap3A_103 = arith.index_cast %add3A_100 : i32 to index
        %swap3A_104 = tpu.vector_load %arg7[%swap3A_102, %swap3A_103] {strides = array<i32>} : memref<8x512xf32, #tpu.memory_space<vmem>>, vector<1x16xf32>,
        %swap3A_105 = vector.shape_cast %swap3A_104 : vector<1x16xf32> to vector<16xf32>
        %swap3A_106 = vector.shape_cast %scan3A_26#9 : vector<16xf32> to vector<1x16xf32>
        tpu.vector_store %arg7[%swap3A_102, %swap3A_103], %swap3A_106 {strides = array<i32>} : memref<8x512xf32, #tpu.memory_space<vmem>>, vector<1x16xf32>,
        %add3A_107 = arith.constant 32 : i32
        %add3A_108 = arith.addi %mul3A_20, %add3A_107 : i32
        %swap3A_109 = arith.constant 2 : i32
        %swap3A_110 = arith.index_cast %swap3A_109 : i32 to index
        %swap3A_111 = arith.index_cast %add3A_108 : i32 to index
        %swap3A_112 = tpu.vector_load %arg7[%swap3A_110, %swap3A_111] {strides = array<i32>} : memref<8x512xf32, #tpu.memory_space<vmem>>, vector<1x16xf32>,
        %swap3A_113 = vector.shape_cast %swap3A_112 : vector<1x16xf32> to vector<16xf32>
        %swap3A_114 = vector.shape_cast %scan3A_26#10 : vector<16xf32> to vector<1x16xf32>
        tpu.vector_store %arg7[%swap3A_110, %swap3A_111], %swap3A_114 {strides = array<i32>} : memref<8x512xf32, #tpu.memory_space<vmem>>, vector<1x16xf32>,
        %add3A_115 = arith.constant 48 : i32
        %add3A_116 = arith.addi %mul3A_20, %add3A_115 : i32
        %swap3A_117 = arith.constant 2 : i32
        %swap3A_118 = arith.index_cast %swap3A_117 : i32 to index
        %swap3A_119 = arith.index_cast %add3A_116 : i32 to index
        %swap3A_120 = tpu.vector_load %arg7[%swap3A_118, %swap3A_119] {strides = array<i32>} : memref<8x512xf32, #tpu.memory_space<vmem>>, vector<1x16xf32>,
        %swap3A_121 = vector.shape_cast %swap3A_120 : vector<1x16xf32> to vector<16xf32>
        %swap3A_122 = vector.shape_cast %scan3A_26#11 : vector<16xf32> to vector<1x16xf32>
        tpu.vector_store %arg7[%swap3A_118, %swap3A_119], %swap3A_122 {strides = array<i32>} : memref<8x512xf32, #tpu.memory_space<vmem>>, vector<1x16xf32>,
        %add3A_123 = arith.constant 0 : i32
        %add3A_124 = arith.addi %mul3A_20, %add3A_123 : i32
        %swap3A_125 = arith.constant 3 : i32
        %swap3A_126 = arith.index_cast %swap3A_125 : i32 to index
        %swap3A_127 = arith.index_cast %add3A_124 : i32 to index
        %swap3A_128 = tpu.vector_load %arg7[%swap3A_126, %swap3A_127] {strides = array<i32>} : memref<8x512xf32, #tpu.memory_space<vmem>>, vector<1x16xf32>,
        %swap3A_129 = vector.shape_cast %swap3A_128 : vector<1x16xf32> to vector<16xf32>
        %swap3A_130 = vector.shape_cast %scan3A_26#12 : vector<16xf32> to vector<1x16xf32>
        tpu.vector_store %arg7[%swap3A_126, %swap3A_127], %swap3A_130 {strides = array<i32>} : memref<8x512xf32, #tpu.memory_space<vmem>>, vector<1x16xf32>,
        %add3A_131 = arith.constant 16 : i32
        %add3A_132 = arith.addi %mul3A_20, %add3A_131 : i32
        %swap3A_133 = arith.constant 3 : i32
        %swap3A_134 = arith.index_cast %swap3A_133 : i32 to index
        %swap3A_135 = arith.index_cast %add3A_132 : i32 to index
        %swap3A_136 = tpu.vector_load %arg7[%swap3A_134, %swap3A_135] {strides = array<i32>} : memref<8x512xf32, #tpu.memory_space<vmem>>, vector<1x16xf32>,
        %swap3A_137 = vector.shape_cast %swap3A_136 : vector<1x16xf32> to vector<16xf32>
        %swap3A_138 = vector.shape_cast %scan3A_26#13 : vector<16xf32> to vector<1x16xf32>
        tpu.vector_store %arg7[%swap3A_134, %swap3A_135], %swap3A_138 {strides = array<i32>} : memref<8x512xf32, #tpu.memory_space<vmem>>, vector<1x16xf32>,
        %add3A_139 = arith.constant 32 : i32
        %add3A_140 = arith.addi %mul3A_20, %add3A_139 : i32
        %swap3A_141 = arith.constant 3 : i32
        %swap3A_142 = arith.index_cast %swap3A_141 : i32 to index
        %swap3A_143 = arith.index_cast %add3A_140 : i32 to index
        %swap3A_144 = tpu.vector_load %arg7[%swap3A_142, %swap3A_143] {strides = array<i32>} : memref<8x512xf32, #tpu.memory_space<vmem>>, vector<1x16xf32>,
        %swap3A_145 = vector.shape_cast %swap3A_144 : vector<1x16xf32> to vector<16xf32>
        %swap3A_146 = vector.shape_cast %scan3A_26#14 : vector<16xf32> to vector<1x16xf32>
        tpu.vector_store %arg7[%swap3A_142, %swap3A_143], %swap3A_146 {strides = array<i32>} : memref<8x512xf32, #tpu.memory_space<vmem>>, vector<1x16xf32>,
        %add3A_147 = arith.constant 48 : i32
        %add3A_148 = arith.addi %mul3A_20, %add3A_147 : i32
        %swap3A_149 = arith.constant 3 : i32
        %swap3A_150 = arith.index_cast %swap3A_149 : i32 to index
        %swap3A_151 = arith.index_cast %add3A_148 : i32 to index
        %swap3A_152 = tpu.vector_load %arg7[%swap3A_150, %swap3A_151] {strides = array<i32>} : memref<8x512xf32, #tpu.memory_space<vmem>>, vector<1x16xf32>,
        %swap3A_153 = vector.shape_cast %swap3A_152 : vector<1x16xf32> to vector<16xf32>
        %swap3A_154 = vector.shape_cast %scan3A_26#15 : vector<16xf32> to vector<1x16xf32>
        tpu.vector_store %arg7[%swap3A_150, %swap3A_151], %swap3A_154 {strides = array<i32>} : memref<8x512xf32, #tpu.memory_space<vmem>>, vector<1x16xf32>,
        %add3A_155 = arith.constant 0 : i32
        %add3A_156 = arith.addi %mul3A_20, %add3A_155 : i32
        %swap3A_157 = arith.constant 4 : i32
        %swap3A_158 = arith.index_cast %swap3A_157 : i32 to index
        %swap3A_159 = arith.index_cast %add3A_156 : i32 to index
        %swap3A_160 = tpu.vector_load %arg7[%swap3A_158, %swap3A_159] {strides = array<i32>} : memref<8x512xf32, #tpu.memory_space<vmem>>, vector<1x16xf32>,
        %swap3A_161 = vector.shape_cast %swap3A_160 : vector<1x16xf32> to vector<16xf32>
        %swap3A_162 = vector.shape_cast %scan3A_26#16 : vector<16xf32> to vector<1x16xf32>
        tpu.vector_store %arg7[%swap3A_158, %swap3A_159], %swap3A_162 {strides = array<i32>} : memref<8x512xf32, #tpu.memory_space<vmem>>, vector<1x16xf32>,
        %add3A_163 = arith.constant 16 : i32
        %add3A_164 = arith.addi %mul3A_20, %add3A_163 : i32
        %swap3A_165 = arith.constant 4 : i32
        %swap3A_166 = arith.index_cast %swap3A_165 : i32 to index
        %swap3A_167 = arith.index_cast %add3A_164 : i32 to index
        %swap3A_168 = tpu.vector_load %arg7[%swap3A_166, %swap3A_167] {strides = array<i32>} : memref<8x512xf32, #tpu.memory_space<vmem>>, vector<1x16xf32>,
        %swap3A_169 = vector.shape_cast %swap3A_168 : vector<1x16xf32> to vector<16xf32>
        %swap3A_170 = vector.shape_cast %scan3A_26#17 : vector<16xf32> to vector<1x16xf32>
        tpu.vector_store %arg7[%swap3A_166, %swap3A_167], %swap3A_170 {strides = array<i32>} : memref<8x512xf32, #tpu.memory_space<vmem>>, vector<1x16xf32>,
        %add3A_171 = arith.constant 32 : i32
        %add3A_172 = arith.addi %mul3A_20, %add3A_171 : i32
        %swap3A_173 = arith.constant 4 : i32
        %swap3A_174 = arith.index_cast %swap3A_173 : i32 to index
        %swap3A_175 = arith.index_cast %add3A_172 : i32 to index
        %swap3A_176 = tpu.vector_load %arg7[%swap3A_174, %swap3A_175] {strides = array<i32>} : memref<8x512xf32, #tpu.memory_space<vmem>>, vector<1x16xf32>,
        %swap3A_177 = vector.shape_cast %swap3A_176 : vector<1x16xf32> to vector<16xf32>
        %swap3A_178 = vector.shape_cast %scan3A_26#18 : vector<16xf32> to vector<1x16xf32>
        tpu.vector_store %arg7[%swap3A_174, %swap3A_175], %swap3A_178 {strides = array<i32>} : memref<8x512xf32, #tpu.memory_space<vmem>>, vector<1x16xf32>,
        %add3A_179 = arith.constant 48 : i32
        %add3A_180 = arith.addi %mul3A_20, %add3A_179 : i32
        %swap3A_181 = arith.constant 4 : i32
        %swap3A_182 = arith.index_cast %swap3A_181 : i32 to index
        %swap3A_183 = arith.index_cast %add3A_180 : i32 to index
        %swap3A_184 = tpu.vector_load %arg7[%swap3A_182, %swap3A_183] {strides = array<i32>} : memref<8x512xf32, #tpu.memory_space<vmem>>, vector<1x16xf32>,
        %swap3A_185 = vector.shape_cast %swap3A_184 : vector<1x16xf32> to vector<16xf32>
        %swap3A_186 = vector.shape_cast %scan3A_26#19 : vector<16xf32> to vector<1x16xf32>
        tpu.vector_store %arg7[%swap3A_182, %swap3A_183], %swap3A_186 {strides = array<i32>} : memref<8x512xf32, #tpu.memory_space<vmem>>, vector<1x16xf32>,
        %add3A_187 = arith.constant 0 : i32
        %add3A_188 = arith.addi %mul3A_20, %add3A_187 : i32
        %swap3A_189 = arith.constant 5 : i32
        %swap3A_190 = arith.index_cast %swap3A_189 : i32 to index
        %swap3A_191 = arith.index_cast %add3A_188 : i32 to index
        %swap3A_192 = tpu.vector_load %arg7[%swap3A_190, %swap3A_191] {strides = array<i32>} : memref<8x512xf32, #tpu.memory_space<vmem>>, vector<1x16xf32>,
        %swap3A_193 = vector.shape_cast %swap3A_192 : vector<1x16xf32> to vector<16xf32>
        %swap3A_194 = vector.shape_cast %scan3A_26#20 : vector<16xf32> to vector<1x16xf32>
        tpu.vector_store %arg7[%swap3A_190, %swap3A_191], %swap3A_194 {strides = array<i32>} : memref<8x512xf32, #tpu.memory_space<vmem>>, vector<1x16xf32>,
        %add3A_195 = arith.constant 16 : i32
        %add3A_196 = arith.addi %mul3A_20, %add3A_195 : i32
        %swap3A_197 = arith.constant 5 : i32
        %swap3A_198 = arith.index_cast %swap3A_197 : i32 to index
        %swap3A_199 = arith.index_cast %add3A_196 : i32 to index
        %swap3A_200 = tpu.vector_load %arg7[%swap3A_198, %swap3A_199] {strides = array<i32>} : memref<8x512xf32, #tpu.memory_space<vmem>>, vector<1x16xf32>,
        %swap3A_201 = vector.shape_cast %swap3A_200 : vector<1x16xf32> to vector<16xf32>
        %swap3A_202 = vector.shape_cast %scan3A_26#21 : vector<16xf32> to vector<1x16xf32>
        tpu.vector_store %arg7[%swap3A_198, %swap3A_199], %swap3A_202 {strides = array<i32>} : memref<8x512xf32, #tpu.memory_space<vmem>>, vector<1x16xf32>,
        %add3A_203 = arith.constant 32 : i32
        %add3A_204 = arith.addi %mul3A_20, %add3A_203 : i32
        %swap3A_205 = arith.constant 5 : i32
        %swap3A_206 = arith.index_cast %swap3A_205 : i32 to index
        %swap3A_207 = arith.index_cast %add3A_204 : i32 to index
        %swap3A_208 = tpu.vector_load %arg7[%swap3A_206, %swap3A_207] {strides = array<i32>} : memref<8x512xf32, #tpu.memory_space<vmem>>, vector<1x16xf32>,
        %swap3A_209 = vector.shape_cast %swap3A_208 : vector<1x16xf32> to vector<16xf32>
        %swap3A_210 = vector.shape_cast %scan3A_26#22 : vector<16xf32> to vector<1x16xf32>
        tpu.vector_store %arg7[%swap3A_206, %swap3A_207], %swap3A_210 {strides = array<i32>} : memref<8x512xf32, #tpu.memory_space<vmem>>, vector<1x16xf32>,
        %add3A_211 = arith.constant 48 : i32
        %add3A_212 = arith.addi %mul3A_20, %add3A_211 : i32
        %swap3A_213 = arith.constant 5 : i32
        %swap3A_214 = arith.index_cast %swap3A_213 : i32 to index
        %swap3A_215 = arith.index_cast %add3A_212 : i32 to index
        %swap3A_216 = tpu.vector_load %arg7[%swap3A_214, %swap3A_215] {strides = array<i32>} : memref<8x512xf32, #tpu.memory_space<vmem>>, vector<1x16xf32>,
        %swap3A_217 = vector.shape_cast %swap3A_216 : vector<1x16xf32> to vector<16xf32>
        %swap3A_218 = vector.shape_cast %scan3A_26#23 : vector<16xf32> to vector<1x16xf32>
        tpu.vector_store %arg7[%swap3A_214, %swap3A_215], %swap3A_218 {strides = array<i32>} : memref<8x512xf32, #tpu.memory_space<vmem>>, vector<1x16xf32>,
        %add3A_219 = arith.constant 0 : i32
        %add3A_220 = arith.addi %mul3A_20, %add3A_219 : i32
        %swap3A_221 = arith.constant 6 : i32
        %swap3A_222 = arith.index_cast %swap3A_221 : i32 to index
        %swap3A_223 = arith.index_cast %add3A_220 : i32 to index
        %swap3A_224 = tpu.vector_load %arg7[%swap3A_222, %swap3A_223] {strides = array<i32>} : memref<8x512xf32, #tpu.memory_space<vmem>>, vector<1x16xf32>,
        %swap3A_225 = vector.shape_cast %swap3A_224 : vector<1x16xf32> to vector<16xf32>
        %swap3A_226 = vector.shape_cast %scan3A_26#24 : vector<16xf32> to vector<1x16xf32>
        tpu.vector_store %arg7[%swap3A_222, %swap3A_223], %swap3A_226 {strides = array<i32>} : memref<8x512xf32, #tpu.memory_space<vmem>>, vector<1x16xf32>,
        %add3A_227 = arith.constant 16 : i32
        %add3A_228 = arith.addi %mul3A_20, %add3A_227 : i32
        %swap3A_229 = arith.constant 6 : i32
        %swap3A_230 = arith.index_cast %swap3A_229 : i32 to index
        %swap3A_231 = arith.index_cast %add3A_228 : i32 to index
        %swap3A_232 = tpu.vector_load %arg7[%swap3A_230, %swap3A_231] {strides = array<i32>} : memref<8x512xf32, #tpu.memory_space<vmem>>, vector<1x16xf32>,
        %swap3A_233 = vector.shape_cast %swap3A_232 : vector<1x16xf32> to vector<16xf32>
        %swap3A_234 = vector.shape_cast %scan3A_26#25 : vector<16xf32> to vector<1x16xf32>
        tpu.vector_store %arg7[%swap3A_230, %swap3A_231], %swap3A_234 {strides = array<i32>} : memref<8x512xf32, #tpu.memory_space<vmem>>, vector<1x16xf32>,
        %add3A_235 = arith.constant 32 : i32
        %add3A_236 = arith.addi %mul3A_20, %add3A_235 : i32
        %swap3A_237 = arith.constant 6 : i32
        %swap3A_238 = arith.index_cast %swap3A_237 : i32 to index
        %swap3A_239 = arith.index_cast %add3A_236 : i32 to index
        %swap3A_240 = tpu.vector_load %arg7[%swap3A_238, %swap3A_239] {strides = array<i32>} : memref<8x512xf32, #tpu.memory_space<vmem>>, vector<1x16xf32>,
        %swap3A_241 = vector.shape_cast %swap3A_240 : vector<1x16xf32> to vector<16xf32>
        %swap3A_242 = vector.shape_cast %scan3A_26#26 : vector<16xf32> to vector<1x16xf32>
        tpu.vector_store %arg7[%swap3A_238, %swap3A_239], %swap3A_242 {strides = array<i32>} : memref<8x512xf32, #tpu.memory_space<vmem>>, vector<1x16xf32>,
        %add3A_243 = arith.constant 48 : i32
        %add3A_244 = arith.addi %mul3A_20, %add3A_243 : i32
        %swap3A_245 = arith.constant 6 : i32
        %swap3A_246 = arith.index_cast %swap3A_245 : i32 to index
        %swap3A_247 = arith.index_cast %add3A_244 : i32 to index
        %swap3A_248 = tpu.vector_load %arg7[%swap3A_246, %swap3A_247] {strides = array<i32>} : memref<8x512xf32, #tpu.memory_space<vmem>>, vector<1x16xf32>,
        %swap3A_249 = vector.shape_cast %swap3A_248 : vector<1x16xf32> to vector<16xf32>
        %swap3A_250 = vector.shape_cast %scan3A_26#27 : vector<16xf32> to vector<1x16xf32>
        tpu.vector_store %arg7[%swap3A_246, %swap3A_247], %swap3A_250 {strides = array<i32>} : memref<8x512xf32, #tpu.memory_space<vmem>>, vector<1x16xf32>,
        %add3A_251 = arith.constant 0 : i32
        %add3A_252 = arith.addi %mul3A_20, %add3A_251 : i32
        %swap3A_253 = arith.constant 7 : i32
        %swap3A_254 = arith.index_cast %swap3A_253 : i32 to index
        %swap3A_255 = arith.index_cast %add3A_252 : i32 to index
        %swap3A_256 = tpu.vector_load %arg7[%swap3A_254, %swap3A_255] {strides = array<i32>} : memref<8x512xf32, #tpu.memory_space<vmem>>, vector<1x16xf32>,
        %swap3A_257 = vector.shape_cast %swap3A_256 : vector<1x16xf32> to vector<16xf32>
        %swap3A_258 = vector.shape_cast %scan3A_26#28 : vector<16xf32> to vector<1x16xf32>
        tpu.vector_store %arg7[%swap3A_254, %swap3A_255], %swap3A_258 {strides = array<i32>} : memref<8x512xf32, #tpu.memory_space<vmem>>, vector<1x16xf32>,
        %add3A_259 = arith.constant 16 : i32
        %add3A_260 = arith.addi %mul3A_20, %add3A_259 : i32
        %swap3A_261 = arith.constant 7 : i32
        %swap3A_262 = arith.index_cast %swap3A_261 : i32 to index
        %swap3A_263 = arith.index_cast %add3A_260 : i32 to index
        %swap3A_264 = tpu.vector_load %arg7[%swap3A_262, %swap3A_263] {strides = array<i32>} : memref<8x512xf32, #tpu.memory_space<vmem>>, vector<1x16xf32>,
        %swap3A_265 = vector.shape_cast %swap3A_264 : vector<1x16xf32> to vector<16xf32>
        %swap3A_266 = vector.shape_cast %scan3A_26#29 : vector<16xf32> to vector<1x16xf32>
        tpu.vector_store %arg7[%swap3A_262, %swap3A_263], %swap3A_266 {strides = array<i32>} : memref<8x512xf32, #tpu.memory_space<vmem>>, vector<1x16xf32>,
        %add3A_267 = arith.constant 32 : i32
        %add3A_268 = arith.addi %mul3A_20, %add3A_267 : i32
        %swap3A_269 = arith.constant 7 : i32
        %swap3A_270 = arith.index_cast %swap3A_269 : i32 to index
        %swap3A_271 = arith.index_cast %add3A_268 : i32 to index
        %swap3A_272 = tpu.vector_load %arg7[%swap3A_270, %swap3A_271] {strides = array<i32>} : memref<8x512xf32, #tpu.memory_space<vmem>>, vector<1x16xf32>,
        %swap3A_273 = vector.shape_cast %swap3A_272 : vector<1x16xf32> to vector<16xf32>
        %swap3A_274 = vector.shape_cast %scan3A_26#30 : vector<16xf32> to vector<1x16xf32>
        tpu.vector_store %arg7[%swap3A_270, %swap3A_271], %swap3A_274 {strides = array<i32>} : memref<8x512xf32, #tpu.memory_space<vmem>>, vector<1x16xf32>,
        %add3A_275 = arith.constant 48 : i32
        %add3A_276 = arith.addi %mul3A_20, %add3A_275 : i32
        %swap3A_277 = arith.constant 7 : i32
        %swap3A_278 = arith.index_cast %swap3A_277 : i32 to index
        %swap3A_279 = arith.index_cast %add3A_276 : i32 to index
        %swap3A_280 = tpu.vector_load %arg7[%swap3A_278, %swap3A_279] {strides = array<i32>} : memref<8x512xf32, #tpu.memory_space<vmem>>, vector<1x16xf32>,
        %swap3A_281 = vector.shape_cast %swap3A_280 : vector<1x16xf32> to vector<16xf32>
        %swap3A_282 = vector.shape_cast %scan3A_26#31 : vector<16xf32> to vector<1x16xf32>
        tpu.vector_store %arg7[%swap3A_278, %swap3A_279], %swap3A_282 {strides = array<i32>} : memref<8x512xf32, #tpu.memory_space<vmem>>, vector<1x16xf32>,
      }
      %scan3A_17 = arith.constant 8 : i32
      "tpu.region"() ({
        %run_scoped3A = tpu.sem_alloc : memref<!tpu.dma_semaphore, #tpu.memory_space<semaphore_mem>>
        %dma_start3A = arith.constant 0 : i32
        %dma_start3A_18 = tpu.memref_slice %arg4[%dma_start3A, %add3A_11] : memref<8x262144xf32, #tpu.memory_space<hbm>> -> memref<8x512xf32, #tpu.memory_space<hbm>>
        %dma_start3A_19 = arith.constant 0 : i32
        %dma_start3A_20 = tpu.memref_slice %arg4[%dma_start3A_19, %add3A_11] : memref<8x262144xf32, #tpu.memory_space<hbm>> -> memref<8x512xf32, #tpu.memory_space<hbm>>
        tpu.enqueue_dma source(%arg7 : memref<8x512xf32, #tpu.memory_space<vmem>>) target(%dma_start3A_20 : memref<8x512xf32, #tpu.memory_space<hbm>>) target_semaphore(%run_scoped3A : memref<!tpu.dma_semaphore, #tpu.memory_space<semaphore_mem>>)
        %dma_wait3A = arith.constant 0 : i32
        %dma_wait3A_21 = tpu.memref_slice %arg4[%dma_wait3A, %add3A_11] : memref<8x262144xf32, #tpu.memory_space<hbm>> -> memref<8x512xf32, #tpu.memory_space<hbm>>
        %dma_wait3A_22 = arith.constant 0 : i32
        %dma_wait3A_23 = tpu.memref_slice %arg4[%dma_wait3A_22, %add3A_11] : memref<8x262144xf32, #tpu.memory_space<hbm>> -> memref<8x512xf32, #tpu.memory_space<hbm>>
        tpu.wait_dma2 semaphore(%run_scoped3A : memref<!tpu.dma_semaphore, #tpu.memory_space<semaphore_mem>>) src(%arg7 : memref<8x512xf32, #tpu.memory_space<vmem>>) dst(%dma_wait3A_23 : memref<8x512xf32, #tpu.memory_space<hbm>>)
        tpu.yield
      }) : () -> ()
    }
    %scan3A_7 = arith.constant 16 : i32
    return
  }
}

module attributes {stable_mosaic.version = 14 : i64} {
  func.func @_tc_body(%arg0: i32, %arg1: memref<8x64xf32, #tpu.memory_space<vmem>>, %arg2: memref<64x32768xf32, #tpu.memory_space<vmem>>, %arg3: memref<8x32768xf32, #tpu.memory_space<vmem>>) attributes {dimension_semantics = [#tpu.dimension_semantics<arbitrary>], iteration_bounds = array<i64: 23>, scalar_prefetch = 0 : i64, scratch_operands = 0 : i64, tpu.core_type = #tpu.core_type<tc>, window_params = [{pipeline_mode = #tpu.pipeline_mode<synchronous>, transform_indices = @transform_0, window_bounds = array<i64: 8, 64>}, {transform_indices = @transform_1, window_bounds = array<i64: 64, 32768>}, {transform_indices = @transform_2, window_bounds = array<i64: 8, 32768>}]} {
    %get3A = arith.constant 0 : index
    %get3A_0 = arith.constant 0 : index
    %get3A_1 = vector.load %arg1[%get3A, %get3A_0] : memref<8x64xf32, #tpu.memory_space<vmem>>, vector<8x64xf32>
    %get3A_2 = arith.constant 0 : index
    %get3A_3 = arith.constant 0 : index
    %get3A_4 = vector.load %arg2[%get3A_2, %get3A_3] : memref<64x32768xf32, #tpu.memory_space<vmem>>, vector<64x32768xf32>
    %dot_general3A = arith.constant dense<0.000000e+00> : vector<8x32768xf32>
    %dot_general3A_5 = tpu.matmul %get3A_1, %get3A_4, %dot_general3A {dimension_numbers = #tpu.dot_dimension_numbers<[1], [0], [0], [1], [0, 0, 1, 1], [], []>, transpose_lhs_hint = false} : vector<8x64xf32>, vector<64x32768xf32>, vector<8x32768xf32> -> vector<8x32768xf32>
    %swap3A = arith.constant 0 : index
    %swap3A_6 = arith.constant 0 : index
    %swap3A_7 = vector.load %arg3[%swap3A, %swap3A_6] : memref<8x32768xf32, #tpu.memory_space<vmem>>, vector<8x32768xf32>
    tpu.vector_store %arg3[%swap3A, %swap3A_6], %dot_general3A_5 {strides = array<i32>} : memref<8x32768xf32, #tpu.memory_space<vmem>>, vector<8x32768xf32>,
    return
  }
  func.func @transform_0(%arg0: i32) -> (i32, i32) {
    %c0_i32 = arith.constant 0 : i32
    %c0_i32_0 = arith.constant 0 : i32
    %c0_i32_1 = arith.constant 0 : i32
    return %c0_i32, %c0_i32_0 : i32, i32
  }
  func.func @transform_1(%arg0: i32) -> (i32, i32) {
    %add3A = arith.constant 8 : i32
    %add3A_0 = arith.addi %arg0, %add3A : i32
    %c0_i32 = arith.constant 0 : i32
    %c0_i32_1 = arith.constant 0 : i32
    return %c0_i32, %add3A_0 : i32, i32
  }
  func.func @transform_2(%arg0: i32) -> (i32, i32) {
    %add3A = arith.constant 8 : i32
    %add3A_0 = arith.addi %arg0, %add3A : i32
    %c0_i32 = arith.constant 0 : i32
    %c0_i32_1 = arith.constant 0 : i32
    return %c0_i32, %add3A_0 : i32, i32
  }
}

</mosaic_0001>

<sc_bundles>
// kernel: kernel.4.cloned.1.call-start
scs
__scs_entry_jumppad:
0x0: {  	(pc) =	sbr.rel $0x88, $3  }
0x1: {  	(tag) =	ssettag $0x0;
	lr =	simm.s32 $0x1  }
0x2: {  	[smem:$0x3F9F] =	sst lr;
	_ =	strace $0xD0000000  }
0x3: {  	_ = 	snop  }
0x4: {  	_ = 	snop  }
0x5: {  	_ = 	snop  }
0x6: {  	_ = 	snop  }
0x7: {  	_ = 	snop  }
__scs_overlays_trampoline_lowered:
0x8: {  	[smem:$0x3FAE] =	sst s0  }
0x9: {  	[smem:$0x3FAF] =	sst s1  }
0xa: {  	[smem:$0x3FB0] =	sst s2  }
0xb: {  	[smem:$0x3FB1] =	sst s3  }
0xc: {  	[smem:$0x3FB2] =	sst s4  }
0xd: {  	[smem:$0x3FB3] =	sst s5  }
0xe: {  	[smem:$0x3FB4] =	sst s6  }
0xf: {  	[smem:$0x3FB5] =	sst s7  }
0x10: {  	[smem:$0x3FB6] =	sst s8  }
0x11: {  	[smem:$0x3FB7] =	sst s9;
	s0 =	simm.s32 @!p0 $0x0  }
0x12: {  	s1 =	sld [smem:$0x3F9D];
	s0 =	simm.s32 @p0 $0x1  }
0x13: {  	[smem:$0x3FB8] =	sst s0;
	s0 =	simm.s32 @!p1 $0x0  }
0x14: {  	s2 =	sld [smem:$0x3F9C];
	s0 =	simm.s32 @p1 $0x1  }
0x15: {  	[smem:$0x3FB9] =	sst s0;
	s0 =	simm.s32 @!p2 $0x0  }
0x16: {  	s3 =	sld [smem:$0x3FDB];
	s0 =	simm.s32 @p2 $0x1  }
0x17: {  	s4 =	simm.s32 $0x1BF5;
	[smem:$0x3FBB] =	sst s0  }
0x18: {  	s0 =	sld [smem:$0x3F9E];
	_ =	swait.ge [sflag:s4], $0x0  }
0x19: {  	s7 =	sld [smem:$0x3F9F]  }
0x1a: {  	s8 =	sadd.s32 $0xFFFFE003, lr  }
0x1b: {  	s9 =	sadd.s32 $0xFFFFFEF7, lr;
	s5 =	simm.s32 $0xFFFFFFFF;
	p2 =	slt.u32 s8, $0xFFFFF086  }
0x1c: {  	p1 =	slt.u32 s9, $0xF7A;
	s5 =	simm.s32 @!p2 $0x0  }
0x1d: {  	s5 =	simm.s32 @p1 $0x1;
	p0 =	seq.s32 s7, s2  }
0x1e: {  	s7 =	smul.u32 @!p0 $0xF7A, s2;
	p2 =	seq.s32 @!p0 s5, $0x0  }
0x1f: {  	s9 =	smul.u32 $0xF7A, s1;
	s8 =	simm.s32 @!p0 $0x1BF5;
	p2 =	por !p2, p0  }
0x20: {  	[sflag:s8] =	ssyncset.s32 @!p0 $0xFFFFF086;
	s6 =	sadd.s32 @!p0 s3, s7;
	s7 =	simm.s32 @!p0 $0x108  }
0x21: {  	s3 =	sadd.s32 s3, s9;
	s6 =	sadd.s32 @!p0 $0x88, s6;
	s7 =	simm.s32 @p2 $0x1082  }
0x22: {  	[simem:s7], [sflag:s8] =	dma.local @!p0 [hbm:s6], $0xF7A  }
0x23: {  	s9 =	sor.u32 $0xD0000000, s2;
	s6 =	simm.s32 $0x108;
	_ =	swait.ge @!p0 [sflag:s8], $0x0  }
0x24: {  	s3 =	sadd.s32 $0x88, s3;
	s6 =	simm.s32 @!p1 $0x1082;
	[sflag:s4] =	ssyncset.s32 $0xFFFFF086  }
0x25: {  	[simem:s6], [sflag:s4] =	dma.local [hbm:s3], $0xF7A  }
0x26: {  	[smem:$0x3F9F] =	sst s1;
	(tag) =	ssettag s2;
	_ =	strace s9  }
0x27: {  	s1 =	sld [smem:$0x3FAF]  }
0x28: {  	s2 =	sld [smem:$0x3FB0]  }
0x29: {  	s4 =	sld [smem:$0x3FB2]  }
0x2a: {  	p0 =	seq.s32 s5, $0x0;
	s5 =	sld [smem:$0x3FB3]  }
0x2b: {  	s6 =	sld [smem:$0x3FB4]  }
0x2c: {  	s7 =	sld [smem:$0x3FB5]  }
0x2d: {  	s3 =	simm.s32 $0x108;
	s8 =	sld [smem:$0x3FB6]  }
0x2e: {  	s3 =	simm.s32 @!p0 $0x1082;
	s9 =	sld [smem:$0x3FB7]  }
0x2f: {  	lr =	sadd.s32 s0, s3;
	s0 =	sld [smem:$0x3FAE]  }
0x30: {  	s3 =	sld [smem:$0x3FB1]  }
0x31: {  	[smem:$0x3FBA] =	sst s10  }
0x32: {  	s10 =	sld [smem:$0x3FB8];
	_ =	sdelay $0x3  }
0x33: {  	p0 =	seq.s32 s10, $0x1;
	s10 =	sld [smem:$0x3FBA];
	_ =	sdelay $0x3  }
0x34: {  	[smem:$0x3FBA] =	sst s10  }
0x35: {  	s10 =	sld [smem:$0x3FB9];
	_ =	sdelay $0x3  }
0x36: {  	p1 =	seq.s32 s10, $0x1;
	s10 =	sld [smem:$0x3FBA];
	_ =	sdelay $0x3  }
0x37: {  	[smem:$0x3FBA] =	sst s10  }
0x38: {  	s10 =	sld [smem:$0x3FBB]  }
0x39: {  	_ = 	snop;
	(pc) =	sbr.ind lr, $3  }
0x3a: {  	_ = 	snop  }
0x3b: {  	_ = 	snop  }
0x3c: {  	p2 =	seq.s32 s10, $0x1;
	s10 =	sld [smem:$0x3FBA]  }
0x3d: {  	_ =	shalt  }
0x3e: {  	_ =	shalt  }
0x3f: {  	_ =	shalt  }
0x40: {  	_ =	shalt  }
0x41: {  	_ =	shalt  }
0x42: {  	_ =	shalt  }
0x43: {  	_ =	shalt  }
0x44: {  	_ =	shalt  }
0x45: {  	_ =	shalt  }
0x46: {  	_ =	shalt  }
0x47: {  	_ =	shalt  }
0x48: {  	_ =	shalt  }
0x49: {  	_ =	shalt  }
0x4a: {  	_ =	shalt  }
0x4b: {  	_ =	shalt  }
0x4c: {  	_ =	shalt  }
0x4d: {  	_ =	shalt  }
0x4e: {  	_ =	shalt  }
0x4f: {  	_ =	shalt  }
0x50: {  	_ =	shalt  }
0x51: {  	_ =	shalt  }
0x52: {  	_ =	shalt  }
0x53: {  	_ =	shalt  }
0x54: {  	_ =	shalt  }
0x55: {  	_ =	shalt  }
0x56: {  	_ =	shalt  }
0x57: {  	_ =	shalt  }
0x58: {  	_ =	shalt  }
0x59: {  	_ =	shalt  }
0x5a: {  	_ =	shalt  }
0x5b: {  	_ =	shalt  }
0x5c: {  	_ =	shalt  }
0x5d: {  	_ =	shalt  }
0x5e: {  	_ =	shalt  }
0x5f: {  	_ =	shalt  }
0x60: {  	_ =	shalt  }
0x61: {  	_ =	shalt  }
0x62: {  	_ =	shalt  }
0x63: {  	_ =	shalt  }
0x64: {  	_ =	shalt  }
0x65: {  	_ =	shalt  }
0x66: {  	_ =	shalt  }
0x67: {  	_ =	shalt  }
0x68: {  	_ =	shalt  }
0x69: {  	_ =	shalt  }
0x6a: {  	_ =	shalt  }
0x6b: {  	_ =	shalt  }
0x6c: {  	_ =	shalt  }
0x6d: {  	_ =	shalt  }
0x6e: {  	_ =	shalt  }
0x6f: {  	_ =	shalt  }
0x70: {  	_ =	shalt  }
0x71: {  	_ =	shalt  }
0x72: {  	_ =	shalt  }
0x73: {  	_ =	shalt  }
0x74: {  	_ =	shalt  }
0x75: {  	_ =	shalt  }
0x76: {  	_ =	shalt  }
0x77: {  	_ =	shalt  }
0x78: {  	_ =	shalt  }
0x79: {  	_ =	shalt  }
0x7a: {  	_ =	shalt  }
0x7b: {  	_ =	shalt  }
0x7c: {  	_ =	shalt  }
0x7d: {  	_ =	shalt  }
0x7e: {  	_ =	shalt  }
0x7f: {  	_ =	shalt  }
0x80: {  	_ =	shalt  }
0x81: {  	_ =	shalt  }
0x82: {  	_ =	shalt  }
0x83: {  	_ =	shalt  }
0x84: {  	_ =	shalt  }
0x85: {  	_ =	shalt  }
0x86: {  	_ =	shalt  }
0x87: {  	_ =	shalt  }
.Lfunc_end0:
.L_simem_size_0:
called_computation_lowered:
.L_overlay_start_0:
0x88: {  	s2 =	sld [smem:$0x3FD9]  }
0x89: {  	s3 =	sld [smem:$0x3FFE];
	_ =	sdelay $0x1  }
0x8a: {  	s1 =	srdreg.scid  }
0x8b: {  	s0 =	sand.u32 $0x1, s1  }
0x8c: {  	s17 =	sshll.u32 s0, $0xA;
	s2 =	sadd.s32 s3, s2  }
0x8d: {  	s2 =	sadd.s32 s2, s17  }
0x8e: {  	[smem:$0x3FC6] =	sst s2  }
0x8f: {  	_ = 	snop  }
0x90: {  	s2 =	sld [smem:$0x3FC9]  }
0x91: {  	s18 =	sld [smem:$0x3FC8];
	(tm) =	ssettm $0x1  }
0x92: {  	s4 =	sld [smem:$0x3FFB];
	_ =	sdelay $0x3  }
0x93: {  	_ =	strace s4  }
0x94: {  	s4 =	sld [smem:$0x3FFC];
	_ =	sdelay $0x3  }
0x95: {  	_ =	strace s4  }
0x96: {  	s4 =	sld [smem:$0x3FFD];
	_ =	sdelay $0x3  }
0x97: {  	_ =	strace s4  }
0x98: {  	_ =	strace $0x8FFFFFFF  }
0x99: {  	s19 =	sld [smem:$0x3FDB];
	_ =	sdelay $0x1  }
0x9a: {  	s5 =	simm.s32 $_scs_section_size  }
0x9b: {  	s6 =	simm.s32 $_size__tile_overlayer_lowered;
	s7 =	simm.s32 $_tile_overlayer_lowered  }
0x9c: {  	s22 =	simm.s32 $0x1BFF;
	s21 =	sshll.u32 s7, $0x1;
	s4 =	sadd.s32 s5, s19  }
0x9d: {  	s8 =	simm.s32 $0x0;
	s20 =	sshll.u32 s6, $0x1;
	s6 =	sadd.s32 s21, s4  }
0x9e: {  	[timem:s8], [sflag:s22] =	dma.local [hbm:s6], s20  }
0x9f: {  	_ =	swait.ge [sflag:s22], s20  }
0xa0: {  	s5 =	ssub.s32 $0x0, s20;
	[sflag:s22] =	ssyncset.done $0x0  }
0xa1: {  	[sflag:s22] =	ssyncadd.s32 s5;
	_ =	sdelay $0x1  }
0xa2: {  	s23 =	simm.s32 $0x1B8B  }
0xa3: {  	_ =	swait.ge [sflag:s23], $0x1  }
0xa4: {  	[sflag:s23] =	ssyncset.done $0x0  }
0xa5: {  	s25 =	simm.s32 $0x1B8E;
	s24 =	sld [smem:$0x3FFE];
	[sflag:s23] =	ssyncadd.s32 $0xFFFFFFFF  }
0xa6: {  	s26 =	simm.s32 $execute0_lowered;
	[smem:$0x3FD2] =	sst s25  }
0xa7: {  	s6 =	sshll.u32 s26, $0x1;
	_ =	strace $0x80000046;
	[dreg:$0x1] =	wrdreg $0xFFFFFFFF  }
0xa8: {  	s28 =	simm.s32 $_size_execute0_lowered;
	s4 =	sadd.s32 s4, s6;
	[dreg:$0x0] =	wrdreg $0x0  }
0xa9: {  	s6 =	sshll.u32 s28, $0x1;
	[dreg:$0x2] =	wrdreg s4  }
0xaa: {  	[dreg:$0x3] =	wrdreg s6  }
0xab: {  	[dreg:$0x4] =	wrdreg $0xC0  }
0xac: {  	_ =	task [dreg:s8], $0x5FFFF  }
0xad: {  	[dreg:$0x1] =	wrdreg $0xFFFFFFFF  }
0xae: {  	[dreg:$0x0] =	wrdreg $0x60  }
0xaf: {  	[dreg:$0x2] =	wrdreg s2  }
0xb0: {  	[dreg:$0x3] =	wrdreg s18  }
0xb1: {  	[dreg:$0x4] =	wrdreg s24  }
0xb2: {  	[dreg:$0x5] =	wrdreg $0x9  }
0xb3: {  	_ =	task.clear_ibuf [dreg:s8], $0x6FFFF;
	_ =	strace $0x90000046  }
0xb4: {  	s29 =	simm.s32 $0x9;
	_ =	strace $0x80000048  }
0xb5: {  	_ =	swait.ge [sflag:s29], $0x1  }
0xb6: {  	[sflag:s29] =	ssyncadd.s32 $0xFFFFFFFF  }
0xb7: {  	_ =	strace $0x90000048  }
0xb8: {  	_ =	sfence  }
0xb9: {  	s30 =	sld [smem:$0x0];
	_ =	sdelay $0x2  }
0xba: {  	s31 =	sshll.u32 s1, $0xD;
	s1 =	sshrl.u32 s1, $0x2  }
0xbb: {  	s3 =	sand.u32 $0x4000, s31;
	s1 =	sadd.s32 s1, s30  }
0xbc: {  	s0 =	sor.u32 s3, s0;
	s1 =	sshll.u32 s1, $0x11  }
0xbd: {  	s0 =	sor.u32 s1, s0  }
0xbe: {  	s0 =	sadd.s32 $0x8F2B, s0  }
0xbf: {  	[sflag:s0] =	ssyncadd.remote.s32 $0x1  }
0xc0: {  	_ =	sfence.sel $0xFFFF  }
0xc1: {  	[dreg:$0x0] =	wrdreg $0xFFFFFFFF;
	(pc) =	sbr.abs _section_cstart, $3  }
0xc2: {  	[dreg:$0x1] =	wrdreg $0xFFFFFFFF  }
0xc3: {  	_ =	task.clear_ibuf [dreg:s8], $0x2FFFF;
	_ =	strace $0x9FFFFFFF  }
0xc4: {  	(tm) =	ssettm $0x7FFFFFFF  }
0xc5: {  	_ =	shalt  }
tec
execute0_lowered:
.L_overlay_start_1:
0x0: {  	(tag) =	ssettag $0x1  }
0x1: {  	s1 =	rddreg [dreg:$0x0]  }
0x2: {  	s2 =	rddreg [dreg:$0x1]  }
0x3: {  	s5 =	rddreg [dreg:$0x2]  }
0x4: {  	s4 =	srdreg.scid;
	s0 =	rddreg [dreg:$0x3];
	s3 =	simm.s32 $0x0  }
0x5: {  	s9 =	simm.s32 $0x1000;
	s10 =	simm.s32 $0x7A1400;
	s11 =	simm.s32 $0x400  }
0x6: {  	s12 =	simm.s32 $0x8400;
	s13 =	simm.s32 $0x0;
	s6 =	sand.u32 $0x1, s4  }
0x7: {  	[smem:$0x7FF] =	sst s3;
	s4 =	stileid.u32;
	s7 =	ssub.s32 $0x2, s6  }
0x8: {  	s5 =	sadd.s32 $0x600, s5;
	_ =	strace $0x80000047;
	s8 =	sshrl.u32 s7, $0x1  }
0x9: {  	s31 =	sshll.u32 s4, $0xE;
	s6 =	sshll.u32 s6, $0xD;
	s7 =	ssub.s32 s7, s8  }
0xa: {  	s6 =	sor.u32 s6, s31;
	s8 =	simm.s32 $0x1;
	s7 =	smax.u32 s7, $0x1  }
.LBB2_1:
0xb: {  	[tilespmem:s3], [sflag:$0x1] =	stream.linear.gather [hbm4b:s1+s3], $0x400, $0x38;
	[tilespmem:$0x9400] =	vst v63  }
0xc: {  	_ =	swait.ge [sflag:s8], $0x400  }
0xd: {  	[sflag:s8] =	ssyncset.done $0x0  }
0xe: {  	s14 =	simm.s32 $0x0;
	[sflag:s8] =	ssyncadd.s32 $0xFFFFFC00  }
.LBB2_2:
0xf: {  	s15 =	sshll.u32 s14, $0x9  }
0x10: {  	s15 =	sadd.s32 s6, s15  }
0x11: {  	s16 =	sadd.s32 s2, s15  }
0x12: {  	[tilespmem:s11], [sflag:$0x1] =	stream.strided.gather [hbm4b:s16+s9], $0x8000, s10, s9, $0x38;
	[tilespmem:$0x9400] =	vst v63  }
0x13: {  	_ =	swait.ge [sflag:s8], $0x8000  }
0x14: {  	p0 =	por $0x0, $0x0;
	[sflag:s8] =	ssyncset.done $0x0  }
0x15: {  	s17 =	simm.s32 $0x0;
	s16 =	simm.s32 $0x0;
	[sflag:s8] =	ssyncadd.s32 $0xFFFF8000  }
.LBB2_3:
0x16: {  	v8 =	vimm.f32 $0.0e+00;
	v9 =	vimm.f32 $0.0e+00  }
0x17: {  	v10 =	vimm.f32 $0.0e+00;
	v11 =	vimm.f32 $0.0e+00;
	v12 =	vimm.f32 $0.0e+00  }
0x18: {  	v13 =	vimm.f32 $0.0e+00;
	v14 =	vimm.f32 $0.0e+00;
	v15 =	vimm.f32 $0.0e+00  }
0x19: {  	v16 =	vimm.f32 $0.0e+00;
	v17 =	vimm.f32 $0.0e+00;
	v18 =	vimm.f32 $0.0e+00  }
0x1a: {  	s18 =	simm.s32 $0x1;
	v19 =	vimm.f32 $0.0e+00;
	v20 =	vimm.f32 $0.0e+00;
	v21 =	vimm.f32 $0.0e+00  }
0x1b: {  	s19 =	sshll.u32 s16, $0x2;
	v22 =	vimm.f32 $0.0e+00;
	v23 =	vimm.f32 $0.0e+00;
	v24 =	vimm.f32 $0.0e+00;
	s18 =	simm.s32 @!p0 $0x0  }
0x1c: {  	v25 =	vimm.f32 $0.0e+00;
	v26 =	vimm.f32 $0.0e+00;
	v27 =	vimm.f32 $0.0e+00;
	s19 =	sand.u32 $0xFFFFF000, s19;
	s18 =	sshll.u32 s18, $0x8  }
0x1d: {  	v28 =	vimm.f32 $0.0e+00;
	v29 =	vimm.f32 $0.0e+00;
	v30 =	vimm.f32 $0.0e+00;
	s26 =	simm.s32 $0x0;
	s19 =	sor.u32 s18, s19  }
0x1e: {  	v31 =	vimm.f32 $0.0e+00;
	v32 =	vimm.f32 $0.0e+00;
	v33 =	vimm.f32 $0.0e+00;
	s18 =	sshll.u32 s17, $0x6;
	s21 =	sshrl.u32 s19, $0x2;
	s19 =	sshll.u32 s17, $0x9  }
0x1f: {  	v34 =	vimm.f32 $0.0e+00;
	v35 =	vimm.f32 $0.0e+00;
	v36 =	vimm.f32 $0.0e+00;
	s20 =	sand.u32 $0x40, s18;
	s25 =	sadd.s32 $0x1400, s21;
	s24 =	sand.u32 $0xC00, s19  }
0x20: {  	v37 =	vimm.f32 $0.0e+00;
	v38 =	vimm.f32 $0.0e+00;
	v39 =	vimm.f32 $0.0e+00;
	s22 =	sor.u32 $0x10, s20;
	s23 =	sor.u32 $0x20, s20;
	s21 =	sor.u32 $0x30, s20  }
.LBB2_4:
0x21: {  	v40 =	vld [tilespmem:s25+$0xFFFFF000]  }
0x22: {  	v41 =	vld [tilespmem:s25+$0xFFFFF010]  }
0x23: {  	s28 =	sshra.s32 s26, $0x2;
	v42 =	vld [tilespmem:s25+$0xFFFFF020]  }
0x24: {  	v7 =	vld [tilespmem:s28+$0x0]  }
0x25: {  	v6 =	vld [tilespmem:s28+$0x80]  }
0x26: {  	v43 =	vld [tilespmem:s25+$0xFFFFF030]  }
0x27: {  	v4 =	vld [tilespmem:s28+$0x100]  }
0x28: {  	v0 =	vld [tilespmem:s28+$0x180]  }
0x29: {  	v1 =	vbroadcast v7, $0x0  }
0x2a: {  	v44 =	vbroadcast v6, $0x0  }
0x2b: {  	v2 =	vmul.f32 v40, v1;
	v3 =	vmul.f32 v41, v1  }
0x2c: {  	v5 =	vmul.f32 v42, v1;
	v1 =	vmul.f32 v43, v1  }
0x2d: {  	v45 =	vbroadcast v4, $0x0;
	v46 =	vbroadcast v0, $0x0  }
0x2e: {  	v57 =	vmul.f32 v40, v44;
	v58 =	vmul.f32 v41, v44;
	v36 =	vadd.f32 v1, v36;
	v1 =	vld [tilespmem:s28+$0x200]  }
0x2f: {  	v59 =	vmul.f32 v42, v44;
	v60 =	vmul.f32 v43, v44;
	v39 =	vadd.f32 v2, v39;
	v2 =	vld [tilespmem:s28+$0x280]  }
0x30: {  	v61 =	vmul.f32 v40, v45;
	v62 =	vmul.f32 v41, v45;
	v38 =	vadd.f32 v3, v38;
	v3 =	vld [tilespmem:s28+$0x300]  }
0x31: {  	v63 =	vmul.f32 v42, v45;
	v48 =	vmul.f32 v43, v45;
	v37 =	vadd.f32 v5, v37;
	v5 =	vld [tilespmem:s28+$0x380]  }
0x32: {  	v49 =	vmul.f32 v40, v46;
	v50 =	vmul.f32 v41, v46;
	v35 =	vadd.f32 v57, v35  }
0x33: {  	v51 =	vmul.f32 v42, v46;
	v34 =	vadd.f32 v58, v34;
	v33 =	vadd.f32 v59, v33  }
0x34: {  	v52 =	vmul.f32 v43, v46;
	v32 =	vadd.f32 v60, v32;
	v31 =	vadd.f32 v61, v31  }
0x35: {  	v28 =	vadd.f32 v48, v28;
	v47 =	vbroadcast v1, $0x0;
	v48 =	vbroadcast v2, $0x0  }
0x36: {  	v27 =	vadd.f32 v49, v27;
	v60 =	vbroadcast v3, $0x0;
	v49 =	vbroadcast v5, $0x0  }
0x37: {  	v30 =	vadd.f32 v62, v30;
	v53 =	vmul.f32 v40, v47;
	v54 =	vmul.f32 v41, v47  }
0x38: {  	v29 =	vadd.f32 v63, v29;
	v55 =	vmul.f32 v42, v47;
	v56 =	vmul.f32 v43, v47  }
0x39: {  	v26 =	vadd.f32 v50, v26;
	v57 =	vmul.f32 v40, v48;
	v58 =	vmul.f32 v41, v48  }
0x3a: {  	v25 =	vadd.f32 v51, v25;
	v59 =	vmul.f32 v42, v48;
	v61 =	vmul.f32 v43, v48  }
0x3b: {  	v24 =	vadd.f32 v52, v24;
	v62 =	vmul.f32 v40, v60;
	v63 =	vmul.f32 v41, v60  }
0x3c: {  	v52 =	vmul.f32 v42, v60;
	v23 =	vadd.f32 v53, v23;
	v22 =	vadd.f32 v54, v22  }
0x3d: {  	v46 =	vld [tilespmem:s25+$0xFFFFF0A0];
	v40 =	vmul.f32 v40, v49;
	v21 =	vadd.f32 v55, v21;
	v20 =	vadd.f32 v56, v20  }
0x3e: {  	v50 =	vld [tilespmem:s25+$0xFFFFF090];
	v41 =	vmul.f32 v41, v49;
	v19 =	vadd.f32 v57, v19;
	v18 =	vadd.f32 v58, v18  }
0x3f: {  	v45 =	vld [tilespmem:s25+$0xFFFFF0B0];
	v42 =	vmul.f32 v42, v49;
	v17 =	vadd.f32 v59, v17;
	v16 =	vadd.f32 v61, v16  }
0x40: {  	v15 =	vadd.f32 v62, v15;
	v14 =	vadd.f32 v63, v14;
	v53 =	vmul.f32 v43, v60  }
0x41: {  	v13 =	vadd.f32 v52, v13;
	v54 =	vbroadcast v7, $0x1;
	v55 =	vmul.f32 v43, v49  }
0x42: {  	v48 =	vld [tilespmem:s25+$0xFFFFF080];
	v11 =	vadd.f32 v40, v11;
	v59 =	vbroadcast v6, $0x1;
	v49 =	vbroadcast v4, $0x1  }
0x43: {  	v10 =	vadd.f32 v41, v10;
	v57 =	vmul.f32 v50, v54;
	v58 =	vmul.f32 v46, v54  }
0x44: {  	v9 =	vadd.f32 v42, v9;
	v60 =	vmul.f32 v45, v54;
	v62 =	vmul.f32 v50, v59  }
0x45: {  	v12 =	vadd.f32 v53, v12;
	v63 =	vmul.f32 v46, v59;
	v51 =	vmul.f32 v45, v59  }
0x46: {  	v8 =	vadd.f32 v55, v8;
	v53 =	vmul.f32 v50, v49;
	v55 =	vbroadcast v0, $0x1  }
0x47: {  	v56 =	vmul.f32 v48, v54;
	v61 =	vmul.f32 v48, v59;
	v38 =	vadd.f32 v57, v38  }
0x48: {  	v52 =	vmul.f32 v48, v49;
	v37 =	vadd.f32 v58, v37;
	v36 =	vadd.f32 v60, v36  }
0x49: {  	v54 =	vmul.f32 v46, v49;
	v34 =	vadd.f32 v62, v34;
	v33 =	vadd.f32 v63, v33  }
0x4a: {  	v32 =	vadd.f32 v51, v32;
	v57 =	vmul.f32 v48, v55;
	v58 =	vmul.f32 v50, v55  }
0x4b: {  	v30 =	vadd.f32 v53, v30;
	v59 =	vmul.f32 v46, v55;
	v60 =	vbroadcast v1, $0x1  }
0x4c: {  	v39 =	vadd.f32 v56, v39;
	v35 =	vadd.f32 v61, v35;
	v56 =	vmul.f32 v45, v49  }
0x4d: {  	v31 =	vadd.f32 v52, v31;
	v61 =	vmul.f32 v45, v55;
	v49 =	vbroadcast v2, $0x1  }
0x4e: {  	v29 =	vadd.f32 v54, v29;
	v55 =	vbroadcast v3, $0x1;
	v62 =	vmul.f32 v48, v60  }
0x4f: {  	v27 =	vadd.f32 v57, v27;
	v63 =	vmul.f32 v50, v60;
	v47 =	vmul.f32 v46, v60  }
0x50: {  	v26 =	vadd.f32 v58, v26;
	v51 =	vmul.f32 v45, v60;
	v60 =	vbroadcast v5, $0x1  }
0x51: {  	v25 =	vadd.f32 v59, v25;
	v52 =	vmul.f32 v48, v49;
	v53 =	vmul.f32 v50, v49  }
0x52: {  	v28 =	vadd.f32 v56, v28;
	v54 =	vmul.f32 v46, v49;
	v56 =	vmul.f32 v45, v49  }
0x53: {  	v24 =	vadd.f32 v61, v24;
	v57 =	vmul.f32 v48, v55;
	v58 =	vmul.f32 v50, v55  }
0x54: {  	v59 =	vmul.f32 v46, v55;
	v23 =	vadd.f32 v62, v23;
	v22 =	vadd.f32 v63, v22  }
0x55: {  	v61 =	vmul.f32 v45, v55;
	v21 =	vadd.f32 v47, v21;
	v20 =	vadd.f32 v51, v20  }
0x56: {  	v43 =	vld [tilespmem:s25+$0xFFFFF100];
	v62 =	vmul.f32 v48, v60;
	v63 =	vmul.f32 v50, v60;
	v19 =	vadd.f32 v52, v19  }
0x57: {  	v42 =	vld [tilespmem:s25+$0xFFFFF120];
	v50 =	vmul.f32 v46, v60;
	v18 =	vadd.f32 v53, v18;
	v17 =	vadd.f32 v54, v17  }
0x58: {  	v51 =	vbroadcast v7, $0x2;
	v16 =	vadd.f32 v56, v16;
	v15 =	vadd.f32 v57, v15  }
0x59: {  	v49 =	vld [tilespmem:s25+$0xFFFFF110];
	v14 =	vadd.f32 v58, v14;
	v13 =	vadd.f32 v59, v13;
	v52 =	vmul.f32 v45, v60  }
0x5a: {  	v12 =	vadd.f32 v61, v12;
	v56 =	vbroadcast v6, $0x2;
	v61 =	vbroadcast v4, $0x2  }
0x5b: {  	v48 =	vld [tilespmem:s25+$0xFFFFF130];
	v11 =	vadd.f32 v62, v11;
	v10 =	vadd.f32 v63, v10;
	v53 =	vmul.f32 v43, v51  }
0x5c: {  	v9 =	vadd.f32 v50, v9;
	v55 =	vmul.f32 v42, v51;
	v58 =	vmul.f32 v43, v56  }
0x5d: {  	v8 =	vadd.f32 v52, v8;
	v60 =	vmul.f32 v42, v56;
	v63 =	vmul.f32 v43, v61  }
0x5e: {  	v52 =	vbroadcast v0, $0x2;
	v54 =	vmul.f32 v49, v51;
	v39 =	vadd.f32 v53, v39  }
0x5f: {  	v37 =	vadd.f32 v55, v37;
	v59 =	vmul.f32 v49, v56;
	v50 =	vmul.f32 v49, v61  }
0x60: {  	v57 =	vmul.f32 v48, v51;
	v35 =	vadd.f32 v58, v35;
	v62 =	vmul.f32 v48, v56  }
0x61: {  	v33 =	vadd.f32 v60, v33;
	v51 =	vmul.f32 v42, v61;
	v53 =	vmul.f32 v48, v61  }
0x62: {  	v31 =	vadd.f32 v63, v31;
	v55 =	vmul.f32 v49, v52;
	v56 =	vmul.f32 v42, v52  }
0x63: {  	v58 =	vmul.f32 v48, v52;
	v38 =	vadd.f32 v54, v38;
	v34 =	vadd.f32 v59, v34  }
0x64: {  	v30 =	vadd.f32 v50, v30;
	v54 =	vmul.f32 v43, v52;
	v36 =	vadd.f32 v57, v36  }
0x65: {  	v32 =	vadd.f32 v62, v32;
	v29 =	vadd.f32 v51, v29;
	v57 =	vbroadcast v1, $0x2  }
0x66: {  	v28 =	vadd.f32 v53, v28;
	v62 =	vbroadcast v2, $0x2;
	v53 =	vbroadcast v3, $0x2  }
0x67: {  	v24 =	vadd.f32 v58, v24;
	v58 =	vbroadcast v5, $0x2;
	v59 =	vmul.f32 v43, v57  }
0x68: {  	v26 =	vadd.f32 v55, v26;
	v60 =	vmul.f32 v49, v57;
	v61 =	vmul.f32 v42, v57  }
0x69: {  	v25 =	vadd.f32 v56, v25;
	v63 =	vmul.f32 v48, v57;
	v50 =	vmul.f32 v43, v62  }
0x6a: {  	v27 =	vadd.f32 v54, v27;
	v51 =	vmul.f32 v49, v62;
	v52 =	vmul.f32 v42, v62  }
0x6b: {  	v54 =	vmul.f32 v48, v62;
	v55 =	vmul.f32 v43, v53;
	v23 =	vadd.f32 v59, v23  }
0x6c: {  	v56 =	vmul.f32 v49, v53;
	v22 =	vadd.f32 v60, v22;
	v21 =	vadd.f32 v61, v21  }
0x6d: {  	v44 =	vld [tilespmem:s25+$0xFFFFF1A0];
	v57 =	vmul.f32 v42, v53;
	v20 =	vadd.f32 v63, v20;
	v19 =	vadd.f32 v50, v19  }
0x6e: {  	v45 =	vld [tilespmem:s25+$0xFFFFF180];
	v62 =	vmul.f32 v42, v58;
	v18 =	vadd.f32 v51, v18;
	v17 =	vadd.f32 v52, v17  }
0x6f: {  	v46 =	vld [tilespmem:s25+$0xFFFFF1B0];
	v16 =	vadd.f32 v54, v16;
	v15 =	vadd.f32 v55, v15;
	v59 =	vmul.f32 v48, v53  }
0x70: {  	v14 =	vadd.f32 v56, v14;
	v60 =	vmul.f32 v43, v58;
	v61 =	vmul.f32 v49, v58  }
0x71: {  	v13 =	vadd.f32 v57, v13;
	v63 =	vbroadcast v7, $0x3;
	v48 =	vmul.f32 v48, v58  }
0x72: {  	v9 =	vadd.f32 v62, v9;
	v53 =	vbroadcast v6, $0x3;
	v58 =	vbroadcast v4, $0x3  }
0x73: {  	v12 =	vadd.f32 v59, v12;
	v11 =	vadd.f32 v60, v11;
	v49 =	vmul.f32 v45, v63  }
0x74: {  	v50 =	vld [tilespmem:s25+$0xFFFFF190];
	v10 =	vadd.f32 v61, v10;
	v52 =	vmul.f32 v44, v63;
	v54 =	vmul.f32 v46, v63  }
0x75: {  	v8 =	vadd.f32 v48, v8;
	v55 =	vmul.f32 v45, v53;
	v57 =	vmul.f32 v44, v53  }
0x76: {  	v59 =	vmul.f32 v46, v53;
	v60 =	vmul.f32 v45, v58;
	v39 =	vadd.f32 v49, v39  }
0x77: {  	v62 =	vmul.f32 v44, v58;
	v37 =	vadd.f32 v52, v37;
	v36 =	vadd.f32 v54, v36  }
0x78: {  	v48 =	vmul.f32 v46, v58;
	v35 =	vadd.f32 v55, v35;
	v33 =	vadd.f32 v57, v33  }
0x79: {  	v32 =	vadd.f32 v59, v32;
	v51 =	vmul.f32 v50, v63;
	v56 =	vmul.f32 v50, v53  }
0x7a: {  	v31 =	vadd.f32 v60, v31;
	v61 =	vmul.f32 v50, v58;
	v63 =	vbroadcast v0, $0x3  }
0x7b: {  	v29 =	vadd.f32 v62, v29;
	v53 =	vbroadcast v1, $0x3;
	v58 =	vbroadcast v2, $0x3  }
0x7c: {  	v38 =	vadd.f32 v51, v38;
	v49 =	vmul.f32 v45, v63;
	v51 =	vmul.f32 v50, v63  }
0x7d: {  	v28 =	vadd.f32 v48, v28;
	v52 =	vmul.f32 v44, v63;
	v54 =	vmul.f32 v46, v63  }
0x7e: {  	v34 =	vadd.f32 v56, v34;
	v55 =	vmul.f32 v45, v53;
	v56 =	vmul.f32 v50, v53  }
0x7f: {  	v30 =	vadd.f32 v61, v30;
	v57 =	vmul.f32 v44, v53;
	v59 =	vmul.f32 v46, v53  }
0x80: {  	v60 =	vmul.f32 v45, v58;
	v27 =	vadd.f32 v49, v27;
	v26 =	vadd.f32 v51, v26  }
0x81: {  	v61 =	vmul.f32 v50, v58;
	v25 =	vadd.f32 v52, v25;
	v24 =	vadd.f32 v54, v24  }
0x82: {  	v63 =	vbroadcast v3, $0x3;
	v23 =	vadd.f32 v55, v23;
	v22 =	vadd.f32 v56, v22  }
0x83: {  	v62 =	vmul.f32 v44, v58;
	v21 =	vadd.f32 v57, v21;
	v20 =	vadd.f32 v59, v20  }
0x84: {  	v47 =	vld [tilespmem:s25+$0xFFFFF200];
	v19 =	vadd.f32 v60, v19;
	v51 =	vmul.f32 v46, v58;
	v52 =	vmul.f32 v45, v63  }
0x85: {  	v42 =	vld [tilespmem:s25+$0xFFFFF220];
	v18 =	vadd.f32 v61, v18;
	v53 =	vmul.f32 v50, v63;
	v54 =	vmul.f32 v44, v63  }
0x86: {  	v17 =	vadd.f32 v62, v17;
	v55 =	vbroadcast v5, $0x3;
	v56 =	vmul.f32 v46, v63  }
0x87: {  	v60 =	vbroadcast v7, $0x4;
	v16 =	vadd.f32 v51, v16;
	v15 =	vadd.f32 v52, v15  }
0x88: {  	v14 =	vadd.f32 v53, v14;
	v57 =	vmul.f32 v45, v55;
	v58 =	vmul.f32 v50, v55  }
0x89: {  	v13 =	vadd.f32 v54, v13;
	v59 =	vmul.f32 v44, v55;
	v61 =	vmul.f32 v46, v55  }
0x8a: {  	v49 =	vld [tilespmem:s25+$0xFFFFF210];
	v12 =	vadd.f32 v56, v12;
	v62 =	vmul.f32 v47, v60;
	v48 =	vmul.f32 v42, v60  }
0x8b: {  	v50 =	vbroadcast v6, $0x4;
	v11 =	vadd.f32 v57, v11;
	v10 =	vadd.f32 v58, v10  }
0x8c: {  	v45 =	vld [tilespmem:s25+$0xFFFFF230];
	v55 =	vbroadcast v4, $0x4;
	v9 =	vadd.f32 v59, v9;
	v8 =	vadd.f32 v61, v8  }
0x8d: {  	v39 =	vadd.f32 v62, v39;
	v52 =	vmul.f32 v47, v50;
	v54 =	vmul.f32 v42, v50  }
0x8e: {  	v37 =	vadd.f32 v48, v37;
	v57 =	vmul.f32 v47, v55;
	v59 =	vmul.f32 v42, v55  }
0x8f: {  	v63 =	vmul.f32 v49, v60;
	v53 =	vmul.f32 v49, v50;
	v35 =	vadd.f32 v52, v35  }
0x90: {  	v58 =	vmul.f32 v49, v55;
	v33 =	vadd.f32 v54, v33;
	v31 =	vadd.f32 v57, v31  }
0x91: {  	v29 =	vadd.f32 v59, v29;
	v51 =	vmul.f32 v45, v60;
	v56 =	vmul.f32 v45, v50  }
0x92: {  	v38 =	vadd.f32 v63, v38;
	v60 =	vbroadcast v0, $0x4;
	v61 =	vmul.f32 v45, v55  }
0x93: {  	v34 =	vadd.f32 v53, v34;
	v50 =	vbroadcast v1, $0x4;
	v55 =	vbroadcast v2, $0x4  }
0x94: {  	v30 =	vadd.f32 v58, v30;
	v62 =	vmul.f32 v47, v60;
	v63 =	vmul.f32 v49, v60  }
0x95: {  	v36 =	vadd.f32 v51, v36;
	v48 =	vmul.f32 v42, v60;
	v51 =	vmul.f32 v45, v60  }
0x96: {  	v32 =	vadd.f32 v56, v32;
	v52 =	vmul.f32 v47, v50;
	v53 =	vmul.f32 v49, v50  }
0x97: {  	v28 =	vadd.f32 v61, v28;
	v54 =	vmul.f32 v42, v50;
	v56 =	vmul.f32 v45, v50  }
0x98: {  	v57 =	vmul.f32 v47, v55;
	v27 =	vadd.f32 v62, v27;
	v26 =	vadd.f32 v63, v26  }
0x99: {  	v58 =	vmul.f32 v49, v55;
	v25 =	vadd.f32 v48, v25;
	v24 =	vadd.f32 v51, v24  }
0x9a: {  	v59 =	vmul.f32 v42, v55;
	v23 =	vadd.f32 v52, v23;
	v22 =	vadd.f32 v53, v22  }
0x9b: {  	v60 =	vbroadcast v3, $0x4;
	v21 =	vadd.f32 v54, v21;
	v20 =	vadd.f32 v56, v20  }
0x9c: {  	v43 =	vld [tilespmem:s25+$0xFFFFF2A0];
	v61 =	vmul.f32 v45, v55;
	v19 =	vadd.f32 v57, v19;
	v18 =	vadd.f32 v58, v18  }
0x9d: {  	v46 =	vld [tilespmem:s25+$0xFFFFF280];
	v17 =	vadd.f32 v59, v17;
	v62 =	vmul.f32 v47, v60;
	v63 =	vmul.f32 v49, v60  }
0x9e: {  	v16 =	vadd.f32 v61, v16;
	v52 =	vmul.f32 v42, v60;
	v53 =	vbroadcast v5, $0x4  }
0x9f: {  	v50 =	vld [tilespmem:s25+$0xFFFFF290];
	v54 =	vmul.f32 v45, v60;
	v58 =	vbroadcast v7, $0x5;
	v15 =	vadd.f32 v62, v15  }
0xa0: {  	v14 =	vadd.f32 v63, v14;
	v55 =	vmul.f32 v47, v53;
	v56 =	vmul.f32 v49, v53  }
0xa1: {  	v13 =	vadd.f32 v52, v13;
	v57 =	vmul.f32 v42, v53;
	v59 =	vmul.f32 v45, v53  }
0xa2: {  	v12 =	vadd.f32 v54, v12;
	v60 =	vmul.f32 v46, v58;
	v62 =	vmul.f32 v43, v58  }
0xa3: {  	v63 =	vbroadcast v6, $0x5;
	v53 =	vbroadcast v4, $0x5;
	v11 =	vadd.f32 v55, v11  }
0xa4: {  	v47 =	vld [tilespmem:s25+$0xFFFFF2B0];
	v61 =	vmul.f32 v50, v58;
	v10 =	vadd.f32 v56, v10;
	v9 =	vadd.f32 v57, v9  }
0xa5: {  	v8 =	vadd.f32 v59, v8;
	v39 =	vadd.f32 v60, v39;
	v49 =	vmul.f32 v46, v63  }
0xa6: {  	v37 =	vadd.f32 v62, v37;
	v51 =	vmul.f32 v50, v63;
	v52 =	vmul.f32 v43, v63  }
0xa7: {  	v55 =	vmul.f32 v46, v53;
	v56 =	vmul.f32 v50, v53;
	v38 =	vadd.f32 v61, v38  }
0xa8: {  	v57 =	vmul.f32 v43, v53;
	v35 =	vadd.f32 v49, v35;
	v34 =	vadd.f32 v51, v34  }
0xa9: {  	v33 =	vadd.f32 v52, v33;
	v48 =	vmul.f32 v47, v58;
	v54 =	vmul.f32 v47, v63  }
0xaa: {  	v31 =	vadd.f32 v55, v31;
	v58 =	vbroadcast v0, $0x5;
	v59 =	vmul.f32 v47, v53  }
0xab: {  	v30 =	vadd.f32 v56, v30;
	v63 =	vbroadcast v1, $0x5;
	v53 =	vbroadcast v2, $0x5  }
0xac: {  	v29 =	vadd.f32 v57, v29;
	v60 =	vmul.f32 v46, v58;
	v61 =	vmul.f32 v50, v58  }
0xad: {  	v36 =	vadd.f32 v48, v36;
	v62 =	vmul.f32 v43, v58;
	v48 =	vmul.f32 v47, v58  }
0xae: {  	v32 =	vadd.f32 v54, v32;
	v49 =	vmul.f32 v46, v63;
	v51 =	vmul.f32 v50, v63  }
0xaf: {  	v28 =	vadd.f32 v59, v28;
	v52 =	vmul.f32 v43, v63;
	v54 =	vmul.f32 v47, v63  }
0xb0: {  	v55 =	vmul.f32 v46, v53;
	v56 =	vmul.f32 v50, v53;
	v27 =	vadd.f32 v60, v27  }
0xb1: {  	v57 =	vmul.f32 v43, v53;
	v26 =	vadd.f32 v61, v26;
	v25 =	vadd.f32 v62, v25  }
0xb2: {  	v58 =	vbroadcast v3, $0x5;
	v24 =	vadd.f32 v48, v24;
	v23 =	vadd.f32 v49, v23  }
0xb3: {  	v59 =	vmul.f32 v47, v53;
	v22 =	vadd.f32 v51, v22;
	v21 =	vadd.f32 v52, v21  }
0xb4: {  	v63 =	vbroadcast v5, $0x5;
	v20 =	vadd.f32 v54, v20;
	v19 =	vadd.f32 v55, v19  }
0xb5: {  	v18 =	vadd.f32 v56, v18;
	v60 =	vmul.f32 v46, v58;
	v61 =	vmul.f32 v50, v58  }
0xb6: {  	v45 =	vld [tilespmem:s25+$0xFFFFF300];
	v17 =	vadd.f32 v57, v17;
	v62 =	vmul.f32 v43, v58;
	v52 =	vmul.f32 v47, v58  }
0xb7: {  	v42 =	vld [tilespmem:s25+$0xFFFFF320];
	v16 =	vadd.f32 v59, v16;
	v53 =	vmul.f32 v46, v63;
	v54 =	vmul.f32 v50, v63  }
0xb8: {  	v55 =	vmul.f32 v43, v63;
	v56 =	vbroadcast v7, $0x6;
	v15 =	vadd.f32 v60, v15  }
0xb9: {  	v49 =	vld [tilespmem:s25+$0xFFFFF310];
	v57 =	vmul.f32 v47, v63;
	v14 =	vadd.f32 v61, v14;
	v13 =	vadd.f32 v62, v13  }
0xba: {  	v46 =	vld [tilespmem:s25+$0xFFFFF330];
	v51 =	vbroadcast v4, $0x6;
	v12 =	vadd.f32 v52, v12;
	v11 =	vadd.f32 v53, v11  }
0xbb: {  	v10 =	vadd.f32 v54, v10;
	v58 =	vmul.f32 v45, v56;
	v61 =	vbroadcast v6, $0x6  }
0xbc: {  	v9 =	vadd.f32 v55, v9;
	v60 =	vmul.f32 v42, v56;
	v53 =	vmul.f32 v45, v51  }
0xbd: {  	v8 =	vadd.f32 v57, v8;
	v55 =	vmul.f32 v42, v51;
	v63 =	vmul.f32 v45, v61  }
0xbe: {  	v39 =	vadd.f32 v58, v39;
	v50 =	vmul.f32 v42, v61;
	v59 =	vmul.f32 v49, v56  }
0xbf: {  	v37 =	vadd.f32 v60, v37;
	v62 =	vmul.f32 v46, v56;
	v48 =	vmul.f32 v49, v61  }
0xc0: {  	v31 =	vadd.f32 v53, v31;
	v52 =	vmul.f32 v46, v61;
	v54 =	vmul.f32 v49, v51  }
0xc1: {  	v29 =	vadd.f32 v55, v29;
	v56 =	vbroadcast v0, $0x6;
	v57 =	vmul.f32 v46, v51  }
0xc2: {  	v61 =	vbroadcast v1, $0x6;
	v35 =	vadd.f32 v63, v35;
	v33 =	vadd.f32 v50, v33  }
0xc3: {  	v51 =	vbroadcast v2, $0x6;
	v38 =	vadd.f32 v59, v38;
	v36 =	vadd.f32 v62, v36  }
0xc4: {  	v34 =	vadd.f32 v48, v34;
	v58 =	vmul.f32 v45, v56;
	v59 =	vmul.f32 v49, v56  }
0xc5: {  	v32 =	vadd.f32 v52, v32;
	v60 =	vmul.f32 v42, v56;
	v62 =	vmul.f32 v46, v56  }
0xc6: {  	v30 =	vadd.f32 v54, v30;
	v63 =	vmul.f32 v45, v61;
	v48 =	vmul.f32 v49, v61  }
0xc7: {  	v28 =	vadd.f32 v57, v28;
	v50 =	vmul.f32 v42, v61;
	v52 =	vmul.f32 v46, v61  }
0xc8: {  	v53 =	vmul.f32 v45, v51;
	v54 =	vmul.f32 v49, v51;
	v27 =	vadd.f32 v58, v27  }
0xc9: {  	v55 =	vmul.f32 v42, v51;
	v26 =	vadd.f32 v59, v26;
	v25 =	vadd.f32 v60, v25  }
0xca: {  	v56 =	vbroadcast v3, $0x6;
	v24 =	vadd.f32 v62, v24;
	v23 =	vadd.f32 v63, v23  }
0xcb: {  	v57 =	vmul.f32 v46, v51;
	v22 =	vadd.f32 v48, v22;
	v21 =	vadd.f32 v50, v21  }
0xcc: {  	v61 =	vbroadcast v5, $0x6;
	v20 =	vadd.f32 v52, v20;
	v19 =	vadd.f32 v53, v19  }
0xcd: {  	v47 =	vld [tilespmem:s25+$0xFFFFF380];
	v18 =	vadd.f32 v54, v18;
	v58 =	vmul.f32 v45, v56;
	v59 =	vmul.f32 v49, v56  }
0xce: {  	v43 =	vld [tilespmem:s25+$0xFFFFF3A0];
	v17 =	vadd.f32 v55, v17;
	v60 =	vmul.f32 v42, v56;
	v62 =	vmul.f32 v46, v56  }
0xcf: {  	v16 =	vadd.f32 v57, v16;
	v63 =	vmul.f32 v45, v61;
	v51 =	vmul.f32 v49, v61  }
0xd0: {  	v50 =	vld [tilespmem:s25+$0xFFFFF390];
	v52 =	vmul.f32 v42, v61;
	v53 =	vbroadcast v7, $0x7;
	v15 =	vadd.f32 v58, v15  }
0xd1: {  	v45 =	vld [tilespmem:s25+$0xFFFFF3B0];
	v54 =	vmul.f32 v46, v61;
	v14 =	vadd.f32 v59, v14;
	v13 =	vadd.f32 v60, v13  }
0xd2: {  	v12 =	vadd.f32 v62, v12;
	v55 =	vmul.f32 v47, v53;
	v58 =	vbroadcast v6, $0x7  }
0xd3: {  	v11 =	vadd.f32 v63, v11;
	v57 =	vmul.f32 v43, v53;
	v63 =	vbroadcast v4, $0x7  }
0xd4: {  	v10 =	vadd.f32 v51, v10;
	v60 =	vmul.f32 v47, v58;
	v62 =	vmul.f32 v43, v58  }
0xd5: {  	v9 =	vadd.f32 v52, v9;
	v49 =	vmul.f32 v47, v63;
	v52 =	vmul.f32 v43, v63  }
0xd6: {  	v8 =	vadd.f32 v54, v8;
	v56 =	vmul.f32 v50, v53;
	v59 =	vmul.f32 v45, v53  }
0xd7: {  	v39 =	vadd.f32 v55, v39;
	v61 =	vmul.f32 v50, v58;
	v48 =	vmul.f32 v45, v58  }
0xd8: {  	v37 =	vadd.f32 v57, v37;
	v51 =	vmul.f32 v50, v63;
	v53 =	vbroadcast v0, $0x7  }
0xd9: {  	v54 =	vmul.f32 v45, v63;
	v58 =	vbroadcast v1, $0x7;
	v35 =	vadd.f32 v60, v35  }
0xda: {  	v63 =	vbroadcast v2, $0x7;
	v33 =	vadd.f32 v62, v33;
	v31 =	vadd.f32 v49, v31  }
0xdb: {  	v29 =	vadd.f32 v52, v29;
	v38 =	vadd.f32 v56, v38;
	v55 =	vmul.f32 v47, v53  }
0xdc: {  	v36 =	vadd.f32 v59, v36;
	v56 =	vmul.f32 v50, v53;
	v57 =	vmul.f32 v43, v53  }
0xdd: {  	v34 =	vadd.f32 v61, v34;
	v59 =	vmul.f32 v45, v53;
	v60 =	vmul.f32 v47, v58  }
0xde: {  	v32 =	vadd.f32 v48, v32;
	v61 =	vmul.f32 v50, v58;
	v62 =	vmul.f32 v43, v58  }
0xdf: {  	v30 =	vadd.f32 v51, v30;
	v48 =	vmul.f32 v45, v58;
	v49 =	vmul.f32 v47, v63  }
0xe0: {  	v28 =	vadd.f32 v54, v28;
	v51 =	vmul.f32 v50, v63;
	v52 =	vmul.f32 v43, v63  }
0xe1: {  	v53 =	vbroadcast v3, $0x7;
	v27 =	vadd.f32 v55, v27;
	v26 =	vadd.f32 v56, v26  }
0xe2: {  	v54 =	vmul.f32 v45, v63;
	v25 =	vadd.f32 v57, v25;
	v24 =	vadd.f32 v59, v24  }
0xe3: {  	v58 =	vbroadcast v5, $0x7;
	v23 =	vadd.f32 v60, v23;
	v22 =	vadd.f32 v61, v22  }
0xe4: {  	v46 =	vld [tilespmem:s25+$0x0];
	v63 =	vbroadcast v7, $0x8;
	v21 =	vadd.f32 v62, v21;
	v20 =	vadd.f32 v48, v20  }
0xe5: {  	v42 =	vld [tilespmem:s25+$0x20];
	v19 =	vadd.f32 v49, v19;
	v55 =	vmul.f32 v47, v53;
	v56 =	vmul.f32 v50, v53  }
0xe6: {  	v18 =	vadd.f32 v51, v18;
	v57 =	vmul.f32 v43, v53;
	v59 =	vmul.f32 v45, v53  }
0xe7: {  	v17 =	vadd.f32 v52, v17;
	v60 =	vmul.f32 v47, v58;
	v61 =	vmul.f32 v50, v58  }
0xe8: {  	v16 =	vadd.f32 v54, v16;
	v62 =	vmul.f32 v43, v58;
	v48 =	vmul.f32 v45, v58  }
0xe9: {  	v49 =	vld [tilespmem:s25+$0x10];
	v50 =	vmul.f32 v46, v63;
	v15 =	vadd.f32 v55, v15;
	v14 =	vadd.f32 v56, v14  }
0xea: {  	v47 =	vld [tilespmem:s25+$0x30];
	v52 =	vmul.f32 v42, v63;
	v13 =	vadd.f32 v57, v13;
	v12 =	vadd.f32 v59, v12  }
0xeb: {  	v53 =	vbroadcast v6, $0x8;
	v11 =	vadd.f32 v60, v11;
	v10 =	vadd.f32 v61, v10  }
0xec: {  	v58 =	vbroadcast v4, $0x8;
	v9 =	vadd.f32 v62, v9;
	v8 =	vadd.f32 v48, v8  }
0xed: {  	v39 =	vadd.f32 v50, v39;
	v55 =	vmul.f32 v46, v53;
	v57 =	vmul.f32 v42, v53  }
0xee: {  	v37 =	vadd.f32 v52, v37;
	v60 =	vmul.f32 v46, v58;
	v62 =	vmul.f32 v42, v58  }
0xef: {  	v35 =	vadd.f32 v55, v35;
	v51 =	vmul.f32 v49, v63;
	v54 =	vmul.f32 v47, v63  }
0xf0: {  	v33 =	vadd.f32 v57, v33;
	v56 =	vmul.f32 v49, v53;
	v59 =	vmul.f32 v47, v53  }
0xf1: {  	v31 =	vadd.f32 v60, v31;
	v61 =	vmul.f32 v49, v58;
	v63 =	vbroadcast v0, $0x8  }
0xf2: {  	v29 =	vadd.f32 v62, v29;
	v48 =	vmul.f32 v47, v58;
	v53 =	vbroadcast v1, $0x8  }
0xf3: {  	v58 =	vbroadcast v2, $0x8;
	v38 =	vadd.f32 v51, v38;
	v36 =	vadd.f32 v54, v36  }
0xf4: {  	v34 =	vadd.f32 v56, v34;
	v50 =	vmul.f32 v46, v63;
	v51 =	vmul.f32 v49, v63  }
0xf5: {  	v32 =	vadd.f32 v59, v32;
	v52 =	vmul.f32 v42, v63;
	v54 =	vmul.f32 v47, v63  }
0xf6: {  	v30 =	vadd.f32 v61, v30;
	v55 =	vmul.f32 v46, v53;
	v56 =	vmul.f32 v49, v53  }
0xf7: {  	v28 =	vadd.f32 v48, v28;
	v57 =	vmul.f32 v42, v53;
	v59 =	vmul.f32 v47, v53  }
0xf8: {  	v60 =	vmul.f32 v46, v58;
	v27 =	vadd.f32 v50, v27;
	v26 =	vadd.f32 v51, v26  }
0xf9: {  	v61 =	vmul.f32 v49, v58;
	v25 =	vadd.f32 v52, v25;
	v24 =	vadd.f32 v54, v24  }
0xfa: {  	v63 =	vbroadcast v3, $0x8;
	v23 =	vadd.f32 v55, v23;
	v22 =	vadd.f32 v56, v22  }
0xfb: {  	v62 =	vmul.f32 v42, v58;
	v21 =	vadd.f32 v57, v21;
	v20 =	vadd.f32 v59, v20  }
0xfc: {  	v45 =	vld [tilespmem:s25+$0x80];
	v19 =	vadd.f32 v60, v19;
	v51 =	vmul.f32 v47, v58;
	v52 =	vmul.f32 v46, v63  }
0xfd: {  	v43 =	vld [tilespmem:s25+$0xA0];
	v18 =	vadd.f32 v61, v18;
	v53 =	vmul.f32 v49, v63;
	v54 =	vmul.f32 v42, v63  }
0xfe: {  	v17 =	vadd.f32 v62, v17;
	v55 =	vbroadcast v5, $0x8;
	v56 =	vmul.f32 v47, v63  }
0xff: {  	v60 =	vbroadcast v7, $0x9;
	v16 =	vadd.f32 v51, v16;
	v15 =	vadd.f32 v52, v15  }
0x100: {  	v14 =	vadd.f32 v53, v14;
	v57 =	vmul.f32 v46, v55;
	v58 =	vmul.f32 v49, v55  }
0x101: {  	v13 =	vadd.f32 v54, v13;
	v59 =	vmul.f32 v42, v55;
	v61 =	vmul.f32 v47, v55  }
0x102: {  	v50 =	vld [tilespmem:s25+$0x90];
	v12 =	vadd.f32 v56, v12;
	v62 =	vmul.f32 v45, v60;
	v48 =	vmul.f32 v43, v60  }
0x103: {  	v49 =	vbroadcast v6, $0x9;
	v11 =	vadd.f32 v57, v11;
	v10 =	vadd.f32 v58, v10  }
0x104: {  	v46 =	vld [tilespmem:s25+$0xB0];
	v55 =	vbroadcast v4, $0x9;
	v9 =	vadd.f32 v59, v9;
	v8 =	vadd.f32 v61, v8  }
0x105: {  	v39 =	vadd.f32 v62, v39;
	v52 =	vmul.f32 v45, v49;
	v54 =	vmul.f32 v43, v49  }
0x106: {  	v37 =	vadd.f32 v48, v37;
	v57 =	vmul.f32 v45, v55;
	v59 =	vmul.f32 v43, v55  }
0x107: {  	v63 =	vmul.f32 v50, v60;
	v53 =	vmul.f32 v50, v49;
	v35 =	vadd.f32 v52, v35  }
0x108: {  	v58 =	vmul.f32 v50, v55;
	v33 =	vadd.f32 v54, v33;
	v31 =	vadd.f32 v57, v31  }
0x109: {  	v29 =	vadd.f32 v59, v29;
	v51 =	vmul.f32 v46, v60;
	v56 =	vmul.f32 v46, v49  }
0x10a: {  	v38 =	vadd.f32 v63, v38;
	v60 =	vbroadcast v0, $0x9;
	v61 =	vmul.f32 v46, v55  }
0x10b: {  	v34 =	vadd.f32 v53, v34;
	v49 =	vbroadcast v1, $0x9;
	v55 =	vbroadcast v2, $0x9  }
0x10c: {  	v30 =	vadd.f32 v58, v30;
	v62 =	vmul.f32 v45, v60;
	v63 =	vmul.f32 v50, v60  }
0x10d: {  	v36 =	vadd.f32 v51, v36;
	v48 =	vmul.f32 v43, v60;
	v51 =	vmul.f32 v46, v60  }
0x10e: {  	v32 =	vadd.f32 v56, v32;
	v52 =	vmul.f32 v45, v49;
	v53 =	vmul.f32 v50, v49  }
0x10f: {  	v28 =	vadd.f32 v61, v28;
	v54 =	vmul.f32 v43, v49;
	v56 =	vmul.f32 v46, v49  }
0x110: {  	v57 =	vmul.f32 v45, v55;
	v27 =	vadd.f32 v62, v27;
	v26 =	vadd.f32 v63, v26  }
0x111: {  	v58 =	vmul.f32 v50, v55;
	v25 =	vadd.f32 v48, v25;
	v24 =	vadd.f32 v51, v24  }
0x112: {  	v59 =	vmul.f32 v43, v55;
	v23 =	vadd.f32 v52, v23;
	v22 =	vadd.f32 v53, v22  }
0x113: {  	v60 =	vbroadcast v3, $0x9;
	v21 =	vadd.f32 v54, v21;
	v20 =	vadd.f32 v56, v20  }
0x114: {  	v47 =	vld [tilespmem:s25+$0x100];
	v61 =	vmul.f32 v46, v55;
	v19 =	vadd.f32 v57, v19;
	v18 =	vadd.f32 v58, v18  }
0x115: {  	v42 =	vld [tilespmem:s25+$0x120];
	v17 =	vadd.f32 v59, v17;
	v62 =	vmul.f32 v45, v60;
	v63 =	vmul.f32 v50, v60  }
0x116: {  	v16 =	vadd.f32 v61, v16;
	v52 =	vmul.f32 v43, v60;
	v53 =	vbroadcast v5, $0x9  }
0x117: {  	v49 =	vld [tilespmem:s25+$0x110];
	v54 =	vmul.f32 v46, v60;
	v58 =	vbroadcast v7, $0xA;
	v15 =	vadd.f32 v62, v15  }
0x118: {  	v14 =	vadd.f32 v63, v14;
	v55 =	vmul.f32 v45, v53;
	v56 =	vmul.f32 v50, v53  }
0x119: {  	v13 =	vadd.f32 v52, v13;
	v57 =	vmul.f32 v43, v53;
	v59 =	vmul.f32 v46, v53  }
0x11a: {  	v12 =	vadd.f32 v54, v12;
	v60 =	vmul.f32 v47, v58;
	v62 =	vmul.f32 v42, v58  }
0x11b: {  	v63 =	vbroadcast v6, $0xA;
	v53 =	vbroadcast v4, $0xA;
	v11 =	vadd.f32 v55, v11  }
0x11c: {  	v45 =	vld [tilespmem:s25+$0x130];
	v61 =	vmul.f32 v49, v58;
	v10 =	vadd.f32 v56, v10;
	v9 =	vadd.f32 v57, v9  }
0x11d: {  	v8 =	vadd.f32 v59, v8;
	v39 =	vadd.f32 v60, v39;
	v50 =	vmul.f32 v47, v63  }
0x11e: {  	v37 =	vadd.f32 v62, v37;
	v51 =	vmul.f32 v49, v63;
	v52 =	vmul.f32 v42, v63  }
0x11f: {  	v55 =	vmul.f32 v47, v53;
	v56 =	vmul.f32 v49, v53;
	v38 =	vadd.f32 v61, v38  }
0x120: {  	v57 =	vmul.f32 v42, v53;
	v35 =	vadd.f32 v50, v35;
	v34 =	vadd.f32 v51, v34  }
0x121: {  	v33 =	vadd.f32 v52, v33;
	v48 =	vmul.f32 v45, v58;
	v54 =	vmul.f32 v45, v63  }
0x122: {  	v31 =	vadd.f32 v55, v31;
	v58 =	vbroadcast v0, $0xA;
	v59 =	vmul.f32 v45, v53  }
0x123: {  	v30 =	vadd.f32 v56, v30;
	v63 =	vbroadcast v1, $0xA;
	v53 =	vbroadcast v2, $0xA  }
0x124: {  	v29 =	vadd.f32 v57, v29;
	v60 =	vmul.f32 v47, v58;
	v61 =	vmul.f32 v49, v58  }
0x125: {  	v36 =	vadd.f32 v48, v36;
	v62 =	vmul.f32 v42, v58;
	v48 =	vmul.f32 v45, v58  }
0x126: {  	v32 =	vadd.f32 v54, v32;
	v50 =	vmul.f32 v47, v63;
	v51 =	vmul.f32 v49, v63  }
0x127: {  	v28 =	vadd.f32 v59, v28;
	v52 =	vmul.f32 v42, v63;
	v54 =	vmul.f32 v45, v63  }
0x128: {  	v55 =	vmul.f32 v47, v53;
	v56 =	vmul.f32 v49, v53;
	v27 =	vadd.f32 v60, v27  }
0x129: {  	v57 =	vmul.f32 v42, v53;
	v26 =	vadd.f32 v61, v26;
	v25 =	vadd.f32 v62, v25  }
0x12a: {  	v58 =	vbroadcast v3, $0xA;
	v24 =	vadd.f32 v48, v24;
	v23 =	vadd.f32 v50, v23  }
0x12b: {  	v59 =	vmul.f32 v45, v53;
	v22 =	vadd.f32 v51, v22;
	v21 =	vadd.f32 v52, v21  }
0x12c: {  	v63 =	vbroadcast v5, $0xA;
	v20 =	vadd.f32 v54, v20;
	v19 =	vadd.f32 v55, v19  }
0x12d: {  	v18 =	vadd.f32 v56, v18;
	v60 =	vmul.f32 v47, v58;
	v61 =	vmul.f32 v49, v58  }
0x12e: {  	v46 =	vld [tilespmem:s25+$0x180];
	v17 =	vadd.f32 v57, v17;
	v62 =	vmul.f32 v42, v58;
	v52 =	vmul.f32 v45, v58  }
0x12f: {  	v43 =	vld [tilespmem:s25+$0x1A0];
	v16 =	vadd.f32 v59, v16;
	v53 =	vmul.f32 v47, v63;
	v54 =	vmul.f32 v49, v63  }
0x130: {  	v55 =	vmul.f32 v42, v63;
	v56 =	vbroadcast v7, $0xB;
	v15 =	vadd.f32 v60, v15  }
0x131: {  	v50 =	vld [tilespmem:s25+$0x190];
	v57 =	vmul.f32 v45, v63;
	v14 =	vadd.f32 v61, v14;
	v13 =	vadd.f32 v62, v13  }
0x132: {  	v47 =	vld [tilespmem:s25+$0x1B0];
	v51 =	vbroadcast v4, $0xB;
	v12 =	vadd.f32 v52, v12;
	v11 =	vadd.f32 v53, v11  }
0x133: {  	v10 =	vadd.f32 v54, v10;
	v58 =	vmul.f32 v46, v56;
	v61 =	vbroadcast v6, $0xB  }
0x134: {  	v9 =	vadd.f32 v55, v9;
	v60 =	vmul.f32 v43, v56;
	v53 =	vmul.f32 v46, v51  }
0x135: {  	v8 =	vadd.f32 v57, v8;
	v55 =	vmul.f32 v43, v51;
	v63 =	vmul.f32 v46, v61  }
0x136: {  	v39 =	vadd.f32 v58, v39;
	v49 =	vmul.f32 v43, v61;
	v59 =	vmul.f32 v50, v56  }
0x137: {  	v37 =	vadd.f32 v60, v37;
	v62 =	vmul.f32 v47, v56;
	v48 =	vmul.f32 v50, v61  }
0x138: {  	v31 =	vadd.f32 v53, v31;
	v52 =	vmul.f32 v47, v61;
	v54 =	vmul.f32 v50, v51  }
0x139: {  	v29 =	vadd.f32 v55, v29;
	v56 =	vbroadcast v0, $0xB;
	v57 =	vmul.f32 v47, v51  }
0x13a: {  	v61 =	vbroadcast v1, $0xB;
	v35 =	vadd.f32 v63, v35;
	v33 =	vadd.f32 v49, v33  }
0x13b: {  	v51 =	vbroadcast v2, $0xB;
	v38 =	vadd.f32 v59, v38;
	v36 =	vadd.f32 v62, v36  }
0x13c: {  	v34 =	vadd.f32 v48, v34;
	v58 =	vmul.f32 v46, v56;
	v59 =	vmul.f32 v50, v56  }
0x13d: {  	v32 =	vadd.f32 v52, v32;
	v60 =	vmul.f32 v43, v56;
	v62 =	vmul.f32 v47, v56  }
0x13e: {  	v30 =	vadd.f32 v54, v30;
	v63 =	vmul.f32 v46, v61;
	v48 =	vmul.f32 v50, v61  }
0x13f: {  	v28 =	vadd.f32 v57, v28;
	v49 =	vmul.f32 v43, v61;
	v52 =	vmul.f32 v47, v61  }
0x140: {  	v53 =	vmul.f32 v46, v51;
	v54 =	vmul.f32 v50, v51;
	v27 =	vadd.f32 v58, v27  }
0x141: {  	v55 =	vmul.f32 v43, v51;
	v26 =	vadd.f32 v59, v26;
	v25 =	vadd.f32 v60, v25  }
0x142: {  	v56 =	vbroadcast v3, $0xB;
	v24 =	vadd.f32 v62, v24;
	v23 =	vadd.f32 v63, v23  }
0x143: {  	v57 =	vmul.f32 v47, v51;
	v22 =	vadd.f32 v48, v22;
	v21 =	vadd.f32 v49, v21  }
0x144: {  	v61 =	vbroadcast v5, $0xB;
	v20 =	vadd.f32 v52, v20;
	v19 =	vadd.f32 v53, v19  }
0x145: {  	v45 =	vld [tilespmem:s25+$0x200];
	v18 =	vadd.f32 v54, v18;
	v58 =	vmul.f32 v46, v56;
	v59 =	vmul.f32 v50, v56  }
0x146: {  	v42 =	vld [tilespmem:s25+$0x220];
	v17 =	vadd.f32 v55, v17;
	v60 =	vmul.f32 v43, v56;
	v62 =	vmul.f32 v47, v56  }
0x147: {  	v16 =	vadd.f32 v57, v16;
	v63 =	vmul.f32 v46, v61;
	v51 =	vmul.f32 v50, v61  }
0x148: {  	v49 =	vld [tilespmem:s25+$0x210];
	v52 =	vmul.f32 v43, v61;
	v53 =	vbroadcast v7, $0xC;
	v15 =	vadd.f32 v58, v15  }
0x149: {  	v46 =	vld [tilespmem:s25+$0x230];
	v54 =	vmul.f32 v47, v61;
	v14 =	vadd.f32 v59, v14;
	v13 =	vadd.f32 v60, v13  }
0x14a: {  	v12 =	vadd.f32 v62, v12;
	v55 =	vmul.f32 v45, v53;
	v58 =	vbroadcast v6, $0xC  }
0x14b: {  	v11 =	vadd.f32 v63, v11;
	v57 =	vmul.f32 v42, v53;
	v63 =	vbroadcast v4, $0xC  }
0x14c: {  	v10 =	vadd.f32 v51, v10;
	v60 =	vmul.f32 v45, v58;
	v62 =	vmul.f32 v42, v58  }
0x14d: {  	v9 =	vadd.f32 v52, v9;
	v50 =	vmul.f32 v45, v63;
	v52 =	vmul.f32 v42, v63  }
0x14e: {  	v8 =	vadd.f32 v54, v8;
	v56 =	vmul.f32 v49, v53;
	v59 =	vmul.f32 v46, v53  }
0x14f: {  	v39 =	vadd.f32 v55, v39;
	v61 =	vmul.f32 v49, v58;
	v48 =	vmul.f32 v46, v58  }
0x150: {  	v37 =	vadd.f32 v57, v37;
	v51 =	vmul.f32 v49, v63;
	v53 =	vbroadcast v0, $0xC  }
0x151: {  	v54 =	vmul.f32 v46, v63;
	v58 =	vbroadcast v1, $0xC;
	v35 =	vadd.f32 v60, v35  }
0x152: {  	v63 =	vbroadcast v2, $0xC;
	v33 =	vadd.f32 v62, v33;
	v31 =	vadd.f32 v50, v31  }
0x153: {  	v29 =	vadd.f32 v52, v29;
	v38 =	vadd.f32 v56, v38;
	v55 =	vmul.f32 v45, v53  }
0x154: {  	v36 =	vadd.f32 v59, v36;
	v56 =	vmul.f32 v49, v53;
	v57 =	vmul.f32 v42, v53  }
0x155: {  	v34 =	vadd.f32 v61, v34;
	v59 =	vmul.f32 v46, v53;
	v60 =	vmul.f32 v45, v58  }
0x156: {  	v32 =	vadd.f32 v48, v32;
	v61 =	vmul.f32 v49, v58;
	v62 =	vmul.f32 v42, v58  }
0x157: {  	v30 =	vadd.f32 v51, v30;
	v48 =	vmul.f32 v46, v58;
	v50 =	vmul.f32 v45, v63  }
0x158: {  	v28 =	vadd.f32 v54, v28;
	v51 =	vmul.f32 v49, v63;
	v52 =	vmul.f32 v42, v63  }
0x159: {  	v53 =	vbroadcast v3, $0xC;
	v27 =	vadd.f32 v55, v27;
	v26 =	vadd.f32 v56, v26  }
0x15a: {  	v54 =	vmul.f32 v46, v63;
	v25 =	vadd.f32 v57, v25;
	v24 =	vadd.f32 v59, v24  }
0x15b: {  	v58 =	vbroadcast v5, $0xC;
	v23 =	vadd.f32 v60, v23;
	v22 =	vadd.f32 v61, v22  }
0x15c: {  	v47 =	vld [tilespmem:s25+$0x280];
	v63 =	vbroadcast v7, $0xD;
	v21 =	vadd.f32 v62, v21;
	v20 =	vadd.f32 v48, v20  }
0x15d: {  	v43 =	vld [tilespmem:s25+$0x2A0];
	v19 =	vadd.f32 v50, v19;
	v55 =	vmul.f32 v45, v53;
	v56 =	vmul.f32 v49, v53  }
0x15e: {  	v18 =	vadd.f32 v51, v18;
	v57 =	vmul.f32 v42, v53;
	v59 =	vmul.f32 v46, v53  }
0x15f: {  	v17 =	vadd.f32 v52, v17;
	v60 =	vmul.f32 v45, v58;
	v61 =	vmul.f32 v49, v58  }
0x160: {  	v16 =	vadd.f32 v54, v16;
	v62 =	vmul.f32 v42, v58;
	v48 =	vmul.f32 v46, v58  }
0x161: {  	v50 =	vld [tilespmem:s25+$0x290];
	v49 =	vmul.f32 v47, v63;
	v15 =	vadd.f32 v55, v15;
	v14 =	vadd.f32 v56, v14  }
0x162: {  	v45 =	vld [tilespmem:s25+$0x2B0];
	v52 =	vmul.f32 v43, v63;
	v13 =	vadd.f32 v57, v13;
	v12 =	vadd.f32 v59, v12  }
0x163: {  	v53 =	vbroadcast v6, $0xD;
	v11 =	vadd.f32 v60, v11;
	v10 =	vadd.f32 v61, v10  }
0x164: {  	v58 =	vbroadcast v4, $0xD;
	v9 =	vadd.f32 v62, v9;
	v8 =	vadd.f32 v48, v8  }
0x165: {  	v39 =	vadd.f32 v49, v39;
	v55 =	vmul.f32 v47, v53;
	v57 =	vmul.f32 v43, v53  }
0x166: {  	v37 =	vadd.f32 v52, v37;
	v60 =	vmul.f32 v47, v58;
	v62 =	vmul.f32 v43, v58  }
0x167: {  	v35 =	vadd.f32 v55, v35;
	v51 =	vmul.f32 v50, v63;
	v54 =	vmul.f32 v45, v63  }
0x168: {  	v33 =	vadd.f32 v57, v33;
	v56 =	vmul.f32 v50, v53;
	v59 =	vmul.f32 v45, v53  }
0x169: {  	v31 =	vadd.f32 v60, v31;
	v61 =	vmul.f32 v50, v58;
	v63 =	vbroadcast v0, $0xD  }
0x16a: {  	v29 =	vadd.f32 v62, v29;
	v48 =	vmul.f32 v45, v58;
	v53 =	vbroadcast v1, $0xD  }
0x16b: {  	v58 =	vbroadcast v2, $0xD;
	v38 =	vadd.f32 v51, v38;
	v36 =	vadd.f32 v54, v36  }
0x16c: {  	v34 =	vadd.f32 v56, v34;
	v49 =	vmul.f32 v47, v63;
	v51 =	vmul.f32 v50, v63  }
0x16d: {  	v32 =	vadd.f32 v59, v32;
	v52 =	vmul.f32 v43, v63;
	v54 =	vmul.f32 v45, v63  }
0x16e: {  	v30 =	vadd.f32 v61, v30;
	v55 =	vmul.f32 v47, v53;
	v56 =	vmul.f32 v50, v53  }
0x16f: {  	v28 =	vadd.f32 v48, v28;
	v57 =	vmul.f32 v43, v53;
	v59 =	vmul.f32 v45, v53  }
0x170: {  	v60 =	vmul.f32 v47, v58;
	v27 =	vadd.f32 v49, v27;
	v26 =	vadd.f32 v51, v26  }
0x171: {  	v61 =	vmul.f32 v50, v58;
	v25 =	vadd.f32 v52, v25;
	v24 =	vadd.f32 v54, v24  }
0x172: {  	v63 =	vbroadcast v3, $0xD;
	v23 =	vadd.f32 v55, v23;
	v22 =	vadd.f32 v56, v22  }
0x173: {  	v62 =	vmul.f32 v43, v58;
	v21 =	vadd.f32 v57, v21;
	v20 =	vadd.f32 v59, v20  }
0x174: {  	v46 =	vld [tilespmem:s25+$0x300];
	v19 =	vadd.f32 v60, v19;
	v51 =	vmul.f32 v45, v58;
	v52 =	vmul.f32 v47, v63  }
0x175: {  	v42 =	vld [tilespmem:s25+$0x320];
	v18 =	vadd.f32 v61, v18;
	v53 =	vmul.f32 v50, v63;
	v54 =	vmul.f32 v43, v63  }
0x176: {  	v17 =	vadd.f32 v62, v17;
	v55 =	vbroadcast v5, $0xD;
	v56 =	vmul.f32 v45, v63  }
0x177: {  	v60 =	vbroadcast v7, $0xE;
	v7 =	vbroadcast v7, $0xF;
	v16 =	vadd.f32 v51, v16  }
0x178: {  	v15 =	vadd.f32 v52, v15;
	v57 =	vmul.f32 v47, v55;
	v58 =	vmul.f32 v50, v55  }
0x179: {  	v14 =	vadd.f32 v53, v14;
	v59 =	vmul.f32 v43, v55;
	v61 =	vmul.f32 v45, v55  }
0x17a: {  	v49 =	vld [tilespmem:s25+$0x310];
	v13 =	vadd.f32 v54, v13;
	v62 =	vmul.f32 v46, v60;
	v48 =	vmul.f32 v42, v60  }
0x17b: {  	v12 =	vadd.f32 v56, v12;
	v50 =	vbroadcast v6, $0xE;
	v55 =	vbroadcast v4, $0xE  }
0x17c: {  	v47 =	vld [tilespmem:s25+$0x330];
	v6 =	vbroadcast v6, $0xF;
	v4 =	vbroadcast v4, $0xF;
	v11 =	vadd.f32 v57, v11  }
0x17d: {  	v10 =	vadd.f32 v58, v10;
	v9 =	vadd.f32 v59, v9;
	v52 =	vmul.f32 v46, v50  }
0x17e: {  	v8 =	vadd.f32 v61, v8;
	v54 =	vmul.f32 v42, v50;
	v57 =	vmul.f32 v46, v55  }
0x17f: {  	v39 =	vadd.f32 v62, v39;
	v59 =	vmul.f32 v42, v55;
	v63 =	vmul.f32 v49, v60  }
0x180: {  	v37 =	vadd.f32 v48, v37;
	v53 =	vmul.f32 v49, v50;
	v58 =	vmul.f32 v49, v55  }
0x181: {  	v35 =	vadd.f32 v52, v35;
	v33 =	vadd.f32 v54, v33;
	v51 =	vmul.f32 v47, v60  }
0x182: {  	v31 =	vadd.f32 v57, v31;
	v56 =	vmul.f32 v47, v50;
	v60 =	vbroadcast v0, $0xE  }
0x183: {  	v29 =	vadd.f32 v59, v29;
	v61 =	vmul.f32 v47, v55;
	v50 =	vbroadcast v1, $0xE  }
0x184: {  	v38 =	vadd.f32 v63, v38;
	v55 =	vbroadcast v2, $0xE;
	v0 =	vbroadcast v0, $0xF  }
0x185: {  	v34 =	vadd.f32 v53, v34;
	v1 =	vbroadcast v1, $0xF;
	v2 =	vbroadcast v2, $0xF  }
0x186: {  	v30 =	vadd.f32 v58, v30;
	v62 =	vmul.f32 v46, v60;
	v63 =	vmul.f32 v49, v60  }
0x187: {  	v36 =	vadd.f32 v51, v36;
	v48 =	vmul.f32 v42, v60;
	v51 =	vmul.f32 v47, v60  }
0x188: {  	v32 =	vadd.f32 v56, v32;
	v52 =	vmul.f32 v46, v50;
	v53 =	vmul.f32 v49, v50  }
0x189: {  	v28 =	vadd.f32 v61, v28;
	v54 =	vmul.f32 v42, v50;
	v56 =	vmul.f32 v47, v50  }
0x18a: {  	v57 =	vmul.f32 v46, v55;
	v58 =	vmul.f32 v49, v55;
	v27 =	vadd.f32 v62, v27  }
0x18b: {  	v59 =	vmul.f32 v42, v55;
	v26 =	vadd.f32 v63, v26;
	v25 =	vadd.f32 v48, v25  }
0x18c: {  	v45 =	vld [tilespmem:s25+$0x380];
	v60 =	vbroadcast v3, $0xE;
	v24 =	vadd.f32 v51, v24;
	v23 =	vadd.f32 v52, v23  }
0x18d: {  	v43 =	vld [tilespmem:s25+$0x3A0];
	v61 =	vmul.f32 v47, v55;
	v22 =	vadd.f32 v53, v22;
	v21 =	vadd.f32 v54, v21  }
0x18e: {  	v3 =	vbroadcast v3, $0xF;
	v20 =	vadd.f32 v56, v20;
	v19 =	vadd.f32 v57, v19  }
0x18f: {  	v18 =	vadd.f32 v58, v18;
	v62 =	vmul.f32 v46, v60;
	v63 =	vmul.f32 v49, v60  }
0x190: {  	v17 =	vadd.f32 v59, v17;
	v52 =	vmul.f32 v42, v60;
	v53 =	vbroadcast v5, $0xE  }
0x191: {  	v16 =	vadd.f32 v61, v16;
	v54 =	vmul.f32 v47, v60;
	v59 =	vmul.f32 v45, v7  }
0x192: {  	v61 =	vmul.f32 v43, v7;
	v48 =	vmul.f32 v45, v1;
	v15 =	vadd.f32 v62, v15  }
0x193: {  	v50 =	vld [tilespmem:s25+$0x390];
	v51 =	vmul.f32 v45, v2;
	v14 =	vadd.f32 v63, v14;
	v13 =	vadd.f32 v52, v13  }
0x194: {  	v55 =	vmul.f32 v46, v53;
	v56 =	vmul.f32 v49, v53;
	v12 =	vadd.f32 v54, v12  }
0x195: {  	v57 =	vmul.f32 v42, v53;
	v58 =	vmul.f32 v47, v53;
	v39 =	vadd.f32 v59, v39  }
0x196: {  	v37 =	vadd.f32 v61, v37;
	v62 =	vmul.f32 v45, v6;
	v47 =	vmul.f32 v43, v0  }
0x197: {  	v49 =	vmul.f32 v43, v1;
	v23 =	vadd.f32 v48, v23;
	v53 =	vmul.f32 v43, v2  }
0x198: {  	v19 =	vadd.f32 v51, v19;
	v60 =	vmul.f32 v50, v7;
	v11 =	vadd.f32 v55, v11  }
0x199: {  	v63 =	vmul.f32 v50, v6;
	v10 =	vadd.f32 v56, v10;
	v9 =	vadd.f32 v57, v9  }
0x19a: {  	v44 =	vmul.f32 v50, v4;
	v8 =	vadd.f32 v58, v8;
	v35 =	vadd.f32 v62, v35  }
0x19b: {  	v46 =	vld [tilespmem:s25+$0x3B0];
	v52 =	vmul.f32 v50, v2;
	v25 =	vadd.f32 v47, v25;
	v21 =	vadd.f32 v49, v21  }
0x19c: {  	v17 =	vadd.f32 v53, v17;
	v55 =	vmul.f32 v45, v3;
	v56 =	vmul.f32 v50, v3  }
0x19d: {  	v58 =	vbroadcast v5, $0xF;
	v38 =	vadd.f32 v60, v38;
	v34 =	vadd.f32 v63, v34  }
0x19e: {  	v57 =	vmul.f32 v43, v3;
	v30 =	vadd.f32 v44, v30;
	v18 =	vadd.f32 v52, v18  }
0x19f: {  	v15 =	vadd.f32 v55, v15;
	v60 =	vmul.f32 v45, v58;
	v61 =	vmul.f32 v50, v58  }
0x1a0: {  	v14 =	vadd.f32 v56, v14;
	v62 =	vmul.f32 v43, v58;
	v7 =	vmul.f32 v46, v7  }
0x1a1: {  	v13 =	vadd.f32 v57, v13;
	v54 =	vmul.f32 v46, v2;
	v59 =	vmul.f32 v46, v3  }
0x1a2: {  	v11 =	vadd.f32 v60, v11;
	v36 =	vadd.f32 v7, v36;
	v7 =	vmul.f32 v43, v6  }
0x1a3: {  	v10 =	vadd.f32 v61, v10;
	v9 =	vadd.f32 v62, v9;
	v6 =	vmul.f32 v46, v6  }
0x1a4: {  	v63 =	vmul.f32 v46, v58;
	v16 =	vadd.f32 v54, v16;
	v33 =	vadd.f32 v7, v33  }
0x1a5: {  	v7 =	vmul.f32 v45, v4;
	v32 =	vadd.f32 v6, v32;
	v6 =	vmul.f32 v43, v4  }
0x1a6: {  	p1 =	sne.s32 s26, $0xC0;
	v12 =	vadd.f32 v59, v12;
	v8 =	vadd.f32 v63, v8;
	v4 =	vmul.f32 v46, v4  }
.Ltmp0:
0x1a7: {  	v31 =	vadd.f32 v7, v31;
	v29 =	vadd.f32 v6, v29;
	v6 =	vmul.f32 v45, v0;
	(pc) =	sbr.rel @p1 .LBB2_4-.Ltmp0, $4  }
0x1a8: {  	v7 =	vmul.f32 v50, v0;
	v28 =	vadd.f32 v4, v28;
	v0 =	vmul.f32 v46, v0  }
0x1a9: {  	v27 =	vadd.f32 v6, v27;
	v6 =	vmul.f32 v50, v1;
	v1 =	vmul.f32 v46, v1  }
0x1aa: {  	v26 =	vadd.f32 v7, v26;
	v24 =	vadd.f32 v0, v24  }
0x1ab: {  	s26 =	sadd.s32 $0x40, s26;
	s25 =	sadd.s32 $0x2000, s25;
	v22 =	vadd.f32 v6, v22;
	v20 =	vadd.f32 v1, v20  }
0x1ac: {  	s24 =	sadd.s32 $0x8400, s24  }
0x1ad: {  	s25 =	sadd.s32 s20, s24  }
0x1ae: {  	[tilespmem:s25+$0x0] =	vst v39  }
0x1af: {  	[tilespmem:s25+$0x80] =	vst v35  }
0x1b0: {  	[tilespmem:s25+$0x100] =	vst v31  }
0x1b1: {  	s26 =	sadd.s32 s22, s24;
	[tilespmem:s25+$0x180] =	vst v27  }
0x1b2: {  	[tilespmem:s26+$0x0] =	vst v38  }
0x1b3: {  	[tilespmem:s26+$0x80] =	vst v34  }
0x1b4: {  	[tilespmem:s26+$0x100] =	vst v30  }
0x1b5: {  	s28 =	sadd.s32 s23, s24;
	[tilespmem:s26+$0x180] =	vst v26  }
0x1b6: {  	[tilespmem:s28+$0x0] =	vst v37  }
0x1b7: {  	[tilespmem:s28+$0x80] =	vst v33  }
0x1b8: {  	[tilespmem:s28+$0x100] =	vst v29  }
0x1b9: {  	s24 =	sadd.s32 s21, s24;
	[tilespmem:s28+$0x180] =	vst v25  }
0x1ba: {  	[tilespmem:s24+$0x0] =	vst v36  }
0x1bb: {  	[tilespmem:s24+$0x80] =	vst v32  }
0x1bc: {  	s20 =	sor.u32 s19, s20;
	[tilespmem:s24+$0x100] =	vst v28  }
0x1bd: {  	s22 =	sor.u32 s19, s22;
	s30 =	sor.u32 $0x200, s20;
	[tilespmem:s24+$0x180] =	vst v24  }
0x1be: {  	s23 =	sor.u32 s19, s23;
	s31 =	sor.u32 $0x200, s22;
	[tilespmem:s30+$0x8400] =	vst v23  }
0x1bf: {  	s21 =	sor.u32 s19, s21;
	s25 =	sor.u32 $0x200, s23;
	[tilespmem:s31+$0x8400] =	vst v22  }
0x1c0: {  	s26 =	sor.u32 $0x200, s21;
	[tilespmem:s25+$0x8400] =	vst v21  }
0x1c1: {  	s28 =	sor.u32 $0x280, s20;
	[tilespmem:s26+$0x8400] =	vst v20  }
0x1c2: {  	s29 =	sor.u32 $0x280, s22;
	[tilespmem:s28+$0x8400] =	vst v19  }
0x1c3: {  	s30 =	sor.u32 $0x280, s23;
	[tilespmem:s29+$0x8400] =	vst v18  }
0x1c4: {  	s31 =	sor.u32 $0x280, s21;
	[tilespmem:s30+$0x8400] =	vst v17  }
0x1c5: {  	s20 =	sor.u32 $0x300, s20;
	[tilespmem:s31+$0x8400] =	vst v16  }
0x1c6: {  	s25 =	sor.u32 $0x300, s22;
	[tilespmem:s20+$0x8400] =	vst v15  }
0x1c7: {  	s17 =	sadd.s32 $0x1, s17;
	s26 =	sor.u32 $0x300, s23;
	[tilespmem:s25+$0x8400] =	vst v14  }
0x1c8: {  	s18 =	sor.u32 s19, s18;
	p1 =	sne.s32 s17, $0x8;
	s28 =	sor.u32 $0x300, s21;
	[tilespmem:s26+$0x8400] =	vst v13  }
.Ltmp1:
0x1c9: {  	s18 =	sor.u32 $0x380, s18;
	[tilespmem:s28+$0x8400] =	vst v12;
	(pc) =	sbr.rel @p1 .LBB2_3-.Ltmp1, $4  }
0x1ca: {  	s29 =	sor.u32 $0x380, s22;
	[tilespmem:s18+$0x8400] =	vst v11  }
0x1cb: {  	s30 =	sor.u32 $0x380, s23;
	[tilespmem:s29+$0x8400] =	vst v10  }
0x1cc: {  	s31 =	sor.u32 $0x380, s21;
	[tilespmem:s30+$0x8400] =	vst v9  }
0x1cd: {  	s16 =	sadd.s32 $0x200, s16;
	p0 =	por !p0, !p0;
	[tilespmem:s31+$0x8400] =	vst v8  }
0x1ce: {  	s14 =	sadd.s32 $0x1, s14  }
0x1cf: {  	p0 =	sne.s32 s14, $0x10  }
.Ltmp2:
0x1d0: {  	s15 =	sadd.s32 s5, s15;
	(pc) =	sbr.rel @p0 .LBB2_2-.Ltmp2, $4  }
0x1d1: {  	[hbm4b:s15+s3] =	stream.linear.scatter [tilespmem:s12], [sflag:$0x1], $0x1000, $0x38;
	[tilespmem:$0x9400] =	vst v63  }
0x1d2: {  	_ =	swait.ge [sflag:s8], $0x1000  }
0x1d3: {  	[sflag:s8] =	ssyncset.done $0x0  }
0x1d4: {  	[sflag:s8] =	ssyncadd.s32 $0xFFFFF000  }
0x1d5: {  	s13 =	sadd.s32 $0x1, s13  }
0x1d6: {  	p0 =	sne.s32 s13, s7  }
.Ltmp3:
0x1d7: {  	_ = 	snop;
	(pc) =	sbr.rel @p0 .LBB2_1-.Ltmp3, $1  }
0x1d8: {  	_ =	sdelay $0x3  }
0x1d9: {  	_ =	sfence.sel $0x180000  }
0x1da: {  	[bflag:$0x0] =	sbarrier.arrive $0xFFFF  }
0x1db: {  	p0 =	sne.s32 s4, $0x0;
	_ =	strace $0x90000047  }
0x1dc: {  	s0 =	sadd.s32 @!p0 $0x100000, s0;
	[bflag:$0x2] =	sbarrier.arrive $0xFFFF  }
0x1dd: {  	[sflag:s0] =	ssyncadd.tile.s32 @!p0 $0x1;
	_ =	shalt  }
.Lfunc_end2:
_tile_overlayer_lowered:
.L_overlay_start_2:
0x1de: {  	(tag) =	ssettag $0x2  }
0x1df: {  	s0 =	rddreg [dreg:$0x0];
	s2 =	stileid.u32  }
0x1e0: {  	s1 =	rddreg [dreg:$0x1];
	p0 =	sne.s32 s2, $0x0  }
0x1e1: {  	s3 =	rddreg [dreg:$0x2];
	[bflag:$0x3] =	sbarrier.arrive $0xFFFF;
	s2 =	simm.s32 @!p0 $0x1C01  }
0x1e2: {  	[timem:s3], [sflag:s2] =	dma.local @!p0 [hbm:s0], s1  }
0x1e3: {  	s0 =	simm.s32 @!p0 $0x1  }
0x1e4: {  	_ =	swait.ge @!p0 [sflag:s0], s1  }
0x1e5: {  	s1 =	ssub.s32 @!p0 $0x0, s1;
	[sflag:s0] =	ssyncset.done @!p0 $0x0  }
0x1e6: {  	[sflag:s0] =	ssyncadd.s32 @!p0 s1  }
0x1e7: {  	[bflag:$0x3] =	sbarrier.arrive $0xFFFF  }
0x1e8: {  	_ =	shalt  }

</sc_bundles>
